<compile_context>
chip_gen: v7x
topology: tpu7x:2x2x1
jax: 0.10.2.dev20260603
libtpu: 0.0.44.dev20260713+nightly
codegen_flags: <defaults>
</compile_context>

<pallas_src>
import functools

import numpy as np
import jax
import jax.numpy as jnp
from jax import lax
from jax.experimental import pallas as pl
from jax.experimental.pallas import tpu as pltpu
from jax.experimental.pallas import tpu_sc as plsc

M = 512
N = 64
P = 16384
CF = 130
NPTS = 512
FG = 32
BG = 32
R = 64
TWO_PI = float(2 * np.pi)



def _iou_terms(rx, ry_, rz, rh, rw, rl, gx, gy, gz, gh, gw, gl):
    ix1 = jnp.maximum(rx - rl / 2, gx - gl / 2)
    ix2 = jnp.minimum(rx + rl / 2, gx + gl / 2)
    iz1 = jnp.maximum(rz - rw / 2, gz - gw / 2)
    iz2 = jnp.minimum(rz + rw / 2, gz + gw / 2)
    iy1 = jnp.maximum(ry_ - rh, gy - gh)
    iy2 = jnp.minimum(ry_, gy)
    inter = (jnp.clip(ix2 - ix1, 0.0) * jnp.clip(iz2 - iz1, 0.0)
             * jnp.clip(iy2 - iy1, 0.0))
    vol_r = rh * rw * rl
    vol_g = gh * gw * gl
    return inter / jnp.maximum(vol_r + vol_g - inter, 1e-6)


def _select_body(rois_ref, rois_t_ref, gts_ref, rois_out_ref, gt_out_ref,
                 prm_ref):
    r = rois_ref[0]
    rT = rois_t_ref[0]
    g = gts_ref[0]

    def gcol(c):
        return lax.broadcast_in_dim(g[:, c], (M, N), (1,))

    iou = _iou_terms(*[r[:, c:c + 1] for c in range(6)],
                     *[gcol(c) for c in range(6)])
    iouT = _iou_terms(*[rT[c:c + 1] for c in range(6)],
                      *[g[:, c:c + 1] for c in range(6)])

    max_ov = jnp.max(iou, axis=1, keepdims=True)
    maxT = jnp.max(iouT, axis=0, keepdims=True)
    jN = lax.broadcasted_iota(jnp.int32, (M, N), 1)
    gt_asg = jnp.min(jnp.where(iou == max_ov, jN, N), axis=1, keepdims=True)

    vT = jnp.broadcast_to(maxT, (M, M))
    iI = lax.broadcasted_iota(jnp.int32, (M, M), 0)
    jJ = lax.broadcasted_iota(jnp.int32, (M, M), 1)
    before = (vT > max_ov) | ((vT == max_ov) & (jJ < iI))
    rank = jnp.sum(before.astype(jnp.int32), axis=1, keepdims=True)

    slot = jnp.where(rank < FG, rank,
                     jnp.where(rank >= M - BG, rank - (M - R), -1))
    sT = lax.broadcasted_iota(jnp.int32, (M, R), 1)
    O = (slot == sT).astype(jnp.float32)

    dn = (((0,), (0,)), ((), ()))
    hp = lax.Precision.HIGHEST
    rois_sel = lax.dot_general(r, O, dn, precision=hp)
    rois_out_ref[0] = rois_sel

    jNg = lax.broadcasted_iota(jnp.int32, (M, N), 1)
    OG = (gt_asg == jNg).astype(jnp.float32)
    gpick = jnp.dot(OG, g, precision=hp)
    gt_sel = lax.dot_general(gpick, O, dn, precision=hp)
    iou_sel = lax.dot_general(max_ov, O, dn, precision=hp)

    rsel = [rois_sel[c:c + 1] for c in range(7)]
    gsel = [gt_sel[c:c + 1] for c in range(7)]
    cx, cy, cz, h, w, l, ry = rsel
    rym = jnp.mod(ry, TWO_PI)
    cosr = jnp.cos(ry)
    sinr = jnp.sin(ry)
    cosm = jnp.cos(rym)
    sinm = jnp.sin(rym)

    gxl = gsel[0] - cx
    gyl = gsel[1] - cy
    gzl = gsel[2] - cz
    gxn = cosm * gxl - sinm * gzl
    gzn = sinm * gxl + cosm * gzl
    gt_ry_o = gsel[6] - rym
    gt_out_ref[0] = jnp.concatenate(
        [gxn, gyl, gzn, gsel[3], gsel[4], gsel[5], gt_ry_o,
         jnp.zeros((1, R), jnp.float32)], axis=0)

    invalid = (iou_sel > 0.45) & (iou_sel < 0.6)
    clsv = jnp.where(invalid, -1.0, (iou_sel > 0.6).astype(jnp.float32))
    regv = (iou_sel > 0.55).astype(jnp.float32)
    xlim = l / 2 + 1.0
    zlim = w / 2 + 1.0
    ylo = -h - 1.0
    pad = jnp.zeros((5, R), jnp.float32)
    prm_ref[0] = jnp.concatenate(
        [cx, cy, cz, cosr, sinr, xlim, zlim, ylo, clsv, regv, iou_sel, pad],
        axis=0)


def _stage1(rois_p, rois_t, gts_p):
    B = rois_p.shape[0]
    return pl.pallas_call(
        _select_body,
        grid=(B,),
        in_specs=[
            pl.BlockSpec((1, M, 8), lambda b: (b, 0, 0)),
            pl.BlockSpec((1, 8, M), lambda b: (b, 0, 0)),
            pl.BlockSpec((1, N, 8), lambda b: (b, 0, 0)),
        ],
        out_specs=[
            pl.BlockSpec((1, 8, R), lambda b: (b, 0, 0)),
            pl.BlockSpec((1, 8, R), lambda b: (b, 0, 0)),
            pl.BlockSpec((1, 16, R), lambda b: (b, 0, 0)),
        ],
        out_shape=[
            jax.ShapeDtypeStruct((B, 8, R), jnp.float32),
            jax.ShapeDtypeStruct((B, 8, R), jnp.float32),
            jax.ShapeDtypeStruct((B, 16, R), jnp.float32),
        ],
    )(rois_p, rois_t, gts_p)



_info = plsc.get_sparse_core_info()
_NC, _NS, _L = _info.num_cores, _info.num_subcores, _info.num_lanes
_NW = _NC * _NS
_RPW = (4 * R) // _NW
_WPB = R // _RPW
_NSTEP = P // 16
_NCH = NPTS // 128


def _pool_body(xyzT, depth, seg, table, prm_hbm,
               pts_out, feat_out, sd_out, lab_out,
               Xb, Yb, Zb, Db, Sb, bufA, bufB, idxb, ptst, sdst, fst, prmv,
               labacc, sem1, sem2, sem3):
    wid = lax.axis_index("s") * _NC + lax.axis_index("c")
    b = wid // _WPB
    grp = wid % _WPB
    bP = b * P

    pltpu.sync_copy(xyzT.at[pl.ds((b * 3 + 0) * P, P)], Xb)
    pltpu.sync_copy(xyzT.at[pl.ds((b * 3 + 1) * P, P)], Yb)
    pltpu.sync_copy(xyzT.at[pl.ds((b * 3 + 2) * P, P)], Zb)
    pltpu.sync_copy(depth.at[pl.ds(bP, P)], Db)
    pltpu.sync_copy(seg.at[pl.ds(bP, P)], Sb)
    pltpu.sync_copy(prm_hbm.at[pl.ds(wid * 128, 128)], prmv)

    lanes = lax.iota(jnp.int32, 16)

    def roi_body(k, carry):
        rb = grp * _RPW + k
        gidx = b * R + rb
        pv = prmv[pl.ds(k * 16, 16)]

        def getp(j):
            return jnp.sum(jnp.where(lanes == j, pv, 0.0))

        cx = getp(0)
        cy = getp(1)
        cz = getp(2)
        cosr = getp(3)
        sinr = getp(4)
        xlim = getp(5)
        zlim = getp(6)
        ylo = getp(7)
        clsv = getp(8)
        regv = getp(9)
        aco = jnp.abs(cosr)
        asi = jnp.abs(sinr)
        xb = xlim * aco + zlim * asi
        zb = xlim * asi + zlim * aco

        @plsc.parallel_loop(0, P, step=16, unroll=16, carry=jnp.int32(0))
        def n(base, offA):
            xv = Xb[pl.ds(base, 16)]
            yv = Yb[pl.ds(base, 16)]
            zv = Zb[pl.ds(base, 16)]
            lx = xv - cx
            ly = yv - cy
            lz = zv - cz
            xn = cosr * lx - sinr * lz
            zn = sinr * lx + cosr * lz
            m = ((jnp.abs(xn) < xlim) & (jnp.abs(zn) < zlim)
                 & (ly > ylo) & (ly < 1.0))
            pidx = base + lanes
            plsc.store_compressed(bufA.at[pl.ds(jnp.minimum(offA, NPTS), 16)],
                                  pidx, mask=m)
            offB = jnp.minimum(base - offA, NPTS)
            plsc.store_compressed(bufB.at[pl.ds(offB, 16)], pidx,
                                  mask=jnp.logical_not(m))
            return offA + jnp.sum(m.astype(jnp.int32))

        nsel = jnp.minimum(n, NPTS)

        zeros16 = jnp.zeros((16,), jnp.int32)

        @plsc.parallel_loop(0, NPTS, step=16, unroll=8)
        def _build(p0):
            p = p0 + lanes
            av = plsc.load_gather(bufA, [p])
            bv = plsc.load_gather(bufB, [jnp.maximum(p - nsel, 0)])
            iv = jnp.where(p < nsel, av, bv)
            idxb[pl.ds(p0, 16)] = iv + bP
            gx = plsc.load_gather(Xb, [iv])
            gy = plsc.load_gather(Yb, [iv])
            gz = plsc.load_gather(Zb, [iv])
            sv = plsc.load_gather(Sb, [iv])
            dv = plsc.load_gather(Db, [iv])
            lx = gx - cx
            lyy = gy - cy
            lz = gz - cz
            xn = cosr * lx - sinr * lz
            zn = sinr * lx + cosr * lz
            p3 = p * 3
            plsc.store_scatter(ptst, [p3], xn)
            plsc.store_scatter(ptst, [p3 + 1], lyy)
            plsc.store_scatter(ptst, [p3 + 2], zn)
            p2 = p * 2
            plsc.store_scatter(sdst, [p2], sv)
            plsc.store_scatter(sdst, [p2 + 1], dv / 70.0 - 0.5)
        cp_p = pltpu.async_copy(
            ptst, pts_out.at[pl.ds(gidx * (NPTS * 3), NPTS * 3)], sem3)
        cp_s = pltpu.async_copy(
            sdst, sd_out.at[pl.ds(gidx * (NPTS * 2), NPTS * 2)], sem3)

        def gather(ch, sb):
            return pltpu.async_copy(table.at[idxb.at[pl.ds(ch * 128, 128)]],
                                    fst.at[pl.ds(sb * 128, 128)], sem1)

        def putout(ch, sb):
            return pltpu.async_copy(
                fst.at[pl.ds(sb * 128, 128)],
                feat_out.at[pl.ds(gidx * NPTS + ch * 128, 128)], sem2)

        g0 = gather(0, 0)
        g0.wait()
        c0 = putout(0, 0)
        g1 = gather(1, 1)
        g1.wait()
        c1 = putout(1, 1)
        c0.wait()
        g2 = gather(2, 0)
        g2.wait()
        c2 = putout(2, 0)
        c1.wait()
        g3 = gather(3, 1)
        g3.wait()
        c3 = putout(3, 1)
        c2.wait()
        c3.wait()
        cp_p.wait()
        cp_s.wait()

        valid = n > 0
        cls_i = jnp.where(valid, clsv.astype(jnp.int32), -1)
        reg_i = jnp.where(valid, regv.astype(jnp.int32), 0)
        lane0 = lanes == 0
        plsc.store_scatter(labacc, [zeros16 + k],
                           jnp.broadcast_to(cls_i, (16,)), mask=lane0)
        plsc.store_scatter(labacc, [zeros16 + (k + _RPW)],
                           jnp.broadcast_to(reg_i, (16,)), mask=lane0)
        return carry

    lax.fori_loop(0, _RPW, roi_body, jnp.int32(0))
    pltpu.sync_copy(labacc, lab_out.at[pl.ds(wid * 128, 128)])


def _stage2(xyzT, depth, seg, table, prm):
    B = depth.shape[0] // P
    nroi = B * R
    mesh = plsc.VectorSubcoreMesh(core_axis_name="c", subcore_axis_name="s")
    fn = functools.partial(
        pl.kernel,
        mesh=mesh,
        compiler_params=pltpu.CompilerParams(needs_layout_passes=False),
        out_type=[
            jax.ShapeDtypeStruct((nroi * NPTS * 3,), jnp.float32),
            jax.ShapeDtypeStruct((nroi * NPTS, 128), jnp.float32),
            jax.ShapeDtypeStruct((nroi * NPTS * 2,), jnp.float32),
            jax.ShapeDtypeStruct((_NW * 128,), jnp.int32),
        ],
        scratch_types=[
            pltpu.VMEM((P,), jnp.float32),
            pltpu.VMEM((P,), jnp.float32),
            pltpu.VMEM((P,), jnp.float32),
            pltpu.VMEM((P,), jnp.float32),
            pltpu.VMEM((P,), jnp.float32),
            pltpu.VMEM((NPTS + 16,), jnp.int32),
            pltpu.VMEM((NPTS + 16,), jnp.int32),
            pltpu.VMEM((NPTS,), jnp.int32),
            pltpu.VMEM((NPTS * 3,), jnp.float32),
            pltpu.VMEM((NPTS * 2,), jnp.float32),
            pltpu.VMEM((2 * 128, 128), jnp.float32),
            pltpu.VMEM((128,), jnp.float32),
            pltpu.VMEM((128,), jnp.int32),
            pltpu.SemaphoreType.DMA,
            pltpu.SemaphoreType.DMA,
            pltpu.SemaphoreType.DMA,
        ],
    )(_pool_body)
    return fn(xyzT, depth, seg, table, prm)



def kernel(roi_boxes3d, gt_boxes3d, rpn_xyz, rpn_features, seg_mask, pts_depth):
    B = roi_boxes3d.shape[0]
    rois_p = jnp.pad(roi_boxes3d, ((0, 0), (0, 0), (0, 1)))
    rois_t = rois_p.transpose(0, 2, 1)
    rois_sel_t, gt_out_t, prm_t = _stage1(rois_p, rois_t, gt_boxes3d)
    rois_sel = rois_sel_t.transpose(0, 2, 1)
    gt_out = gt_out_t.transpose(0, 2, 1)
    prm = prm_t.transpose(0, 2, 1)

    xyzT = rpn_xyz.transpose(0, 2, 1).reshape(-1)
    table = rpn_features.reshape(B * P, 128)

    pts, feats, sd, lab = _stage2(
        xyzT, pts_depth.reshape(-1), seg_mask.reshape(-1), table,
        prm.reshape(-1))
    lab2 = lab.reshape(_NW, 128)
    cls_label = lab2[:, :_RPW].reshape(-1)
    reg_valid = lab2[:, _RPW:2 * _RPW].reshape(-1)

    feats_full = jnp.concatenate(
        [sd.reshape(B * R, NPTS, 2), feats.reshape(B * R, NPTS, 128)],
        axis=-1)
    return (pts.reshape(B * R, NPTS, 3),
            feats_full,
            cls_label,
            reg_valid,
            gt_out[..., :7].reshape(B * R, 7),
            prm[..., 10].reshape(B * R),
            rois_sel[..., :7].reshape(B * R, 7))

# --- scband reference (transcript-rebuilt; emitter-appended) ---
"""Pipeline reference for scband-proposal-target-layer-10505490006033 (READ-ONLY COPY).

The authoritative reference and input builder live on the scoring server;
editing this copy changes nothing except your own understanding.
"""

import jax, jax.numpy as jnp
import numpy as np

ROI_PER_IMAGE = 64
FG_RATIO = 0.5
REG_FG_THRESH = 0.55
CLS_FG_THRESH = 0.6
CLS_BG_THRESH = 0.45
CLS_BG_THRESH_LO = 0.05
POOL_EXTRA_WIDTH = 1.0
NUM_POINTS = 512


def _rotate_along_y(pts, angle):
    # pts (..., 3); angle broadcastable to pts[..., 0]
    cosa = jnp.cos(angle)
    sina = jnp.sin(angle)
    x = pts[..., 0]
    y = pts[..., 1]
    z = pts[..., 2]
    xn = cosa * x - sina * z
    zn = sina * x + cosa * z
    return jnp.stack([xn, y, zn], axis=-1)


def _iou3d(rois, gts):
    # rois (M,7) [x,y,z,h,w,l,ry], gts (N,7); axis-aligned BEV approximation of rotated IoU3D
    rx, ry_, rz, rh, rw, rl = [rois[:, i] for i in range(6)]
    gx, gy, gz, gh, gw, gl = [gts[:, i] for i in range(6)]
    ix1 = jnp.maximum(rx[:, None] - rl[:, None] / 2, gx[None, :] - gl[None, :] / 2)
    ix2 = jnp.minimum(rx[:, None] + rl[:, None] / 2, gx[None, :] + gl[None, :] / 2)
    iz1 = jnp.maximum(rz[:, None] - rw[:, None] / 2, gz[None, :] - gw[None, :] / 2)
    iz2 = jnp.minimum(rz[:, None] + rw[:, None] / 2, gz[None, :] + gw[None, :] / 2)
    iy1 = jnp.maximum(ry_[:, None] - rh[:, None], gy[None, :] - gh[None, :])
    iy2 = jnp.minimum(ry_[:, None], gy[None, :])
    inter = jnp.clip(ix2 - ix1, 0.0) * jnp.clip(iz2 - iz1, 0.0) * jnp.clip(iy2 - iy1, 0.0)
    vol_r = (rh * rw * rl)[:, None]
    vol_g = (gh * gw * gl)[None, :]
    return inter / jnp.maximum(vol_r + vol_g - inter, 1e-6)


def setup_inputs(seed: int = 0) -> dict:
    key = jax.random.key(seed)
    ks = jax.random.split(key, 8)
    B, M, N, P, C = 4, 512, 64, 16384, 128
    roi_xyz = jax.random.uniform(ks[0], (B, M, 3), minval=-40.0, maxval=40.0)
    roi_hwl = jax.random.uniform(ks[1], (B, M, 3), minval=1.0, maxval=4.0)
    roi_ry = jax.random.uniform(ks[2], (B, M, 1), minval=0.0, maxval=2 * np.pi)
    roi_boxes3d = jnp.concatenate([roi_xyz, roi_hwl, roi_ry], axis=2)
    gt_xyz = jax.random.uniform(ks[3], (B, N, 3), minval=-40.0, maxval=40.0)
    gt_hwl = jax.random.uniform(ks[4], (B, N, 3), minval=1.0, maxval=4.0)
    gt_ry = jax.random.uniform(ks[5], (B, N, 1), minval=0.0, maxval=2 * np.pi)
    gt_cls = jnp.ones((B, N, 1), dtype=jnp.float32)
    gt_boxes3d = jnp.concatenate([gt_xyz, gt_hwl, gt_ry, gt_cls], axis=2)
    rpn_xyz = jax.random.uniform(ks[6], (B, P, 3), minval=-40.0, maxval=40.0)
    rpn_features = jax.random.normal(ks[7], (B, P, C), dtype=jnp.float32)
    seg_mask = (jax.random.uniform(jax.random.fold_in(key, 10), (B, P)) > 0.5).astype(jnp.float32)
    pts_depth = jax.random.uniform(jax.random.fold_in(key, 11), (B, P), minval=0.0, maxval=70.0)
    return {"roi_boxes3d": roi_boxes3d, "gt_boxes3d": gt_boxes3d, "rpn_xyz": rpn_xyz,
            "rpn_features": rpn_features, "seg_mask": seg_mask, "pts_depth": pts_depth}


def reference(roi_boxes3d, gt_boxes3d, rpn_xyz, rpn_features, seg_mask, pts_depth):
    fg_num = int(round(FG_RATIO * ROI_PER_IMAGE))
    bg_num = ROI_PER_IMAGE - fg_num

    def sample_one(rois, gts):
        iou = _iou3d(rois, gts[:, :7])
        max_ov = jnp.max(iou, axis=1)
        gt_asg = jnp.argmax(iou, axis=1)
        order = jnp.argsort(-max_ov)
        sel = jnp.concatenate([order[:fg_num], order[-bg_num:]], axis=0)
        return rois[sel], gts[gt_asg[sel], :7], max_ov[sel]

    batch_rois, batch_gt_of_rois, batch_roi_iou = jax.vmap(sample_one)(roi_boxes3d, gt_boxes3d)

    pts_depth_n = pts_depth / 70.0 - 0.5
    pts_feature = jnp.concatenate([seg_mask[..., None], pts_depth_n[..., None], rpn_features], axis=2)

    def pool_one(xyz, feat, rois):
        center = rois[:, 0:3]
        local = xyz[None, :, :] - center[:, None, :]  # (R, P, 3)
        local = _rotate_along_y(local, rois[:, 6:7])
        ew = POOL_EXTRA_WIDTH
        h = rois[:, 3:4]
        w = rois[:, 4:5]
        l = rois[:, 5:6]
        in_x = jnp.abs(local[..., 0]) < (l / 2 + ew)
        in_z = jnp.abs(local[..., 2]) < (w / 2 + ew)
        in_y = (local[..., 1] > -h - ew) & (local[..., 1] < ew)
        mask = (in_x & in_y & in_z).astype(jnp.float32)
        empty = (jnp.sum(mask, axis=1) == 0).astype(jnp.int32)
        _, idx = jax.lax.top_k(mask, NUM_POINTS)
        s_xyz = jnp.take(xyz, idx, axis=0)
        s_feat = jnp.take(feat, idx, axis=0)
        return s_xyz, s_feat, empty

    sampled_pts, sampled_features, pooled_empty_flag = jax.vmap(pool_one)(rpn_xyz, pts_feature, batch_rois)

    roi_ry = jnp.mod(batch_rois[:, :, 6], 2 * np.pi)
    roi_center = batch_rois[:, :, 0:3]
    sampled_pts = sampled_pts - roi_center[:, :, None, :]
    sampled_pts = _rotate_along_y(sampled_pts, batch_rois[:, :, 6][:, :, None])
    gt_xyz = batch_gt_of_rois[:, :, 0:3] - roi_center
    gt_xyz = _rotate_along_y(gt_xyz, roi_ry)
    gt_ry = batch_gt_of_rois[:, :, 6] - roi_ry
    batch_gt_of_rois = jnp.concatenate([gt_xyz, batch_gt_of_rois[:, :, 3:6], gt_ry[..., None]], axis=2)

    valid_mask = pooled_empty_flag == 0
    reg_valid_mask = ((batch_roi_iou > REG_FG_THRESH) & valid_mask).astype(jnp.int32)
    cls_label = (batch_roi_iou > CLS_FG_THRESH).astype(jnp.int32)
    invalid = (batch_roi_iou > CLS_BG_THRESH) & (batch_roi_iou < CLS_FG_THRESH)
    cls_label = jnp.where(~valid_mask, -1, cls_label)
    cls_label = jnp.where(invalid, -1, cls_label)

    C = sampled_features.shape[-1]
    return (sampled_pts.reshape(-1, NUM_POINTS, 3),
            sampled_features.reshape(-1, NUM_POINTS, C),
            cls_label.reshape(-1),
            reg_valid_mask.reshape(-1),
            batch_gt_of_rois.reshape(-1, 7),
            batch_roi_iou.reshape(-1),
            batch_rois.reshape(-1, 7))

if __name__ == "__main__":
    import jax
    _d = setup_inputs()
    print(jax.jit(kernel)(*tuple(_d.values())))

</pallas_src>

<mosaic_0001>
#map = affine_map<(d0, d1) -> (0)>
#map1 = affine_map<(d0, d1) -> (0, 0)>
module attributes {stable_mosaic.version = 14 : i64} {
  func.func @_pool_body(%arg0: i32, %arg1: i32, %arg2: memref<196608xf32, #tpu.memory_space<hbm>>, %arg3: memref<65536xf32, #tpu.memory_space<hbm>>, %arg4: memref<65536xf32, #tpu.memory_space<hbm>>, %arg5: memref<65536x128xf32, #tpu.memory_space<hbm>>, %arg6: memref<4096xf32, #tpu.memory_space<hbm>>, %arg7: memref<393216xf32, #tpu.memory_space<hbm>>, %arg8: memref<131072x128xf32, #tpu.memory_space<hbm>>, %arg9: memref<262144xf32, #tpu.memory_space<hbm>>, %arg10: memref<4096xi32, #tpu.memory_space<hbm>>, %arg11: memref<16384xf32, #tpu.memory_space<vmem>>, %arg12: memref<16384xf32, #tpu.memory_space<vmem>>, %arg13: memref<16384xf32, #tpu.memory_space<vmem>>, %arg14: memref<16384xf32, #tpu.memory_space<vmem>>, %arg15: memref<16384xf32, #tpu.memory_space<vmem>>, %arg16: memref<528xi32, #tpu.memory_space<vmem>>, %arg17: memref<528xi32, #tpu.memory_space<vmem>>, %arg18: memref<512xi32, #tpu.memory_space<vmem>>, %arg19: memref<1536xf32, #tpu.memory_space<vmem>>, %arg20: memref<1024xf32, #tpu.memory_space<vmem>>, %arg21: memref<256x128xf32, #tpu.memory_space<vmem>>, %arg22: memref<128xf32, #tpu.memory_space<vmem>>, %arg23: memref<128xi32, #tpu.memory_space<vmem>>, %arg24: memref<!tpu.dma_semaphore, #tpu.memory_space<semaphore_mem>>, %arg25: memref<!tpu.dma_semaphore, #tpu.memory_space<semaphore_mem>>, %arg26: memref<!tpu.dma_semaphore, #tpu.memory_space<semaphore_mem>>) attributes {dimension_semantics = [#tpu.dimension_semantics<core_parallel>, #tpu.dimension_semantics<subcore_parallel>], iteration_bounds = array<i64: 2, 16>, scalar_prefetch = 0 : i64, scratch_operands = 16 : i64, tpu.core_type = #tpu.core_type<sc_vector_subcore>, window_params = [{transform_indices = #map}, {transform_indices = #map}, {transform_indices = #map}, {transform_indices = #map1}, {transform_indices = #map}, {transform_indices = #map}, {transform_indices = #map1}, {transform_indices = #map}, {transform_indices = #map}]} {
    %mul3A = arith.constant 2 : i32
    %mul3A_0 = arith.muli %arg1, %mul3A : i32
    %add3A = arith.addi %mul3A_0, %arg0 : i32
    %jit3A = arith.constant 8 : i32
    %div3A = arith.divsi %add3A, %jit3A : i32
    %sign3A = arith.constant 0 : i32
    %sign3A_1 = arith.cmpi sgt, %add3A, %sign3A : i32
    %sign3A_2 = arith.extui %sign3A_1 : i1 to i32
    %sign3A_3 = arith.constant 0 : i32
    %sign3A_4 = arith.cmpi slt, %add3A, %sign3A_3 : i32
    %sign3A_5 = arith.extui %sign3A_4 : i1 to i32
    %sign3A_6 = arith.subi %sign3A_2, %sign3A_5 : i32
    %sign3A_7 = arith.constant 0 : i32
    %sign3A_8 = arith.cmpi sgt, %jit3A, %sign3A_7 : i32
    %sign3A_9 = arith.extui %sign3A_8 : i1 to i32
    %sign3A_10 = arith.constant 0 : i32
    %sign3A_11 = arith.cmpi slt, %jit3A, %sign3A_10 : i32
    %sign3A_12 = arith.extui %sign3A_11 : i1 to i32
    %sign3A_13 = arith.subi %sign3A_9, %sign3A_12 : i32
    %ne3A = arith.cmpi ne, %sign3A_6, %sign3A_13 : i32
    %rem3A = arith.remsi %add3A, %jit3A : i32
    %ne3A_14 = arith.constant 0 : i32
    %ne3A_15 = arith.cmpi ne, %rem3A, %ne3A_14 : i32
    %and3A = arith.andi %ne3A, %ne3A_15 : i1
    %sub3A = arith.constant 1 : i32
    %sub3A_16 = arith.subi %div3A, %sub3A : i32
    %select_n3A = arith.select %and3A, %sub3A_16, %div3A : i32
    %jit3A_17 = arith.constant 8 : i32
    %eq3A = arith.constant 0 : i32
    %eq3A_18 = arith.cmpi eq, %jit3A_17, %eq3A : i32
    %jit3A_19 = arith.constant 1 : i32
    %select_n3A_20 = arith.select %eq3A_18, %jit3A_19, %jit3A_17 : i32
    %rem3A_21 = arith.remsi %add3A, %select_n3A_20 : i32
    %ne3A_22 = arith.constant 0 : i32
    %ne3A_23 = arith.cmpi ne, %rem3A_21, %ne3A_22 : i32
    %lt3A = arith.constant 0 : i32
    %lt3A_24 = arith.cmpi slt, %rem3A_21, %lt3A : i32
    %lt3A_25 = arith.constant 0 : i32
    %lt3A_26 = arith.cmpi slt, %select_n3A_20, %lt3A_25 : i32
    %ne3A_27 = arith.xori %lt3A_24, %lt3A_26 : i1
    %and3A_28 = arith.andi %ne3A_27, %ne3A_23 : i1
    %add3A_29 = arith.addi %rem3A_21, %select_n3A_20 : i32
    %select_n3A_30 = arith.select %and3A_28, %add3A_29, %rem3A_21 : i32
    %mul3A_31 = arith.constant 16384 : i32
    %mul3A_32 = arith.muli %select_n3A, %mul3A_31 : i32
    %mul3A_33 = arith.constant 3 : i32
    %mul3A_34 = arith.muli %select_n3A, %mul3A_33 : i32
    %add3A_35 = arith.constant 0 : i32
    %add3A_36 = arith.addi %mul3A_34, %add3A_35 : i32
    %mul3A_37 = arith.constant 16384 : i32
    %mul3A_38 = arith.muli %add3A_36, %mul3A_37 : i32
    "tpu.region"() ({
      %run_scoped3A = tpu.sem_alloc : memref<!tpu.dma_semaphore, #tpu.memory_space<semaphore_mem>>
      %dma_start3A = tpu.memref_slice %arg2[%mul3A_38] : memref<196608xf32, #tpu.memory_space<hbm>> -> memref<16384xf32, #tpu.memory_space<hbm>>
      %dma_start3A_60 = tpu.memref_slice %arg2[%mul3A_38] : memref<196608xf32, #tpu.memory_space<hbm>> -> memref<16384xf32, #tpu.memory_space<hbm>>
      tpu.enqueue_dma source(%dma_start3A_60 : memref<16384xf32, #tpu.memory_space<hbm>>) target(%arg11 : memref<16384xf32, #tpu.memory_space<vmem>>) target_semaphore(%run_scoped3A : memref<!tpu.dma_semaphore, #tpu.memory_space<semaphore_mem>>)
      %dma_wait3A = tpu.memref_slice %arg2[%mul3A_38] : memref<196608xf32, #tpu.memory_space<hbm>> -> memref<16384xf32, #tpu.memory_space<hbm>>
      %dma_wait3A_61 = tpu.memref_slice %arg2[%mul3A_38] : memref<196608xf32, #tpu.memory_space<hbm>> -> memref<16384xf32, #tpu.memory_space<hbm>>
      tpu.wait_dma2 semaphore(%run_scoped3A : memref<!tpu.dma_semaphore, #tpu.memory_space<semaphore_mem>>) src(%dma_wait3A_61 : memref<16384xf32, #tpu.memory_space<hbm>>) dst(%arg11 : memref<16384xf32, #tpu.memory_space<vmem>>)
      tpu.yield
    }) : () -> ()
    %mul3A_39 = arith.constant 3 : i32
    %mul3A_40 = arith.muli %select_n3A, %mul3A_39 : i32
    %add3A_41 = arith.constant 1 : i32
    %add3A_42 = arith.addi %mul3A_40, %add3A_41 : i32
    %mul3A_43 = arith.constant 16384 : i32
    %mul3A_44 = arith.muli %add3A_42, %mul3A_43 : i32
    "tpu.region"() ({
      %run_scoped3A = tpu.sem_alloc : memref<!tpu.dma_semaphore, #tpu.memory_space<semaphore_mem>>
      %dma_start3A = tpu.memref_slice %arg2[%mul3A_44] : memref<196608xf32, #tpu.memory_space<hbm>> -> memref<16384xf32, #tpu.memory_space<hbm>>
      %dma_start3A_60 = tpu.memref_slice %arg2[%mul3A_44] : memref<196608xf32, #tpu.memory_space<hbm>> -> memref<16384xf32, #tpu.memory_space<hbm>>
      tpu.enqueue_dma source(%dma_start3A_60 : memref<16384xf32, #tpu.memory_space<hbm>>) target(%arg12 : memref<16384xf32, #tpu.memory_space<vmem>>) target_semaphore(%run_scoped3A : memref<!tpu.dma_semaphore, #tpu.memory_space<semaphore_mem>>)
      %dma_wait3A = tpu.memref_slice %arg2[%mul3A_44] : memref<196608xf32, #tpu.memory_space<hbm>> -> memref<16384xf32, #tpu.memory_space<hbm>>
      %dma_wait3A_61 = tpu.memref_slice %arg2[%mul3A_44] : memref<196608xf32, #tpu.memory_space<hbm>> -> memref<16384xf32, #tpu.memory_space<hbm>>
      tpu.wait_dma2 semaphore(%run_scoped3A : memref<!tpu.dma_semaphore, #tpu.memory_space<semaphore_mem>>) src(%dma_wait3A_61 : memref<16384xf32, #tpu.memory_space<hbm>>) dst(%arg12 : memref<16384xf32, #tpu.memory_space<vmem>>)
      tpu.yield
    }) : () -> ()
    %mul3A_45 = arith.constant 3 : i32
    %mul3A_46 = arith.muli %select_n3A, %mul3A_45 : i32
    %add3A_47 = arith.constant 2 : i32
    %add3A_48 = arith.addi %mul3A_46, %add3A_47 : i32
    %mul3A_49 = arith.constant 16384 : i32
    %mul3A_50 = arith.muli %add3A_48, %mul3A_49 : i32
    "tpu.region"() ({
      %run_scoped3A = tpu.sem_alloc : memref<!tpu.dma_semaphore, #tpu.memory_space<semaphore_mem>>
      %dma_start3A = tpu.memref_slice %arg2[%mul3A_50] : memref<196608xf32, #tpu.memory_space<hbm>> -> memref<16384xf32, #tpu.memory_space<hbm>>
      %dma_start3A_60 = tpu.memref_slice %arg2[%mul3A_50] : memref<196608xf32, #tpu.memory_space<hbm>> -> memref<16384xf32, #tpu.memory_space<hbm>>
      tpu.enqueue_dma source(%dma_start3A_60 : memref<16384xf32, #tpu.memory_space<hbm>>) target(%arg13 : memref<16384xf32, #tpu.memory_space<vmem>>) target_semaphore(%run_scoped3A : memref<!tpu.dma_semaphore, #tpu.memory_space<semaphore_mem>>)
      %dma_wait3A = tpu.memref_slice %arg2[%mul3A_50] : memref<196608xf32, #tpu.memory_space<hbm>> -> memref<16384xf32, #tpu.memory_space<hbm>>
      %dma_wait3A_61 = tpu.memref_slice %arg2[%mul3A_50] : memref<196608xf32, #tpu.memory_space<hbm>> -> memref<16384xf32, #tpu.memory_space<hbm>>
      tpu.wait_dma2 semaphore(%run_scoped3A : memref<!tpu.dma_semaphore, #tpu.memory_space<semaphore_mem>>) src(%dma_wait3A_61 : memref<16384xf32, #tpu.memory_space<hbm>>) dst(%arg13 : memref<16384xf32, #tpu.memory_space<vmem>>)
      tpu.yield
    }) : () -> ()
    "tpu.region"() ({
      %run_scoped3A = tpu.sem_alloc : memref<!tpu.dma_semaphore, #tpu.memory_space<semaphore_mem>>
      %dma_start3A = tpu.memref_slice %arg3[%mul3A_32] : memref<65536xf32, #tpu.memory_space<hbm>> -> memref<16384xf32, #tpu.memory_space<hbm>>
      %dma_start3A_60 = tpu.memref_slice %arg3[%mul3A_32] : memref<65536xf32, #tpu.memory_space<hbm>> -> memref<16384xf32, #tpu.memory_space<hbm>>
      tpu.enqueue_dma source(%dma_start3A_60 : memref<16384xf32, #tpu.memory_space<hbm>>) target(%arg14 : memref<16384xf32, #tpu.memory_space<vmem>>) target_semaphore(%run_scoped3A : memref<!tpu.dma_semaphore, #tpu.memory_space<semaphore_mem>>)
      %dma_wait3A = tpu.memref_slice %arg3[%mul3A_32] : memref<65536xf32, #tpu.memory_space<hbm>> -> memref<16384xf32, #tpu.memory_space<hbm>>
      %dma_wait3A_61 = tpu.memref_slice %arg3[%mul3A_32] : memref<65536xf32, #tpu.memory_space<hbm>> -> memref<16384xf32, #tpu.memory_space<hbm>>
      tpu.wait_dma2 semaphore(%run_scoped3A : memref<!tpu.dma_semaphore, #tpu.memory_space<semaphore_mem>>) src(%dma_wait3A_61 : memref<16384xf32, #tpu.memory_space<hbm>>) dst(%arg14 : memref<16384xf32, #tpu.memory_space<vmem>>)
      tpu.yield
    }) : () -> ()
    "tpu.region"() ({
      %run_scoped3A = tpu.sem_alloc : memref<!tpu.dma_semaphore, #tpu.memory_space<semaphore_mem>>
      %dma_start3A = tpu.memref_slice %arg4[%mul3A_32] : memref<65536xf32, #tpu.memory_space<hbm>> -> memref<16384xf32, #tpu.memory_space<hbm>>
      %dma_start3A_60 = tpu.memref_slice %arg4[%mul3A_32] : memref<65536xf32, #tpu.memory_space<hbm>> -> memref<16384xf32, #tpu.memory_space<hbm>>
      tpu.enqueue_dma source(%dma_start3A_60 : memref<16384xf32, #tpu.memory_space<hbm>>) target(%arg15 : memref<16384xf32, #tpu.memory_space<vmem>>) target_semaphore(%run_scoped3A : memref<!tpu.dma_semaphore, #tpu.memory_space<semaphore_mem>>)
      %dma_wait3A = tpu.memref_slice %arg4[%mul3A_32] : memref<65536xf32, #tpu.memory_space<hbm>> -> memref<16384xf32, #tpu.memory_space<hbm>>
      %dma_wait3A_61 = tpu.memref_slice %arg4[%mul3A_32] : memref<65536xf32, #tpu.memory_space<hbm>> -> memref<16384xf32, #tpu.memory_space<hbm>>
      tpu.wait_dma2 semaphore(%run_scoped3A : memref<!tpu.dma_semaphore, #tpu.memory_space<semaphore_mem>>) src(%dma_wait3A_61 : memref<16384xf32, #tpu.memory_space<hbm>>) dst(%arg15 : memref<16384xf32, #tpu.memory_space<vmem>>)
      tpu.yield
    }) : () -> ()
    %mul3A_51 = arith.constant 128 : i32
    %mul3A_52 = arith.muli %add3A, %mul3A_51 : i32
    "tpu.region"() ({
      %run_scoped3A = tpu.sem_alloc : memref<!tpu.dma_semaphore, #tpu.memory_space<semaphore_mem>>
      %dma_start3A = tpu.memref_slice %arg6[%mul3A_52] : memref<4096xf32, #tpu.memory_space<hbm>> -> memref<128xf32, #tpu.memory_space<hbm>>
      %dma_start3A_60 = tpu.memref_slice %arg6[%mul3A_52] : memref<4096xf32, #tpu.memory_space<hbm>> -> memref<128xf32, #tpu.memory_space<hbm>>
      tpu.enqueue_dma source(%dma_start3A_60 : memref<128xf32, #tpu.memory_space<hbm>>) target(%arg22 : memref<128xf32, #tpu.memory_space<vmem>>) target_semaphore(%run_scoped3A : memref<!tpu.dma_semaphore, #tpu.memory_space<semaphore_mem>>)
      %dma_wait3A = tpu.memref_slice %arg6[%mul3A_52] : memref<4096xf32, #tpu.memory_space<hbm>> -> memref<128xf32, #tpu.memory_space<hbm>>
      %dma_wait3A_61 = tpu.memref_slice %arg6[%mul3A_52] : memref<4096xf32, #tpu.memory_space<hbm>> -> memref<128xf32, #tpu.memory_space<hbm>>
      tpu.wait_dma2 semaphore(%run_scoped3A : memref<!tpu.dma_semaphore, #tpu.memory_space<semaphore_mem>>) src(%dma_wait3A_61 : memref<128xf32, #tpu.memory_space<hbm>>) dst(%arg22 : memref<128xf32, #tpu.memory_space<vmem>>)
      tpu.yield
    }) : () -> ()
    %iota3A = tpu.iota {dimensions = array<i32: 0>} : vector<16xi32>
    %scan3A = arith.constant 0 : i32
    %scan3A_53 = arith.constant 0 : i32
    %scan3A_54 = arith.constant 8 : i32
    %scan3A_55 = arith.addi %scan3A_53, %scan3A_54 : i32
    %scan3A_56 = arith.constant 1 : i32
    scf.for %scan3A_60 = %scan3A_53 to %scan3A_55 step %scan3A_56  : i32 {
      %mul3A_61 = arith.constant 8 : i32
      %mul3A_62 = arith.muli %select_n3A_30, %mul3A_61 : i32
      %add3A_63 = arith.addi %mul3A_62, %scan3A_60 : i32
      %mul3A_64 = arith.constant 64 : i32
      %mul3A_65 = arith.muli %select_n3A, %mul3A_64 : i32
      %add3A_66 = arith.addi %mul3A_65, %add3A_63 : i32
      %mul3A_67 = arith.constant 16 : i32
      %mul3A_68 = arith.muli %scan3A_60, %mul3A_67 : i32
      %get3A = arith.index_cast %mul3A_68 : i32 to index
      %get3A_69 = tpu.vector_load %arg22[%get3A] {strides = array<i32>} : memref<128xf32, #tpu.memory_space<vmem>>, vector<16xf32>,
      %eq3A_70 = arith.constant 0 : i32
      %eq3A_71 = vector.broadcast %eq3A_70 : i32 to vector<16xi32>
      %eq3A_72 = arith.cmpi eq, %iota3A, %eq3A_71 : vector<16xi32>
      %jit3A_73 = arith.constant 0.000000e+00 : f32
      %broadcast_in_dim3A = vector.broadcast %jit3A_73 : f32 to vector<16xf32>
      %select_n3A_74 = arith.select %eq3A_72, %get3A_69, %broadcast_in_dim3A : vector<16xi1>, vector<16xf32>
      %reduce_sum3A = arith.constant true
      %reduce_sum3A_75 = vector.broadcast %reduce_sum3A : i1 to vector<16xi1>
      %reduce_sum3A_76 = tpu.scan <sum>, %select_n3A_74 masked %reduce_sum3A_75 : vector<16xf32>, vector<16xi1> -> vector<16xf32>
      %reduce_sum3A_77 = vector.extract %reduce_sum3A_76[15] : f32 from vector<16xf32>
      %eq3A_78 = arith.constant 1 : i32
      %eq3A_79 = vector.broadcast %eq3A_78 : i32 to vector<16xi32>
      %eq3A_80 = arith.cmpi eq, %iota3A, %eq3A_79 : vector<16xi32>
      %jit3A_81 = arith.constant 0.000000e+00 : f32
      %broadcast_in_dim3A_82 = vector.broadcast %jit3A_81 : f32 to vector<16xf32>
      %select_n3A_83 = arith.select %eq3A_80, %get3A_69, %broadcast_in_dim3A_82 : vector<16xi1>, vector<16xf32>
      %reduce_sum3A_84 = arith.constant true
      %reduce_sum3A_85 = vector.broadcast %reduce_sum3A_84 : i1 to vector<16xi1>
      %reduce_sum3A_86 = tpu.scan <sum>, %select_n3A_83 masked %reduce_sum3A_85 : vector<16xf32>, vector<16xi1> -> vector<16xf32>
      %reduce_sum3A_87 = vector.extract %reduce_sum3A_86[15] : f32 from vector<16xf32>
      %eq3A_88 = arith.constant 2 : i32
      %eq3A_89 = vector.broadcast %eq3A_88 : i32 to vector<16xi32>
      %eq3A_90 = arith.cmpi eq, %iota3A, %eq3A_89 : vector<16xi32>
      %jit3A_91 = arith.constant 0.000000e+00 : f32
      %broadcast_in_dim3A_92 = vector.broadcast %jit3A_91 : f32 to vector<16xf32>
      %select_n3A_93 = arith.select %eq3A_90, %get3A_69, %broadcast_in_dim3A_92 : vector<16xi1>, vector<16xf32>
      %reduce_sum3A_94 = arith.constant true
      %reduce_sum3A_95 = vector.broadcast %reduce_sum3A_94 : i1 to vector<16xi1>
      %reduce_sum3A_96 = tpu.scan <sum>, %select_n3A_93 masked %reduce_sum3A_95 : vector<16xf32>, vector<16xi1> -> vector<16xf32>
      %reduce_sum3A_97 = vector.extract %reduce_sum3A_96[15] : f32 from vector<16xf32>
      %eq3A_98 = arith.constant 3 : i32
      %eq3A_99 = vector.broadcast %eq3A_98 : i32 to vector<16xi32>
      %eq3A_100 = arith.cmpi eq, %iota3A, %eq3A_99 : vector<16xi32>
      %jit3A_101 = arith.constant 0.000000e+00 : f32
      %broadcast_in_dim3A_102 = vector.broadcast %jit3A_101 : f32 to vector<16xf32>
      %select_n3A_103 = arith.select %eq3A_100, %get3A_69, %broadcast_in_dim3A_102 : vector<16xi1>, vector<16xf32>
      %reduce_sum3A_104 = arith.constant true
      %reduce_sum3A_105 = vector.broadcast %reduce_sum3A_104 : i1 to vector<16xi1>
      %reduce_sum3A_106 = tpu.scan <sum>, %select_n3A_103 masked %reduce_sum3A_105 : vector<16xf32>, vector<16xi1> -> vector<16xf32>
      %reduce_sum3A_107 = vector.extract %reduce_sum3A_106[15] : f32 from vector<16xf32>
      %eq3A_108 = arith.constant 4 : i32
      %eq3A_109 = vector.broadcast %eq3A_108 : i32 to vector<16xi32>
      %eq3A_110 = arith.cmpi eq, %iota3A, %eq3A_109 : vector<16xi32>
      %jit3A_111 = arith.constant 0.000000e+00 : f32
      %broadcast_in_dim3A_112 = vector.broadcast %jit3A_111 : f32 to vector<16xf32>
      %select_n3A_113 = arith.select %eq3A_110, %get3A_69, %broadcast_in_dim3A_112 : vector<16xi1>, vector<16xf32>
      %reduce_sum3A_114 = arith.constant true
      %reduce_sum3A_115 = vector.broadcast %reduce_sum3A_114 : i1 to vector<16xi1>
      %reduce_sum3A_116 = tpu.scan <sum>, %select_n3A_113 masked %reduce_sum3A_115 : vector<16xf32>, vector<16xi1> -> vector<16xf32>
      %reduce_sum3A_117 = vector.extract %reduce_sum3A_116[15] : f32 from vector<16xf32>
      %eq3A_118 = arith.constant 5 : i32
      %eq3A_119 = vector.broadcast %eq3A_118 : i32 to vector<16xi32>
      %eq3A_120 = arith.cmpi eq, %iota3A, %eq3A_119 : vector<16xi32>
      %jit3A_121 = arith.constant 0.000000e+00 : f32
      %broadcast_in_dim3A_122 = vector.broadcast %jit3A_121 : f32 to vector<16xf32>
      %select_n3A_123 = arith.select %eq3A_120, %get3A_69, %broadcast_in_dim3A_122 : vector<16xi1>, vector<16xf32>
      %reduce_sum3A_124 = arith.constant true
      %reduce_sum3A_125 = vector.broadcast %reduce_sum3A_124 : i1 to vector<16xi1>
      %reduce_sum3A_126 = tpu.scan <sum>, %select_n3A_123 masked %reduce_sum3A_125 : vector<16xf32>, vector<16xi1> -> vector<16xf32>
      %reduce_sum3A_127 = vector.extract %reduce_sum3A_126[15] : f32 from vector<16xf32>
      %eq3A_128 = arith.constant 6 : i32
      %eq3A_129 = vector.broadcast %eq3A_128 : i32 to vector<16xi32>
      %eq3A_130 = arith.cmpi eq, %iota3A, %eq3A_129 : vector<16xi32>
      %jit3A_131 = arith.constant 0.000000e+00 : f32
      %broadcast_in_dim3A_132 = vector.broadcast %jit3A_131 : f32 to vector<16xf32>
      %select_n3A_133 = arith.select %eq3A_130, %get3A_69, %broadcast_in_dim3A_132 : vector<16xi1>, vector<16xf32>
      %reduce_sum3A_134 = arith.constant true
      %reduce_sum3A_135 = vector.broadcast %reduce_sum3A_134 : i1 to vector<16xi1>
      %reduce_sum3A_136 = tpu.scan <sum>, %select_n3A_133 masked %reduce_sum3A_135 : vector<16xf32>, vector<16xi1> -> vector<16xf32>
      %reduce_sum3A_137 = vector.extract %reduce_sum3A_136[15] : f32 from vector<16xf32>
      %eq3A_138 = arith.constant 7 : i32
      %eq3A_139 = vector.broadcast %eq3A_138 : i32 to vector<16xi32>
      %eq3A_140 = arith.cmpi eq, %iota3A, %eq3A_139 : vector<16xi32>
      %jit3A_141 = arith.constant 0.000000e+00 : f32
      %broadcast_in_dim3A_142 = vector.broadcast %jit3A_141 : f32 to vector<16xf32>
      %select_n3A_143 = arith.select %eq3A_140, %get3A_69, %broadcast_in_dim3A_142 : vector<16xi1>, vector<16xf32>
      %reduce_sum3A_144 = arith.constant true
      %reduce_sum3A_145 = vector.broadcast %reduce_sum3A_144 : i1 to vector<16xi1>
      %reduce_sum3A_146 = tpu.scan <sum>, %select_n3A_143 masked %reduce_sum3A_145 : vector<16xf32>, vector<16xi1> -> vector<16xf32>
      %reduce_sum3A_147 = vector.extract %reduce_sum3A_146[15] : f32 from vector<16xf32>
      %eq3A_148 = arith.constant 8 : i32
      %eq3A_149 = vector.broadcast %eq3A_148 : i32 to vector<16xi32>
      %eq3A_150 = arith.cmpi eq, %iota3A, %eq3A_149 : vector<16xi32>
      %jit3A_151 = arith.constant 0.000000e+00 : f32
      %broadcast_in_dim3A_152 = vector.broadcast %jit3A_151 : f32 to vector<16xf32>
      %select_n3A_153 = arith.select %eq3A_150, %get3A_69, %broadcast_in_dim3A_152 : vector<16xi1>, vector<16xf32>
      %reduce_sum3A_154 = arith.constant true
      %reduce_sum3A_155 = vector.broadcast %reduce_sum3A_154 : i1 to vector<16xi1>
      %reduce_sum3A_156 = tpu.scan <sum>, %select_n3A_153 masked %reduce_sum3A_155 : vector<16xf32>, vector<16xi1> -> vector<16xf32>
      %reduce_sum3A_157 = vector.extract %reduce_sum3A_156[15] : f32 from vector<16xf32>
      %eq3A_158 = arith.constant 9 : i32
      %eq3A_159 = vector.broadcast %eq3A_158 : i32 to vector<16xi32>
      %eq3A_160 = arith.cmpi eq, %iota3A, %eq3A_159 : vector<16xi32>
      %jit3A_161 = arith.constant 0.000000e+00 : f32
      %broadcast_in_dim3A_162 = vector.broadcast %jit3A_161 : f32 to vector<16xf32>
      %select_n3A_163 = arith.select %eq3A_160, %get3A_69, %broadcast_in_dim3A_162 : vector<16xi1>, vector<16xf32>
      %reduce_sum3A_164 = arith.constant true
      %reduce_sum3A_165 = vector.broadcast %reduce_sum3A_164 : i1 to vector<16xi1>
      %reduce_sum3A_166 = tpu.scan <sum>, %select_n3A_163 masked %reduce_sum3A_165 : vector<16xf32>, vector<16xi1> -> vector<16xf32>
      %reduce_sum3A_167 = vector.extract %reduce_sum3A_166[15] : f32 from vector<16xf32>
      %abs3A = math.absf %reduce_sum3A_107 : f32
      %abs3A_168 = math.absf %reduce_sum3A_117 : f32
      %mul3A_169 = arith.mulf %reduce_sum3A_127, %abs3A : f32
      %mul3A_170 = arith.mulf %reduce_sum3A_137, %abs3A_168 : f32
      %add3A_171 = arith.addf %mul3A_169, %mul3A_170 : f32
      %mul3A_172 = arith.mulf %reduce_sum3A_127, %abs3A_168 : f32
      %mul3A_173 = arith.mulf %reduce_sum3A_137, %abs3A : f32
      %add3A_174 = arith.addf %mul3A_172, %mul3A_173 : f32
      %parallel_loop3A = arith.constant 0 : i32
      %parallel_loop3A_175 = arith.constant 16384 : i32
      %parallel_loop3A_176 = arith.constant 16 : i32
      %parallel_loop3A_177 = arith.constant 0 : i32
      %parallel_loop3A_178 = scf.for %parallel_loop3A_372 = %parallel_loop3A to %parallel_loop3A_175 step %parallel_loop3A_176 iter_args(%parallel_loop3A_373 = %parallel_loop3A_177) -> (i32)  : i32 {
        %parallel_loop3A_374 = arith.index_cast %parallel_loop3A_372 : i32 to index
        %parallel_loop3A_375 = tpu.vector_load %arg11[%parallel_loop3A_374] {strides = array<i32>} : memref<16384xf32, #tpu.memory_space<vmem>>, vector<16xf32>,
        %parallel_loop3A_376 = arith.index_cast %parallel_loop3A_372 : i32 to index
        %parallel_loop3A_377 = tpu.vector_load %arg12[%parallel_loop3A_376] {strides = array<i32>} : memref<16384xf32, #tpu.memory_space<vmem>>, vector<16xf32>,
        %parallel_loop3A_378 = arith.index_cast %parallel_loop3A_372 : i32 to index
        %parallel_loop3A_379 = tpu.vector_load %arg13[%parallel_loop3A_378] {strides = array<i32>} : memref<16384xf32, #tpu.memory_space<vmem>>, vector<16xf32>,
        %parallel_loop3A_380 = vector.broadcast %reduce_sum3A_77 : f32 to vector<16xf32>
        %parallel_loop3A_381 = arith.subf %parallel_loop3A_375, %parallel_loop3A_380 : vector<16xf32>
        %parallel_loop3A_382 = vector.broadcast %reduce_sum3A_87 : f32 to vector<16xf32>
        %parallel_loop3A_383 = arith.subf %parallel_loop3A_377, %parallel_loop3A_382 : vector<16xf32>
        %parallel_loop3A_384 = vector.broadcast %reduce_sum3A_97 : f32 to vector<16xf32>
        %parallel_loop3A_385 = arith.subf %parallel_loop3A_379, %parallel_loop3A_384 : vector<16xf32>
        %parallel_loop3A_386 = vector.broadcast %reduce_sum3A_107 : f32 to vector<16xf32>
        %parallel_loop3A_387 = arith.mulf %parallel_loop3A_386, %parallel_loop3A_381 : vector<16xf32>
        %parallel_loop3A_388 = vector.broadcast %reduce_sum3A_117 : f32 to vector<16xf32>
        %parallel_loop3A_389 = arith.mulf %parallel_loop3A_388, %parallel_loop3A_385 : vector<16xf32>
        %parallel_loop3A_390 = arith.subf %parallel_loop3A_387, %parallel_loop3A_389 : vector<16xf32>
        %parallel_loop3A_391 = vector.broadcast %reduce_sum3A_117 : f32 to vector<16xf32>
        %parallel_loop3A_392 = arith.mulf %parallel_loop3A_391, %parallel_loop3A_381 : vector<16xf32>
        %parallel_loop3A_393 = vector.broadcast %reduce_sum3A_107 : f32 to vector<16xf32>
        %parallel_loop3A_394 = arith.mulf %parallel_loop3A_393, %parallel_loop3A_385 : vector<16xf32>
        %parallel_loop3A_395 = arith.addf %parallel_loop3A_392, %parallel_loop3A_394 : vector<16xf32>
        %parallel_loop3A_396 = math.absf %parallel_loop3A_390 : vector<16xf32>
        %parallel_loop3A_397 = vector.broadcast %reduce_sum3A_127 : f32 to vector<16xf32>
        %parallel_loop3A_398 = arith.cmpf olt, %parallel_loop3A_396, %parallel_loop3A_397 : vector<16xf32>
        %parallel_loop3A_399 = math.absf %parallel_loop3A_395 : vector<16xf32>
        %parallel_loop3A_400 = vector.broadcast %reduce_sum3A_137 : f32 to vector<16xf32>
        %parallel_loop3A_401 = arith.cmpf olt, %parallel_loop3A_399, %parallel_loop3A_400 : vector<16xf32>
        %parallel_loop3A_402 = arith.andi %parallel_loop3A_398, %parallel_loop3A_401 : vector<16xi1>
        %parallel_loop3A_403 = vector.broadcast %reduce_sum3A_147 : f32 to vector<16xf32>
        %parallel_loop3A_404 = arith.cmpf ogt, %parallel_loop3A_383, %parallel_loop3A_403 : vector<16xf32>
        %parallel_loop3A_405 = arith.andi %parallel_loop3A_402, %parallel_loop3A_404 : vector<16xi1>
        %parallel_loop3A_406 = arith.constant 1.000000e+00 : f32
        %parallel_loop3A_407 = vector.broadcast %parallel_loop3A_406 : f32 to vector<16xf32>
        %parallel_loop3A_408 = arith.cmpf olt, %parallel_loop3A_383, %parallel_loop3A_407 : vector<16xf32>
        %parallel_loop3A_409 = arith.andi %parallel_loop3A_405, %parallel_loop3A_408 : vector<16xi1>
        %parallel_loop3A_410 = vector.broadcast %parallel_loop3A_372 : i32 to vector<16xi32>
        %parallel_loop3A_411 = arith.addi %parallel_loop3A_410, %iota3A : vector<16xi32>
        %parallel_loop3A_412 = arith.constant 512 : i32
        %parallel_loop3A_413 = arith.minsi %parallel_loop3A_373, %parallel_loop3A_412 : i32
        %parallel_loop3A_414 = arith.index_cast %parallel_loop3A_413 : i32 to index
        %parallel_loop3A_415 = tpu.vector_load %arg16[%parallel_loop3A_414] masked %parallel_loop3A_409 {strides = array<i32>} : memref<528xi32, #tpu.memory_space<vmem>>, vector<16xi32>, vector<16xi1>
        tpu.vector_store %arg16[%parallel_loop3A_414], %parallel_loop3A_411 masked %parallel_loop3A_409 {strides = array<i32>} : memref<528xi32, #tpu.memory_space<vmem>>, vector<16xi32>, vector<16xi1>
        %parallel_loop3A_416 = arith.subi %parallel_loop3A_372, %parallel_loop3A_373 : i32
        %parallel_loop3A_417 = arith.constant 512 : i32
        %parallel_loop3A_418 = arith.minsi %parallel_loop3A_416, %parallel_loop3A_417 : i32
        %parallel_loop3A_419 = arith.constant dense<true> : vector<16xi1>
        %parallel_loop3A_420 = arith.xori %parallel_loop3A_409, %parallel_loop3A_419 : vector<16xi1>
        %parallel_loop3A_421 = arith.index_cast %parallel_loop3A_418 : i32 to index
        %parallel_loop3A_422 = tpu.vector_load %arg17[%parallel_loop3A_421] masked %parallel_loop3A_420 {strides = array<i32>} : memref<528xi32, #tpu.memory_space<vmem>>, vector<16xi32>, vector<16xi1>
        tpu.vector_store %arg17[%parallel_loop3A_421], %parallel_loop3A_411 masked %parallel_loop3A_420 {strides = array<i32>} : memref<528xi32, #tpu.memory_space<vmem>>, vector<16xi32>, vector<16xi1>
        %parallel_loop3A_423 = arith.extui %parallel_loop3A_409 : vector<16xi1> to vector<16xi32>
        %parallel_loop3A_424 = arith.constant true
        %parallel_loop3A_425 = vector.broadcast %parallel_loop3A_424 : i1 to vector<16xi1>
        %parallel_loop3A_426 = tpu.scan <sum>, %parallel_loop3A_423 masked %parallel_loop3A_425 : vector<16xi32>, vector<16xi1> -> vector<16xi32>
        %parallel_loop3A_427 = vector.extract %parallel_loop3A_426[15] : i32 from vector<16xi32>
        %parallel_loop3A_428 = arith.addi %parallel_loop3A_373, %parallel_loop3A_427 : i32
        scf.yield %parallel_loop3A_428 : i32
      } {sc.loop_unroll_factor = 16 : i64, sc.parallel_access}
      %min3A = arith.constant 512 : i32
      %min3A_179 = arith.minsi %parallel_loop3A_178, %min3A : i32
      %broadcast_in_dim3A_180 = arith.constant 0 : i32
      %broadcast_in_dim3A_181 = vector.broadcast %broadcast_in_dim3A_180 : i32 to vector<16xi32>
      %parallel_loop3A_182 = arith.constant 0 : i32
      %parallel_loop3A_183 = arith.constant 512 : i32
      %parallel_loop3A_184 = arith.constant 16 : i32
      scf.for %parallel_loop3A_372 = %parallel_loop3A_182 to %parallel_loop3A_183 step %parallel_loop3A_184  : i32 {
        %parallel_loop3A_373 = vector.broadcast %parallel_loop3A_372 : i32 to vector<16xi32>
        %parallel_loop3A_374 = arith.addi %parallel_loop3A_373, %iota3A : vector<16xi32>
        %parallel_loop3A_375 = tpu.vector_load_idx %arg16[%parallel_loop3A_374] : memref<528xi32, #tpu.memory_space<vmem>>[vector<16xi32>], vector<16xi32>,
        %parallel_loop3A_376 = vector.broadcast %min3A_179 : i32 to vector<16xi32>
        %parallel_loop3A_377 = arith.subi %parallel_loop3A_374, %parallel_loop3A_376 : vector<16xi32>
        %parallel_loop3A_378 = arith.constant 0 : i32
        %parallel_loop3A_379 = vector.broadcast %parallel_loop3A_378 : i32 to vector<16xi32>
        %parallel_loop3A_380 = arith.maxsi %parallel_loop3A_377, %parallel_loop3A_379 : vector<16xi32>
        %parallel_loop3A_381 = tpu.vector_load_idx %arg17[%parallel_loop3A_380] : memref<528xi32, #tpu.memory_space<vmem>>[vector<16xi32>], vector<16xi32>,
        %parallel_loop3A_382 = vector.broadcast %min3A_179 : i32 to vector<16xi32>
        %parallel_loop3A_383 = arith.cmpi slt, %parallel_loop3A_374, %parallel_loop3A_382 : vector<16xi32>
        %parallel_loop3A_384 = arith.select %parallel_loop3A_383, %parallel_loop3A_375, %parallel_loop3A_381 : vector<16xi1>, vector<16xi32>
        %parallel_loop3A_385 = vector.broadcast %mul3A_32 : i32 to vector<16xi32>
        %parallel_loop3A_386 = arith.addi %parallel_loop3A_384, %parallel_loop3A_385 : vector<16xi32>
        %parallel_loop3A_387 = arith.index_cast %parallel_loop3A_372 : i32 to index
        %parallel_loop3A_388 = tpu.vector_load %arg18[%parallel_loop3A_387] {strides = array<i32>} : memref<512xi32, #tpu.memory_space<vmem>>, vector<16xi32>,
        tpu.vector_store %arg18[%parallel_loop3A_387], %parallel_loop3A_386 {strides = array<i32>} : memref<512xi32, #tpu.memory_space<vmem>>, vector<16xi32>,
        %parallel_loop3A_389 = tpu.vector_load_idx %arg11[%parallel_loop3A_384] : memref<16384xf32, #tpu.memory_space<vmem>>[vector<16xi32>], vector<16xf32>,
        %parallel_loop3A_390 = tpu.vector_load_idx %arg12[%parallel_loop3A_384] : memref<16384xf32, #tpu.memory_space<vmem>>[vector<16xi32>], vector<16xf32>,
        %parallel_loop3A_391 = tpu.vector_load_idx %arg13[%parallel_loop3A_384] : memref<16384xf32, #tpu.memory_space<vmem>>[vector<16xi32>], vector<16xf32>,
        %parallel_loop3A_392 = tpu.vector_load_idx %arg15[%parallel_loop3A_384] : memref<16384xf32, #tpu.memory_space<vmem>>[vector<16xi32>], vector<16xf32>,
        %parallel_loop3A_393 = tpu.vector_load_idx %arg14[%parallel_loop3A_384] : memref<16384xf32, #tpu.memory_space<vmem>>[vector<16xi32>], vector<16xf32>,
        %parallel_loop3A_394 = vector.broadcast %reduce_sum3A_77 : f32 to vector<16xf32>
        %parallel_loop3A_395 = arith.subf %parallel_loop3A_389, %parallel_loop3A_394 : vector<16xf32>
        %parallel_loop3A_396 = vector.broadcast %reduce_sum3A_87 : f32 to vector<16xf32>
        %parallel_loop3A_397 = arith.subf %parallel_loop3A_390, %parallel_loop3A_396 : vector<16xf32>
        %parallel_loop3A_398 = vector.broadcast %reduce_sum3A_97 : f32 to vector<16xf32>
        %parallel_loop3A_399 = arith.subf %parallel_loop3A_391, %parallel_loop3A_398 : vector<16xf32>
        %parallel_loop3A_400 = vector.broadcast %reduce_sum3A_107 : f32 to vector<16xf32>
        %parallel_loop3A_401 = arith.mulf %parallel_loop3A_400, %parallel_loop3A_395 : vector<16xf32>
        %parallel_loop3A_402 = vector.broadcast %reduce_sum3A_117 : f32 to vector<16xf32>
        %parallel_loop3A_403 = arith.mulf %parallel_loop3A_402, %parallel_loop3A_399 : vector<16xf32>
        %parallel_loop3A_404 = arith.subf %parallel_loop3A_401, %parallel_loop3A_403 : vector<16xf32>
        %parallel_loop3A_405 = vector.broadcast %reduce_sum3A_117 : f32 to vector<16xf32>
        %parallel_loop3A_406 = arith.mulf %parallel_loop3A_405, %parallel_loop3A_395 : vector<16xf32>
        %parallel_loop3A_407 = vector.broadcast %reduce_sum3A_107 : f32 to vector<16xf32>
        %parallel_loop3A_408 = arith.mulf %parallel_loop3A_407, %parallel_loop3A_399 : vector<16xf32>
        %parallel_loop3A_409 = arith.addf %parallel_loop3A_406, %parallel_loop3A_408 : vector<16xf32>
        %parallel_loop3A_410 = arith.constant 3 : i32
        %parallel_loop3A_411 = vector.broadcast %parallel_loop3A_410 : i32 to vector<16xi32>
        %parallel_loop3A_412 = arith.muli %parallel_loop3A_374, %parallel_loop3A_411 : vector<16xi32>
        tpu.vector_store_idx %arg19[%parallel_loop3A_412], %parallel_loop3A_404 : memref<1536xf32, #tpu.memory_space<vmem>>[vector<16xi32>], vector<16xf32>,
        %parallel_loop3A_413 = arith.constant 1 : i32
        %parallel_loop3A_414 = vector.broadcast %parallel_loop3A_413 : i32 to vector<16xi32>
        %parallel_loop3A_415 = arith.addi %parallel_loop3A_412, %parallel_loop3A_414 : vector<16xi32>
        tpu.vector_store_idx %arg19[%parallel_loop3A_415], %parallel_loop3A_397 : memref<1536xf32, #tpu.memory_space<vmem>>[vector<16xi32>], vector<16xf32>,
        %parallel_loop3A_416 = arith.constant 2 : i32
        %parallel_loop3A_417 = vector.broadcast %parallel_loop3A_416 : i32 to vector<16xi32>
        %parallel_loop3A_418 = arith.addi %parallel_loop3A_412, %parallel_loop3A_417 : vector<16xi32>
        tpu.vector_store_idx %arg19[%parallel_loop3A_418], %parallel_loop3A_409 : memref<1536xf32, #tpu.memory_space<vmem>>[vector<16xi32>], vector<16xf32>,
        %parallel_loop3A_419 = arith.constant 2 : i32
        %parallel_loop3A_420 = vector.broadcast %parallel_loop3A_419 : i32 to vector<16xi32>
        %parallel_loop3A_421 = arith.muli %parallel_loop3A_374, %parallel_loop3A_420 : vector<16xi32>
        tpu.vector_store_idx %arg20[%parallel_loop3A_421], %parallel_loop3A_392 : memref<1024xf32, #tpu.memory_space<vmem>>[vector<16xi32>], vector<16xf32>,
        %parallel_loop3A_422 = arith.constant 1 : i32
        %parallel_loop3A_423 = vector.broadcast %parallel_loop3A_422 : i32 to vector<16xi32>
        %parallel_loop3A_424 = arith.addi %parallel_loop3A_421, %parallel_loop3A_423 : vector<16xi32>
        %parallel_loop3A_425 = arith.constant 7.000000e+01 : f32
        %parallel_loop3A_426 = vector.broadcast %parallel_loop3A_425 : f32 to vector<16xf32>
        %parallel_loop3A_427 = arith.divf %parallel_loop3A_393, %parallel_loop3A_426 : vector<16xf32>
        %parallel_loop3A_428 = arith.constant 5.000000e-01 : f32
        %parallel_loop3A_429 = vector.broadcast %parallel_loop3A_428 : f32 to vector<16xf32>
        %parallel_loop3A_430 = arith.subf %parallel_loop3A_427, %parallel_loop3A_429 : vector<16xf32>
        tpu.vector_store_idx %arg20[%parallel_loop3A_424], %parallel_loop3A_430 : memref<1024xf32, #tpu.memory_space<vmem>>[vector<16xi32>], vector<16xf32>,
      } {sc.loop_unroll_factor = 8 : i64, sc.parallel_access}
      %mul3A_185 = arith.constant 1536 : i32
      %mul3A_186 = arith.muli %add3A_66, %mul3A_185 : i32
      %dma_start3A = tpu.memref_slice %arg7[%mul3A_186] : memref<393216xf32, #tpu.memory_space<hbm>> -> memref<1536xf32, #tpu.memory_space<hbm>>
      %dma_start3A_187 = tpu.memref_slice %arg7[%mul3A_186] : memref<393216xf32, #tpu.memory_space<hbm>> -> memref<1536xf32, #tpu.memory_space<hbm>>
      tpu.enqueue_dma source(%arg19 : memref<1536xf32, #tpu.memory_space<vmem>>) target(%dma_start3A_187 : memref<1536xf32, #tpu.memory_space<hbm>>) target_semaphore(%arg26 : memref<!tpu.dma_semaphore, #tpu.memory_space<semaphore_mem>>)
      %mul3A_188 = arith.constant 1024 : i32
      %mul3A_189 = arith.muli %add3A_66, %mul3A_188 : i32
      %dma_start3A_190 = tpu.memref_slice %arg9[%mul3A_189] : memref<262144xf32, #tpu.memory_space<hbm>> -> memref<1024xf32, #tpu.memory_space<hbm>>
      %dma_start3A_191 = tpu.memref_slice %arg9[%mul3A_189] : memref<262144xf32, #tpu.memory_space<hbm>> -> memref<1024xf32, #tpu.memory_space<hbm>>
      tpu.enqueue_dma source(%arg20 : memref<1024xf32, #tpu.memory_space<vmem>>) target(%dma_start3A_191 : memref<1024xf32, #tpu.memory_space<hbm>>) target_semaphore(%arg26 : memref<!tpu.dma_semaphore, #tpu.memory_space<semaphore_mem>>)
      %dma_start3A_192 = arith.constant 0 : i32
      %dma_start3A_193 = arith.constant 0 : i32
      %dma_start3A_194 = tpu.memref_slice %arg21[%dma_start3A_192, %dma_start3A_193] : memref<256x128xf32, #tpu.memory_space<vmem>> -> memref<128x128xf32, #tpu.memory_space<vmem>>
      %dma_start3A_195 = arith.constant 0 : i32
      %dma_start3A_196 = tpu.memref_slice %arg18[%dma_start3A_195] : memref<512xi32, #tpu.memory_space<vmem>> -> memref<128xi32, #tpu.memory_space<vmem>>
      %dma_start3A_197 = arith.constant 0 : i32
      %dma_start3A_198 = arith.constant 0 : i32
      %dma_start3A_199 = tpu.memref_slice %arg5[%dma_start3A_197, %dma_start3A_198] : memref<65536x128xf32, #tpu.memory_space<hbm>> -> memref<65536x128xf32, #tpu.memory_space<hbm>>
      tpu.enqueue_indirect_dma source(%dma_start3A_199 : memref<65536x128xf32, #tpu.memory_space<hbm>>) target(%dma_start3A_194 : memref<128x128xf32, #tpu.memory_space<vmem>>) offsets(%dma_start3A_196 : memref<128xi32, #tpu.memory_space<vmem>>) semaphore(%arg24 : memref<!tpu.dma_semaphore, #tpu.memory_space<semaphore_mem>>)
      %dma_wait3A = arith.constant 0 : i32
      %dma_wait3A_200 = arith.constant 0 : i32
      %dma_wait3A_201 = tpu.memref_slice %arg21[%dma_wait3A, %dma_wait3A_200] : memref<256x128xf32, #tpu.memory_space<vmem>> -> memref<128x128xf32, #tpu.memory_space<vmem>>
      %dma_wait3A_202 = arith.constant 0 : i32
      %dma_wait3A_203 = tpu.memref_slice %arg18[%dma_wait3A_202] : memref<512xi32, #tpu.memory_space<vmem>> -> memref<128xi32, #tpu.memory_space<vmem>>
      %dma_wait3A_204 = arith.constant 0 : i32
      %dma_wait3A_205 = arith.constant 0 : i32
      %dma_wait3A_206 = tpu.memref_slice %arg5[%dma_wait3A_204, %dma_wait3A_205] : memref<65536x128xf32, #tpu.memory_space<hbm>> -> memref<65536x128xf32, #tpu.memory_space<hbm>>
      tpu.wait_indirect_dma semaphore(%arg24 : memref<!tpu.dma_semaphore, #tpu.memory_space<semaphore_mem>>) src(%dma_wait3A_206 : memref<65536x128xf32, #tpu.memory_space<hbm>>) dst(%dma_wait3A_201 : memref<128x128xf32, #tpu.memory_space<vmem>>)
      %mul3A_207 = arith.constant 512 : i32
      %mul3A_208 = arith.muli %add3A_66, %mul3A_207 : i32
      %add3A_209 = arith.constant 0 : i32
      %add3A_210 = arith.addi %mul3A_208, %add3A_209 : i32
      %dma_start3A_211 = arith.constant 0 : i32
      %dma_start3A_212 = arith.constant 0 : i32
      %dma_start3A_213 = tpu.memref_slice %arg21[%dma_start3A_211, %dma_start3A_212] : memref<256x128xf32, #tpu.memory_space<vmem>> -> memref<128x128xf32, #tpu.memory_space<vmem>>
      %dma_start3A_214 = arith.constant 0 : i32
      %dma_start3A_215 = tpu.memref_slice %arg8[%add3A_210, %dma_start3A_214] : memref<131072x128xf32, #tpu.memory_space<hbm>> -> memref<128x128xf32, #tpu.memory_space<hbm>>
      %dma_start3A_216 = arith.constant 0 : i32
      %dma_start3A_217 = tpu.memref_slice %arg8[%add3A_210, %dma_start3A_216] : memref<131072x128xf32, #tpu.memory_space<hbm>> -> memref<128x128xf32, #tpu.memory_space<hbm>>
      %dma_start3A_218 = arith.constant 0 : i32
      %dma_start3A_219 = arith.constant 0 : i32
      %dma_start3A_220 = tpu.memref_slice %arg21[%dma_start3A_218, %dma_start3A_219] : memref<256x128xf32, #tpu.memory_space<vmem>> -> memref<128x128xf32, #tpu.memory_space<vmem>>
      tpu.enqueue_dma source(%dma_start3A_220 : memref<128x128xf32, #tpu.memory_space<vmem>>) target(%dma_start3A_217 : memref<128x128xf32, #tpu.memory_space<hbm>>) target_semaphore(%arg25 : memref<!tpu.dma_semaphore, #tpu.memory_space<semaphore_mem>>)
      %dma_start3A_221 = arith.constant 128 : i32
      %dma_start3A_222 = arith.constant 0 : i32
      %dma_start3A_223 = tpu.memref_slice %arg21[%dma_start3A_221, %dma_start3A_222] : memref<256x128xf32, #tpu.memory_space<vmem>> -> memref<128x128xf32, #tpu.memory_space<vmem>>
      %dma_start3A_224 = arith.constant 128 : i32
      %dma_start3A_225 = tpu.memref_slice %arg18[%dma_start3A_224] : memref<512xi32, #tpu.memory_space<vmem>> -> memref<128xi32, #tpu.memory_space<vmem>>
      %dma_start3A_226 = arith.constant 0 : i32
      %dma_start3A_227 = arith.constant 0 : i32
      %dma_start3A_228 = tpu.memref_slice %arg5[%dma_start3A_226, %dma_start3A_227] : memref<65536x128xf32, #tpu.memory_space<hbm>> -> memref<65536x128xf32, #tpu.memory_space<hbm>>
      tpu.enqueue_indirect_dma source(%dma_start3A_228 : memref<65536x128xf32, #tpu.memory_space<hbm>>) target(%dma_start3A_223 : memref<128x128xf32, #tpu.memory_space<vmem>>) offsets(%dma_start3A_225 : memref<128xi32, #tpu.memory_space<vmem>>) semaphore(%arg24 : memref<!tpu.dma_semaphore, #tpu.memory_space<semaphore_mem>>)
      %dma_wait3A_229 = arith.constant 128 : i32
      %dma_wait3A_230 = arith.constant 0 : i32
      %dma_wait3A_231 = tpu.memref_slice %arg21[%dma_wait3A_229, %dma_wait3A_230] : memref<256x128xf32, #tpu.memory_space<vmem>> -> memref<128x128xf32, #tpu.memory_space<vmem>>
      %dma_wait3A_232 = arith.constant 128 : i32
      %dma_wait3A_233 = tpu.memref_slice %arg18[%dma_wait3A_232] : memref<512xi32, #tpu.memory_space<vmem>> -> memref<128xi32, #tpu.memory_space<vmem>>
      %dma_wait3A_234 = arith.constant 0 : i32
      %dma_wait3A_235 = arith.constant 0 : i32
      %dma_wait3A_236 = tpu.memref_slice %arg5[%dma_wait3A_234, %dma_wait3A_235] : memref<65536x128xf32, #tpu.memory_space<hbm>> -> memref<65536x128xf32, #tpu.memory_space<hbm>>
      tpu.wait_indirect_dma semaphore(%arg24 : memref<!tpu.dma_semaphore, #tpu.memory_space<semaphore_mem>>) src(%dma_wait3A_236 : memref<65536x128xf32, #tpu.memory_space<hbm>>) dst(%dma_wait3A_231 : memref<128x128xf32, #tpu.memory_space<vmem>>)
      %mul3A_237 = arith.constant 512 : i32
      %mul3A_238 = arith.muli %add3A_66, %mul3A_237 : i32
      %add3A_239 = arith.constant 128 : i32
      %add3A_240 = arith.addi %mul3A_238, %add3A_239 : i32
      %dma_start3A_241 = arith.constant 128 : i32
      %dma_start3A_242 = arith.constant 0 : i32
      %dma_start3A_243 = tpu.memref_slice %arg21[%dma_start3A_241, %dma_start3A_242] : memref<256x128xf32, #tpu.memory_space<vmem>> -> memref<128x128xf32, #tpu.memory_space<vmem>>
      %dma_start3A_244 = arith.constant 0 : i32
      %dma_start3A_245 = tpu.memref_slice %arg8[%add3A_240, %dma_start3A_244] : memref<131072x128xf32, #tpu.memory_space<hbm>> -> memref<128x128xf32, #tpu.memory_space<hbm>>
      %dma_start3A_246 = arith.constant 0 : i32
      %dma_start3A_247 = tpu.memref_slice %arg8[%add3A_240, %dma_start3A_246] : memref<131072x128xf32, #tpu.memory_space<hbm>> -> memref<128x128xf32, #tpu.memory_space<hbm>>
      %dma_start3A_248 = arith.constant 128 : i32
      %dma_start3A_249 = arith.constant 0 : i32
      %dma_start3A_250 = tpu.memref_slice %arg21[%dma_start3A_248, %dma_start3A_249] : memref<256x128xf32, #tpu.memory_space<vmem>> -> memref<128x128xf32, #tpu.memory_space<vmem>>
      tpu.enqueue_dma source(%dma_start3A_250 : memref<128x128xf32, #tpu.memory_space<vmem>>) target(%dma_start3A_247 : memref<128x128xf32, #tpu.memory_space<hbm>>) target_semaphore(%arg25 : memref<!tpu.dma_semaphore, #tpu.memory_space<semaphore_mem>>)
      %dma_wait3A_251 = arith.constant 0 : i32
      %dma_wait3A_252 = arith.constant 0 : i32
      %dma_wait3A_253 = tpu.memref_slice %arg21[%dma_wait3A_251, %dma_wait3A_252] : memref<256x128xf32, #tpu.memory_space<vmem>> -> memref<128x128xf32, #tpu.memory_space<vmem>>
      %dma_wait3A_254 = arith.constant 0 : i32
      %dma_wait3A_255 = tpu.memref_slice %arg8[%add3A_210, %dma_wait3A_254] : memref<131072x128xf32, #tpu.memory_space<hbm>> -> memref<128x128xf32, #tpu.memory_space<hbm>>
      %dma_wait3A_256 = arith.constant 0 : i32
      %dma_wait3A_257 = tpu.memref_slice %arg8[%add3A_210, %dma_wait3A_256] : memref<131072x128xf32, #tpu.memory_space<hbm>> -> memref<128x128xf32, #tpu.memory_space<hbm>>
      %dma_wait3A_258 = arith.constant 0 : i32
      %dma_wait3A_259 = arith.constant 0 : i32
      %dma_wait3A_260 = tpu.memref_slice %arg21[%dma_wait3A_258, %dma_wait3A_259] : memref<256x128xf32, #tpu.memory_space<vmem>> -> memref<128x128xf32, #tpu.memory_space<vmem>>
      tpu.wait_dma2 semaphore(%arg25 : memref<!tpu.dma_semaphore, #tpu.memory_space<semaphore_mem>>) src(%dma_wait3A_260 : memref<128x128xf32, #tpu.memory_space<vmem>>) dst(%dma_wait3A_257 : memref<128x128xf32, #tpu.memory_space<hbm>>)
      %dma_start3A_261 = arith.constant 0 : i32
      %dma_start3A_262 = arith.constant 0 : i32
      %dma_start3A_263 = tpu.memref_slice %arg21[%dma_start3A_261, %dma_start3A_262] : memref<256x128xf32, #tpu.memory_space<vmem>> -> memref<128x128xf32, #tpu.memory_space<vmem>>
      %dma_start3A_264 = arith.constant 256 : i32
      %dma_start3A_265 = tpu.memref_slice %arg18[%dma_start3A_264] : memref<512xi32, #tpu.memory_space<vmem>> -> memref<128xi32, #tpu.memory_space<vmem>>
      %dma_start3A_266 = arith.constant 0 : i32
      %dma_start3A_267 = arith.constant 0 : i32
      %dma_start3A_268 = tpu.memref_slice %arg5[%dma_start3A_266, %dma_start3A_267] : memref<65536x128xf32, #tpu.memory_space<hbm>> -> memref<65536x128xf32, #tpu.memory_space<hbm>>
      tpu.enqueue_indirect_dma source(%dma_start3A_268 : memref<65536x128xf32, #tpu.memory_space<hbm>>) target(%dma_start3A_263 : memref<128x128xf32, #tpu.memory_space<vmem>>) offsets(%dma_start3A_265 : memref<128xi32, #tpu.memory_space<vmem>>) semaphore(%arg24 : memref<!tpu.dma_semaphore, #tpu.memory_space<semaphore_mem>>)
      %dma_wait3A_269 = arith.constant 0 : i32
      %dma_wait3A_270 = arith.constant 0 : i32
      %dma_wait3A_271 = tpu.memref_slice %arg21[%dma_wait3A_269, %dma_wait3A_270] : memref<256x128xf32, #tpu.memory_space<vmem>> -> memref<128x128xf32, #tpu.memory_space<vmem>>
      %dma_wait3A_272 = arith.constant 256 : i32
      %dma_wait3A_273 = tpu.memref_slice %arg18[%dma_wait3A_272] : memref<512xi32, #tpu.memory_space<vmem>> -> memref<128xi32, #tpu.memory_space<vmem>>
      %dma_wait3A_274 = arith.constant 0 : i32
      %dma_wait3A_275 = arith.constant 0 : i32
      %dma_wait3A_276 = tpu.memref_slice %arg5[%dma_wait3A_274, %dma_wait3A_275] : memref<65536x128xf32, #tpu.memory_space<hbm>> -> memref<65536x128xf32, #tpu.memory_space<hbm>>
      tpu.wait_indirect_dma semaphore(%arg24 : memref<!tpu.dma_semaphore, #tpu.memory_space<semaphore_mem>>) src(%dma_wait3A_276 : memref<65536x128xf32, #tpu.memory_space<hbm>>) dst(%dma_wait3A_271 : memref<128x128xf32, #tpu.memory_space<vmem>>)
      %mul3A_277 = arith.constant 512 : i32
      %mul3A_278 = arith.muli %add3A_66, %mul3A_277 : i32
      %add3A_279 = arith.constant 256 : i32
      %add3A_280 = arith.addi %mul3A_278, %add3A_279 : i32
      %dma_start3A_281 = arith.constant 0 : i32
      %dma_start3A_282 = arith.constant 0 : i32
      %dma_start3A_283 = tpu.memref_slice %arg21[%dma_start3A_281, %dma_start3A_282] : memref<256x128xf32, #tpu.memory_space<vmem>> -> memref<128x128xf32, #tpu.memory_space<vmem>>
      %dma_start3A_284 = arith.constant 0 : i32
      %dma_start3A_285 = tpu.memref_slice %arg8[%add3A_280, %dma_start3A_284] : memref<131072x128xf32, #tpu.memory_space<hbm>> -> memref<128x128xf32, #tpu.memory_space<hbm>>
      %dma_start3A_286 = arith.constant 0 : i32
      %dma_start3A_287 = tpu.memref_slice %arg8[%add3A_280, %dma_start3A_286] : memref<131072x128xf32, #tpu.memory_space<hbm>> -> memref<128x128xf32, #tpu.memory_space<hbm>>
      %dma_start3A_288 = arith.constant 0 : i32
      %dma_start3A_289 = arith.constant 0 : i32
      %dma_start3A_290 = tpu.memref_slice %arg21[%dma_start3A_288, %dma_start3A_289] : memref<256x128xf32, #tpu.memory_space<vmem>> -> memref<128x128xf32, #tpu.memory_space<vmem>>
      tpu.enqueue_dma source(%dma_start3A_290 : memref<128x128xf32, #tpu.memory_space<vmem>>) target(%dma_start3A_287 : memref<128x128xf32, #tpu.memory_space<hbm>>) target_semaphore(%arg25 : memref<!tpu.dma_semaphore, #tpu.memory_space<semaphore_mem>>)
      %dma_wait3A_291 = arith.constant 128 : i32
      %dma_wait3A_292 = arith.constant 0 : i32
      %dma_wait3A_293 = tpu.memref_slice %arg21[%dma_wait3A_291, %dma_wait3A_292] : memref<256x128xf32, #tpu.memory_space<vmem>> -> memref<128x128xf32, #tpu.memory_space<vmem>>
      %dma_wait3A_294 = arith.constant 0 : i32
      %dma_wait3A_295 = tpu.memref_slice %arg8[%add3A_240, %dma_wait3A_294] : memref<131072x128xf32, #tpu.memory_space<hbm>> -> memref<128x128xf32, #tpu.memory_space<hbm>>
      %dma_wait3A_296 = arith.constant 0 : i32
      %dma_wait3A_297 = tpu.memref_slice %arg8[%add3A_240, %dma_wait3A_296] : memref<131072x128xf32, #tpu.memory_space<hbm>> -> memref<128x128xf32, #tpu.memory_space<hbm>>
      %dma_wait3A_298 = arith.constant 128 : i32
      %dma_wait3A_299 = arith.constant 0 : i32
      %dma_wait3A_300 = tpu.memref_slice %arg21[%dma_wait3A_298, %dma_wait3A_299] : memref<256x128xf32, #tpu.memory_space<vmem>> -> memref<128x128xf32, #tpu.memory_space<vmem>>
      tpu.wait_dma2 semaphore(%arg25 : memref<!tpu.dma_semaphore, #tpu.memory_space<semaphore_mem>>) src(%dma_wait3A_300 : memref<128x128xf32, #tpu.memory_space<vmem>>) dst(%dma_wait3A_297 : memref<128x128xf32, #tpu.memory_space<hbm>>)
      %dma_start3A_301 = arith.constant 128 : i32
      %dma_start3A_302 = arith.constant 0 : i32
      %dma_start3A_303 = tpu.memref_slice %arg21[%dma_start3A_301, %dma_start3A_302] : memref<256x128xf32, #tpu.memory_space<vmem>> -> memref<128x128xf32, #tpu.memory_space<vmem>>
      %dma_start3A_304 = arith.constant 384 : i32
      %dma_start3A_305 = tpu.memref_slice %arg18[%dma_start3A_304] : memref<512xi32, #tpu.memory_space<vmem>> -> memref<128xi32, #tpu.memory_space<vmem>>
      %dma_start3A_306 = arith.constant 0 : i32
      %dma_start3A_307 = arith.constant 0 : i32
      %dma_start3A_308 = tpu.memref_slice %arg5[%dma_start3A_306, %dma_start3A_307] : memref<65536x128xf32, #tpu.memory_space<hbm>> -> memref<65536x128xf32, #tpu.memory_space<hbm>>
      tpu.enqueue_indirect_dma source(%dma_start3A_308 : memref<65536x128xf32, #tpu.memory_space<hbm>>) target(%dma_start3A_303 : memref<128x128xf32, #tpu.memory_space<vmem>>) offsets(%dma_start3A_305 : memref<128xi32, #tpu.memory_space<vmem>>) semaphore(%arg24 : memref<!tpu.dma_semaphore, #tpu.memory_space<semaphore_mem>>)
      %dma_wait3A_309 = arith.constant 128 : i32
      %dma_wait3A_310 = arith.constant 0 : i32
      %dma_wait3A_311 = tpu.memref_slice %arg21[%dma_wait3A_309, %dma_wait3A_310] : memref<256x128xf32, #tpu.memory_space<vmem>> -> memref<128x128xf32, #tpu.memory_space<vmem>>
      %dma_wait3A_312 = arith.constant 384 : i32
      %dma_wait3A_313 = tpu.memref_slice %arg18[%dma_wait3A_312] : memref<512xi32, #tpu.memory_space<vmem>> -> memref<128xi32, #tpu.memory_space<vmem>>
      %dma_wait3A_314 = arith.constant 0 : i32
      %dma_wait3A_315 = arith.constant 0 : i32
      %dma_wait3A_316 = tpu.memref_slice %arg5[%dma_wait3A_314, %dma_wait3A_315] : memref<65536x128xf32, #tpu.memory_space<hbm>> -> memref<65536x128xf32, #tpu.memory_space<hbm>>
      tpu.wait_indirect_dma semaphore(%arg24 : memref<!tpu.dma_semaphore, #tpu.memory_space<semaphore_mem>>) src(%dma_wait3A_316 : memref<65536x128xf32, #tpu.memory_space<hbm>>) dst(%dma_wait3A_311 : memref<128x128xf32, #tpu.memory_space<vmem>>)
      %mul3A_317 = arith.constant 512 : i32
      %mul3A_318 = arith.muli %add3A_66, %mul3A_317 : i32
      %add3A_319 = arith.constant 384 : i32
      %add3A_320 = arith.addi %mul3A_318, %add3A_319 : i32
      %dma_start3A_321 = arith.constant 128 : i32
      %dma_start3A_322 = arith.constant 0 : i32
      %dma_start3A_323 = tpu.memref_slice %arg21[%dma_start3A_321, %dma_start3A_322] : memref<256x128xf32, #tpu.memory_space<vmem>> -> memref<128x128xf32, #tpu.memory_space<vmem>>
      %dma_start3A_324 = arith.constant 0 : i32
      %dma_start3A_325 = tpu.memref_slice %arg8[%add3A_320, %dma_start3A_324] : memref<131072x128xf32, #tpu.memory_space<hbm>> -> memref<128x128xf32, #tpu.memory_space<hbm>>
      %dma_start3A_326 = arith.constant 0 : i32
      %dma_start3A_327 = tpu.memref_slice %arg8[%add3A_320, %dma_start3A_326] : memref<131072x128xf32, #tpu.memory_space<hbm>> -> memref<128x128xf32, #tpu.memory_space<hbm>>
      %dma_start3A_328 = arith.constant 128 : i32
      %dma_start3A_329 = arith.constant 0 : i32
      %dma_start3A_330 = tpu.memref_slice %arg21[%dma_start3A_328, %dma_start3A_329] : memref<256x128xf32, #tpu.memory_space<vmem>> -> memref<128x128xf32, #tpu.memory_space<vmem>>
      tpu.enqueue_dma source(%dma_start3A_330 : memref<128x128xf32, #tpu.memory_space<vmem>>) target(%dma_start3A_327 : memref<128x128xf32, #tpu.memory_space<hbm>>) target_semaphore(%arg25 : memref<!tpu.dma_semaphore, #tpu.memory_space<semaphore_mem>>)
      %dma_wait3A_331 = arith.constant 0 : i32
      %dma_wait3A_332 = arith.constant 0 : i32
      %dma_wait3A_333 = tpu.memref_slice %arg21[%dma_wait3A_331, %dma_wait3A_332] : memref<256x128xf32, #tpu.memory_space<vmem>> -> memref<128x128xf32, #tpu.memory_space<vmem>>
      %dma_wait3A_334 = arith.constant 0 : i32
      %dma_wait3A_335 = tpu.memref_slice %arg8[%add3A_280, %dma_wait3A_334] : memref<131072x128xf32, #tpu.memory_space<hbm>> -> memref<128x128xf32, #tpu.memory_space<hbm>>
      %dma_wait3A_336 = arith.constant 0 : i32
      %dma_wait3A_337 = tpu.memref_slice %arg8[%add3A_280, %dma_wait3A_336] : memref<131072x128xf32, #tpu.memory_space<hbm>> -> memref<128x128xf32, #tpu.memory_space<hbm>>
      %dma_wait3A_338 = arith.constant 0 : i32
      %dma_wait3A_339 = arith.constant 0 : i32
      %dma_wait3A_340 = tpu.memref_slice %arg21[%dma_wait3A_338, %dma_wait3A_339] : memref<256x128xf32, #tpu.memory_space<vmem>> -> memref<128x128xf32, #tpu.memory_space<vmem>>
      tpu.wait_dma2 semaphore(%arg25 : memref<!tpu.dma_semaphore, #tpu.memory_space<semaphore_mem>>) src(%dma_wait3A_340 : memref<128x128xf32, #tpu.memory_space<vmem>>) dst(%dma_wait3A_337 : memref<128x128xf32, #tpu.memory_space<hbm>>)
      %dma_wait3A_341 = arith.constant 128 : i32
      %dma_wait3A_342 = arith.constant 0 : i32
      %dma_wait3A_343 = tpu.memref_slice %arg21[%dma_wait3A_341, %dma_wait3A_342] : memref<256x128xf32, #tpu.memory_space<vmem>> -> memref<128x128xf32, #tpu.memory_space<vmem>>
      %dma_wait3A_344 = arith.constant 0 : i32
      %dma_wait3A_345 = tpu.memref_slice %arg8[%add3A_320, %dma_wait3A_344] : memref<131072x128xf32, #tpu.memory_space<hbm>> -> memref<128x128xf32, #tpu.memory_space<hbm>>
      %dma_wait3A_346 = arith.constant 0 : i32
      %dma_wait3A_347 = tpu.memref_slice %arg8[%add3A_320, %dma_wait3A_346] : memref<131072x128xf32, #tpu.memory_space<hbm>> -> memref<128x128xf32, #tpu.memory_space<hbm>>
      %dma_wait3A_348 = arith.constant 128 : i32
      %dma_wait3A_349 = arith.constant 0 : i32
      %dma_wait3A_350 = tpu.memref_slice %arg21[%dma_wait3A_348, %dma_wait3A_349] : memref<256x128xf32, #tpu.memory_space<vmem>> -> memref<128x128xf32, #tpu.memory_space<vmem>>
      tpu.wait_dma2 semaphore(%arg25 : memref<!tpu.dma_semaphore, #tpu.memory_space<semaphore_mem>>) src(%dma_wait3A_350 : memref<128x128xf32, #tpu.memory_space<vmem>>) dst(%dma_wait3A_347 : memref<128x128xf32, #tpu.memory_space<hbm>>)
      %dma_wait3A_351 = tpu.memref_slice %arg7[%mul3A_186] : memref<393216xf32, #tpu.memory_space<hbm>> -> memref<1536xf32, #tpu.memory_space<hbm>>
      %dma_wait3A_352 = tpu.memref_slice %arg7[%mul3A_186] : memref<393216xf32, #tpu.memory_space<hbm>> -> memref<1536xf32, #tpu.memory_space<hbm>>
      tpu.wait_dma2 semaphore(%arg26 : memref<!tpu.dma_semaphore, #tpu.memory_space<semaphore_mem>>) src(%arg19 : memref<1536xf32, #tpu.memory_space<vmem>>) dst(%dma_wait3A_352 : memref<1536xf32, #tpu.memory_space<hbm>>)
      %dma_wait3A_353 = tpu.memref_slice %arg9[%mul3A_189] : memref<262144xf32, #tpu.memory_space<hbm>> -> memref<1024xf32, #tpu.memory_space<hbm>>
      %dma_wait3A_354 = tpu.memref_slice %arg9[%mul3A_189] : memref<262144xf32, #tpu.memory_space<hbm>> -> memref<1024xf32, #tpu.memory_space<hbm>>
      tpu.wait_dma2 semaphore(%arg26 : memref<!tpu.dma_semaphore, #tpu.memory_space<semaphore_mem>>) src(%arg20 : memref<1024xf32, #tpu.memory_space<vmem>>) dst(%dma_wait3A_354 : memref<1024xf32, #tpu.memory_space<hbm>>)
      %gt3A = arith.constant 0 : i32
      %gt3A_355 = arith.cmpi sgt, %parallel_loop3A_178, %gt3A : i32
      %convert_element_type3A = arith.fptosi %reduce_sum3A_157 : f32 to i32
      %jit3A_356 = arith.constant -1 : i32
      %select_n3A_357 = arith.select %gt3A_355, %convert_element_type3A, %jit3A_356 : i32
      %convert_element_type3A_358 = arith.fptosi %reduce_sum3A_167 : f32 to i32
      %jit3A_359 = arith.constant 0 : i32
      %select_n3A_360 = arith.select %gt3A_355, %convert_element_type3A_358, %jit3A_359 : i32
      %eq3A_361 = arith.constant 0 : i32
      %eq3A_362 = vector.broadcast %eq3A_361 : i32 to vector<16xi32>
      %eq3A_363 = arith.cmpi eq, %iota3A, %eq3A_362 : vector<16xi32>
      %add3A_364 = vector.broadcast %scan3A_60 : i32 to vector<16xi32>
      %add3A_365 = arith.addi %broadcast_in_dim3A_181, %add3A_364 : vector<16xi32>
      %broadcast_in_dim3A_366 = vector.broadcast %select_n3A_357 : i32 to vector<16xi32>
      tpu.vector_store_idx %arg23[%add3A_365], %broadcast_in_dim3A_366 masked %eq3A_363 : memref<128xi32, #tpu.memory_space<vmem>>[vector<16xi32>], vector<16xi32>, vector<16xi1>
      %add3A_367 = arith.constant 8 : i32
      %add3A_368 = arith.addi %scan3A_60, %add3A_367 : i32
      %add3A_369 = vector.broadcast %add3A_368 : i32 to vector<16xi32>
      %add3A_370 = arith.addi %broadcast_in_dim3A_181, %add3A_369 : vector<16xi32>
      %broadcast_in_dim3A_371 = vector.broadcast %select_n3A_360 : i32 to vector<16xi32>
      tpu.vector_store_idx %arg23[%add3A_370], %broadcast_in_dim3A_371 masked %eq3A_363 : memref<128xi32, #tpu.memory_space<vmem>>[vector<16xi32>], vector<16xi32>, vector<16xi1>
    }
    %scan3A_57 = arith.constant 8 : i32
    %mul3A_58 = arith.constant 128 : i32
    %mul3A_59 = arith.muli %add3A, %mul3A_58 : i32
    "tpu.region"() ({
      %run_scoped3A = tpu.sem_alloc : memref<!tpu.dma_semaphore, #tpu.memory_space<semaphore_mem>>
      %dma_start3A = tpu.memref_slice %arg10[%mul3A_59] : memref<4096xi32, #tpu.memory_space<hbm>> -> memref<128xi32, #tpu.memory_space<hbm>>
      %dma_start3A_60 = tpu.memref_slice %arg10[%mul3A_59] : memref<4096xi32, #tpu.memory_space<hbm>> -> memref<128xi32, #tpu.memory_space<hbm>>
      tpu.enqueue_dma source(%arg23 : memref<128xi32, #tpu.memory_space<vmem>>) target(%dma_start3A_60 : memref<128xi32, #tpu.memory_space<hbm>>) target_semaphore(%run_scoped3A : memref<!tpu.dma_semaphore, #tpu.memory_space<semaphore_mem>>)
      %dma_wait3A = tpu.memref_slice %arg10[%mul3A_59] : memref<4096xi32, #tpu.memory_space<hbm>> -> memref<128xi32, #tpu.memory_space<hbm>>
      %dma_wait3A_61 = tpu.memref_slice %arg10[%mul3A_59] : memref<4096xi32, #tpu.memory_space<hbm>> -> memref<128xi32, #tpu.memory_space<hbm>>
      tpu.wait_dma2 semaphore(%run_scoped3A : memref<!tpu.dma_semaphore, #tpu.memory_space<semaphore_mem>>) src(%arg23 : memref<128xi32, #tpu.memory_space<vmem>>) dst(%dma_wait3A_61 : memref<128xi32, #tpu.memory_space<hbm>>)
      tpu.yield
    }) : () -> ()
    return
  }
}

module attributes {stable_mosaic.version = 14 : i64} {
  func.func @_select_body(%arg0: i32, %arg1: memref<1x512x8xf32, #tpu.memory_space<vmem>>, %arg2: memref<1x8x512xf32, #tpu.memory_space<vmem>>, %arg3: memref<1x64x8xf32, #tpu.memory_space<vmem>>, %arg4: memref<1x8x64xf32, #tpu.memory_space<vmem>>, %arg5: memref<1x8x64xf32, #tpu.memory_space<vmem>>, %arg6: memref<1x16x64xf32, #tpu.memory_space<vmem>>) attributes {dimension_semantics = [#tpu.dimension_semantics<arbitrary>], iteration_bounds = array<i64: 4>, scalar_prefetch = 0 : i64, scratch_operands = 0 : i64, tpu.core_type = #tpu.core_type<tc>, window_params = [{transform_indices = @transform_0, window_bounds = array<i64: 1, 512, 8>}, {transform_indices = @transform_1, window_bounds = array<i64: 1, 8, 512>}, {transform_indices = @transform_2, window_bounds = array<i64: 1, 64, 8>}, {transform_indices = @transform_3, window_bounds = array<i64: 1, 8, 64>}, {transform_indices = @transform_4, window_bounds = array<i64: 1, 8, 64>}, {transform_indices = @transform_5, window_bounds = array<i64: 1, 16, 64>}]} {
    %get3A = arith.constant 0 : index
    %get3A_0 = arith.constant 0 : index
    %get3A_1 = arith.constant 0 : index
    %get3A_2 = vector.load %arg1[%get3A, %get3A_0, %get3A_1] : memref<1x512x8xf32, #tpu.memory_space<vmem>>, vector<1x512x8xf32>
    %get3A_3 = vector.shape_cast %get3A_2 : vector<1x512x8xf32> to vector<512x8xf32>
    %get3A_4 = arith.constant 0 : index
    %get3A_5 = arith.constant 0 : index
    %get3A_6 = arith.constant 0 : index
    %get3A_7 = vector.load %arg2[%get3A_4, %get3A_5, %get3A_6] : memref<1x8x512xf32, #tpu.memory_space<vmem>>, vector<1x8x512xf32>
    %get3A_8 = vector.shape_cast %get3A_7 : vector<1x8x512xf32> to vector<8x512xf32>
    %get3A_9 = arith.constant 0 : index
    %get3A_10 = arith.constant 0 : index
    %get3A_11 = arith.constant 0 : index
    %get3A_12 = vector.load %arg3[%get3A_9, %get3A_10, %get3A_11] : memref<1x64x8xf32, #tpu.memory_space<vmem>>, vector<1x64x8xf32>
    %get3A_13 = vector.shape_cast %get3A_12 : vector<1x64x8xf32> to vector<64x8xf32>
    %slice3A = vector.extract_strided_slice %get3A_3 {offsets = [0, 0], sizes = [512, 1], strides = [1, 1]} : vector<512x8xf32> to vector<512x1xf32>
    %slice3A_14 = vector.extract_strided_slice %get3A_3 {offsets = [0, 1], sizes = [512, 1], strides = [1, 1]} : vector<512x8xf32> to vector<512x1xf32>
    %slice3A_15 = vector.extract_strided_slice %get3A_3 {offsets = [0, 2], sizes = [512, 1], strides = [1, 1]} : vector<512x8xf32> to vector<512x1xf32>
    %slice3A_16 = vector.extract_strided_slice %get3A_3 {offsets = [0, 3], sizes = [512, 1], strides = [1, 1]} : vector<512x8xf32> to vector<512x1xf32>
    %slice3A_17 = vector.extract_strided_slice %get3A_3 {offsets = [0, 4], sizes = [512, 1], strides = [1, 1]} : vector<512x8xf32> to vector<512x1xf32>
    %slice3A_18 = vector.extract_strided_slice %get3A_3 {offsets = [0, 5], sizes = [512, 1], strides = [1, 1]} : vector<512x8xf32> to vector<512x1xf32>
    %slice3A_19 = vector.extract_strided_slice %get3A_13 {offsets = [0, 0], sizes = [64, 1], strides = [1, 1]} : vector<64x8xf32> to vector<64x1xf32>
    %squeeze3A = vector.shape_cast %slice3A_19 : vector<64x1xf32> to vector<64xf32>
    %broadcast_in_dim3A = vector.shape_cast %squeeze3A : vector<64xf32> to vector<1x64xf32>
    %broadcast_in_dim3A_20 = vector.broadcast %broadcast_in_dim3A : vector<1x64xf32> to vector<512x64xf32>
    %slice3A_21 = vector.extract_strided_slice %get3A_13 {offsets = [0, 1], sizes = [64, 1], strides = [1, 1]} : vector<64x8xf32> to vector<64x1xf32>
    %squeeze3A_22 = vector.shape_cast %slice3A_21 : vector<64x1xf32> to vector<64xf32>
    %broadcast_in_dim3A_23 = vector.shape_cast %squeeze3A_22 : vector<64xf32> to vector<1x64xf32>
    %broadcast_in_dim3A_24 = vector.broadcast %broadcast_in_dim3A_23 : vector<1x64xf32> to vector<512x64xf32>
    %slice3A_25 = vector.extract_strided_slice %get3A_13 {offsets = [0, 2], sizes = [64, 1], strides = [1, 1]} : vector<64x8xf32> to vector<64x1xf32>
    %squeeze3A_26 = vector.shape_cast %slice3A_25 : vector<64x1xf32> to vector<64xf32>
    %broadcast_in_dim3A_27 = vector.shape_cast %squeeze3A_26 : vector<64xf32> to vector<1x64xf32>
    %broadcast_in_dim3A_28 = vector.broadcast %broadcast_in_dim3A_27 : vector<1x64xf32> to vector<512x64xf32>
    %slice3A_29 = vector.extract_strided_slice %get3A_13 {offsets = [0, 3], sizes = [64, 1], strides = [1, 1]} : vector<64x8xf32> to vector<64x1xf32>
    %squeeze3A_30 = vector.shape_cast %slice3A_29 : vector<64x1xf32> to vector<64xf32>
    %broadcast_in_dim3A_31 = vector.shape_cast %squeeze3A_30 : vector<64xf32> to vector<1x64xf32>
    %broadcast_in_dim3A_32 = vector.broadcast %broadcast_in_dim3A_31 : vector<1x64xf32> to vector<512x64xf32>
    %slice3A_33 = vector.extract_strided_slice %get3A_13 {offsets = [0, 4], sizes = [64, 1], strides = [1, 1]} : vector<64x8xf32> to vector<64x1xf32>
    %squeeze3A_34 = vector.shape_cast %slice3A_33 : vector<64x1xf32> to vector<64xf32>
    %broadcast_in_dim3A_35 = vector.shape_cast %squeeze3A_34 : vector<64xf32> to vector<1x64xf32>
    %broadcast_in_dim3A_36 = vector.broadcast %broadcast_in_dim3A_35 : vector<1x64xf32> to vector<512x64xf32>
    %slice3A_37 = vector.extract_strided_slice %get3A_13 {offsets = [0, 5], sizes = [64, 1], strides = [1, 1]} : vector<64x8xf32> to vector<64x1xf32>
    %squeeze3A_38 = vector.shape_cast %slice3A_37 : vector<64x1xf32> to vector<64xf32>
    %broadcast_in_dim3A_39 = vector.shape_cast %squeeze3A_38 : vector<64xf32> to vector<1x64xf32>
    %broadcast_in_dim3A_40 = vector.broadcast %broadcast_in_dim3A_39 : vector<1x64xf32> to vector<512x64xf32>
    %div3A = arith.constant 2.000000e+00 : f32
    %div3A_41 = vector.broadcast %div3A : f32 to vector<512x1xf32>
    %div3A_42 = arith.divf %slice3A_18, %div3A_41 : vector<512x1xf32>
    %sub3A = arith.subf %slice3A, %div3A_42 : vector<512x1xf32>
    %div3A_43 = arith.constant 2.000000e+00 : f32
    %div3A_44 = vector.broadcast %div3A_43 : f32 to vector<512x64xf32>
    %div3A_45 = arith.divf %broadcast_in_dim3A_40, %div3A_44 : vector<512x64xf32>
    %sub3A_46 = arith.subf %broadcast_in_dim3A_20, %div3A_45 : vector<512x64xf32>
    %max3A = vector.broadcast %sub3A : vector<512x1xf32> to vector<512x64xf32>
    %max3A_47 = arith.maximumf %max3A, %sub3A_46 : vector<512x64xf32>
    %div3A_48 = arith.constant 2.000000e+00 : f32
    %div3A_49 = vector.broadcast %div3A_48 : f32 to vector<512x1xf32>
    %div3A_50 = arith.divf %slice3A_18, %div3A_49 : vector<512x1xf32>
    %add3A = arith.addf %slice3A, %div3A_50 : vector<512x1xf32>
    %div3A_51 = arith.constant 2.000000e+00 : f32
    %div3A_52 = vector.broadcast %div3A_51 : f32 to vector<512x64xf32>
    %div3A_53 = arith.divf %broadcast_in_dim3A_40, %div3A_52 : vector<512x64xf32>
    %add3A_54 = arith.addf %broadcast_in_dim3A_20, %div3A_53 : vector<512x64xf32>
    %min3A = vector.broadcast %add3A : vector<512x1xf32> to vector<512x64xf32>
    %min3A_55 = arith.minimumf %min3A, %add3A_54 : vector<512x64xf32>
    %div3A_56 = arith.constant 2.000000e+00 : f32
    %div3A_57 = vector.broadcast %div3A_56 : f32 to vector<512x1xf32>
    %div3A_58 = arith.divf %slice3A_17, %div3A_57 : vector<512x1xf32>
    %sub3A_59 = arith.subf %slice3A_15, %div3A_58 : vector<512x1xf32>
    %div3A_60 = arith.constant 2.000000e+00 : f32
    %div3A_61 = vector.broadcast %div3A_60 : f32 to vector<512x64xf32>
    %div3A_62 = arith.divf %broadcast_in_dim3A_36, %div3A_61 : vector<512x64xf32>
    %sub3A_63 = arith.subf %broadcast_in_dim3A_28, %div3A_62 : vector<512x64xf32>
    %max3A_64 = vector.broadcast %sub3A_59 : vector<512x1xf32> to vector<512x64xf32>
    %max3A_65 = arith.maximumf %max3A_64, %sub3A_63 : vector<512x64xf32>
    %div3A_66 = arith.constant 2.000000e+00 : f32
    %div3A_67 = vector.broadcast %div3A_66 : f32 to vector<512x1xf32>
    %div3A_68 = arith.divf %slice3A_17, %div3A_67 : vector<512x1xf32>
    %add3A_69 = arith.addf %slice3A_15, %div3A_68 : vector<512x1xf32>
    %div3A_70 = arith.constant 2.000000e+00 : f32
    %div3A_71 = vector.broadcast %div3A_70 : f32 to vector<512x64xf32>
    %div3A_72 = arith.divf %broadcast_in_dim3A_36, %div3A_71 : vector<512x64xf32>
    %add3A_73 = arith.addf %broadcast_in_dim3A_28, %div3A_72 : vector<512x64xf32>
    %min3A_74 = vector.broadcast %add3A_69 : vector<512x1xf32> to vector<512x64xf32>
    %min3A_75 = arith.minimumf %min3A_74, %add3A_73 : vector<512x64xf32>
    %sub3A_76 = arith.subf %slice3A_14, %slice3A_16 : vector<512x1xf32>
    %sub3A_77 = arith.subf %broadcast_in_dim3A_24, %broadcast_in_dim3A_32 : vector<512x64xf32>
    %max3A_78 = vector.broadcast %sub3A_76 : vector<512x1xf32> to vector<512x64xf32>
    %max3A_79 = arith.maximumf %max3A_78, %sub3A_77 : vector<512x64xf32>
    %min3A_80 = vector.broadcast %slice3A_14 : vector<512x1xf32> to vector<512x64xf32>
    %min3A_81 = arith.minimumf %min3A_80, %broadcast_in_dim3A_24 : vector<512x64xf32>
    %sub3A_82 = arith.subf %min3A_55, %max3A_47 : vector<512x64xf32>
    %jit3A = arith.constant 0.000000e+00 : f32
    %max3A_83 = vector.broadcast %jit3A : f32 to vector<512x64xf32>
    %max3A_84 = arith.maximumf %max3A_83, %sub3A_82 : vector<512x64xf32>
    %sub3A_85 = arith.subf %min3A_75, %max3A_65 : vector<512x64xf32>
    %jit3A_86 = arith.constant 0.000000e+00 : f32
    %max3A_87 = vector.broadcast %jit3A_86 : f32 to vector<512x64xf32>
    %max3A_88 = arith.maximumf %max3A_87, %sub3A_85 : vector<512x64xf32>
    %mul3A = arith.mulf %max3A_84, %max3A_88 : vector<512x64xf32>
    %sub3A_89 = arith.subf %min3A_81, %max3A_79 : vector<512x64xf32>
    %jit3A_90 = arith.constant 0.000000e+00 : f32
    %max3A_91 = vector.broadcast %jit3A_90 : f32 to vector<512x64xf32>
    %max3A_92 = arith.maximumf %max3A_91, %sub3A_89 : vector<512x64xf32>
    %mul3A_93 = arith.mulf %mul3A, %max3A_92 : vector<512x64xf32>
    %mul3A_94 = arith.mulf %slice3A_16, %slice3A_17 : vector<512x1xf32>
    %mul3A_95 = arith.mulf %mul3A_94, %slice3A_18 : vector<512x1xf32>
    %mul3A_96 = arith.mulf %broadcast_in_dim3A_32, %broadcast_in_dim3A_36 : vector<512x64xf32>
    %mul3A_97 = arith.mulf %mul3A_96, %broadcast_in_dim3A_40 : vector<512x64xf32>
    %add3A_98 = vector.broadcast %mul3A_95 : vector<512x1xf32> to vector<512x64xf32>
    %add3A_99 = arith.addf %add3A_98, %mul3A_97 : vector<512x64xf32>
    %sub3A_100 = arith.subf %add3A_99, %mul3A_93 : vector<512x64xf32>
    %max3A_101 = arith.constant 9.99999997E-7 : f32
    %max3A_102 = vector.broadcast %max3A_101 : f32 to vector<512x64xf32>
    %max3A_103 = arith.maximumf %sub3A_100, %max3A_102 : vector<512x64xf32>
    %div3A_104 = arith.divf %mul3A_93, %max3A_103 : vector<512x64xf32>
    %slice3A_105 = vector.extract_strided_slice %get3A_8 {offsets = [0, 0], sizes = [1, 512], strides = [1, 1]} : vector<8x512xf32> to vector<1x512xf32>
    %slice3A_106 = vector.extract_strided_slice %get3A_8 {offsets = [1, 0], sizes = [1, 512], strides = [1, 1]} : vector<8x512xf32> to vector<1x512xf32>
    %slice3A_107 = vector.extract_strided_slice %get3A_8 {offsets = [2, 0], sizes = [1, 512], strides = [1, 1]} : vector<8x512xf32> to vector<1x512xf32>
    %slice3A_108 = vector.extract_strided_slice %get3A_8 {offsets = [3, 0], sizes = [1, 512], strides = [1, 1]} : vector<8x512xf32> to vector<1x512xf32>
    %slice3A_109 = vector.extract_strided_slice %get3A_8 {offsets = [4, 0], sizes = [1, 512], strides = [1, 1]} : vector<8x512xf32> to vector<1x512xf32>
    %slice3A_110 = vector.extract_strided_slice %get3A_8 {offsets = [5, 0], sizes = [1, 512], strides = [1, 1]} : vector<8x512xf32> to vector<1x512xf32>
    %slice3A_111 = vector.extract_strided_slice %get3A_13 {offsets = [0, 0], sizes = [64, 1], strides = [1, 1]} : vector<64x8xf32> to vector<64x1xf32>
    %slice3A_112 = vector.extract_strided_slice %get3A_13 {offsets = [0, 1], sizes = [64, 1], strides = [1, 1]} : vector<64x8xf32> to vector<64x1xf32>
    %slice3A_113 = vector.extract_strided_slice %get3A_13 {offsets = [0, 2], sizes = [64, 1], strides = [1, 1]} : vector<64x8xf32> to vector<64x1xf32>
    %slice3A_114 = vector.extract_strided_slice %get3A_13 {offsets = [0, 3], sizes = [64, 1], strides = [1, 1]} : vector<64x8xf32> to vector<64x1xf32>
    %slice3A_115 = vector.extract_strided_slice %get3A_13 {offsets = [0, 4], sizes = [64, 1], strides = [1, 1]} : vector<64x8xf32> to vector<64x1xf32>
    %slice3A_116 = vector.extract_strided_slice %get3A_13 {offsets = [0, 5], sizes = [64, 1], strides = [1, 1]} : vector<64x8xf32> to vector<64x1xf32>
    %div3A_117 = arith.constant 2.000000e+00 : f32
    %div3A_118 = vector.broadcast %div3A_117 : f32 to vector<1x512xf32>
    %div3A_119 = arith.divf %slice3A_110, %div3A_118 : vector<1x512xf32>
    %sub3A_120 = arith.subf %slice3A_105, %div3A_119 : vector<1x512xf32>
    %div3A_121 = arith.constant 2.000000e+00 : f32
    %div3A_122 = vector.broadcast %div3A_121 : f32 to vector<64x1xf32>
    %div3A_123 = arith.divf %slice3A_116, %div3A_122 : vector<64x1xf32>
    %sub3A_124 = arith.subf %slice3A_111, %div3A_123 : vector<64x1xf32>
    %max3A_125 = vector.broadcast %sub3A_120 : vector<1x512xf32> to vector<64x512xf32>
    %max3A_126 = vector.broadcast %sub3A_124 : vector<64x1xf32> to vector<64x512xf32>
    %max3A_127 = arith.maximumf %max3A_125, %max3A_126 : vector<64x512xf32>
    %div3A_128 = arith.constant 2.000000e+00 : f32
    %div3A_129 = vector.broadcast %div3A_128 : f32 to vector<1x512xf32>
    %div3A_130 = arith.divf %slice3A_110, %div3A_129 : vector<1x512xf32>
    %add3A_131 = arith.addf %slice3A_105, %div3A_130 : vector<1x512xf32>
    %div3A_132 = arith.constant 2.000000e+00 : f32
    %div3A_133 = vector.broadcast %div3A_132 : f32 to vector<64x1xf32>
    %div3A_134 = arith.divf %slice3A_116, %div3A_133 : vector<64x1xf32>
    %add3A_135 = arith.addf %slice3A_111, %div3A_134 : vector<64x1xf32>
    %min3A_136 = vector.broadcast %add3A_131 : vector<1x512xf32> to vector<64x512xf32>
    %min3A_137 = vector.broadcast %add3A_135 : vector<64x1xf32> to vector<64x512xf32>
    %min3A_138 = arith.minimumf %min3A_136, %min3A_137 : vector<64x512xf32>
    %div3A_139 = arith.constant 2.000000e+00 : f32
    %div3A_140 = vector.broadcast %div3A_139 : f32 to vector<1x512xf32>
    %div3A_141 = arith.divf %slice3A_109, %div3A_140 : vector<1x512xf32>
    %sub3A_142 = arith.subf %slice3A_107, %div3A_141 : vector<1x512xf32>
    %div3A_143 = arith.constant 2.000000e+00 : f32
    %div3A_144 = vector.broadcast %div3A_143 : f32 to vector<64x1xf32>
    %div3A_145 = arith.divf %slice3A_115, %div3A_144 : vector<64x1xf32>
    %sub3A_146 = arith.subf %slice3A_113, %div3A_145 : vector<64x1xf32>
    %max3A_147 = vector.broadcast %sub3A_142 : vector<1x512xf32> to vector<64x512xf32>
    %max3A_148 = vector.broadcast %sub3A_146 : vector<64x1xf32> to vector<64x512xf32>
    %max3A_149 = arith.maximumf %max3A_147, %max3A_148 : vector<64x512xf32>
    %div3A_150 = arith.constant 2.000000e+00 : f32
    %div3A_151 = vector.broadcast %div3A_150 : f32 to vector<1x512xf32>
    %div3A_152 = arith.divf %slice3A_109, %div3A_151 : vector<1x512xf32>
    %add3A_153 = arith.addf %slice3A_107, %div3A_152 : vector<1x512xf32>
    %div3A_154 = arith.constant 2.000000e+00 : f32
    %div3A_155 = vector.broadcast %div3A_154 : f32 to vector<64x1xf32>
    %div3A_156 = arith.divf %slice3A_115, %div3A_155 : vector<64x1xf32>
    %add3A_157 = arith.addf %slice3A_113, %div3A_156 : vector<64x1xf32>
    %min3A_158 = vector.broadcast %add3A_153 : vector<1x512xf32> to vector<64x512xf32>
    %min3A_159 = vector.broadcast %add3A_157 : vector<64x1xf32> to vector<64x512xf32>
    %min3A_160 = arith.minimumf %min3A_158, %min3A_159 : vector<64x512xf32>
    %sub3A_161 = arith.subf %slice3A_106, %slice3A_108 : vector<1x512xf32>
    %sub3A_162 = arith.subf %slice3A_112, %slice3A_114 : vector<64x1xf32>
    %max3A_163 = vector.broadcast %sub3A_161 : vector<1x512xf32> to vector<64x512xf32>
    %max3A_164 = vector.broadcast %sub3A_162 : vector<64x1xf32> to vector<64x512xf32>
    %max3A_165 = arith.maximumf %max3A_163, %max3A_164 : vector<64x512xf32>
    %min3A_166 = vector.broadcast %slice3A_106 : vector<1x512xf32> to vector<64x512xf32>
    %min3A_167 = vector.broadcast %slice3A_112 : vector<64x1xf32> to vector<64x512xf32>
    %min3A_168 = arith.minimumf %min3A_166, %min3A_167 : vector<64x512xf32>
    %sub3A_169 = arith.subf %min3A_138, %max3A_127 : vector<64x512xf32>
    %jit3A_170 = arith.constant 0.000000e+00 : f32
    %max3A_171 = vector.broadcast %jit3A_170 : f32 to vector<64x512xf32>
    %max3A_172 = arith.maximumf %max3A_171, %sub3A_169 : vector<64x512xf32>
    %sub3A_173 = arith.subf %min3A_160, %max3A_149 : vector<64x512xf32>
    %jit3A_174 = arith.constant 0.000000e+00 : f32
    %max3A_175 = vector.broadcast %jit3A_174 : f32 to vector<64x512xf32>
    %max3A_176 = arith.maximumf %max3A_175, %sub3A_173 : vector<64x512xf32>
    %mul3A_177 = arith.mulf %max3A_172, %max3A_176 : vector<64x512xf32>
    %sub3A_178 = arith.subf %min3A_168, %max3A_165 : vector<64x512xf32>
    %jit3A_179 = arith.constant 0.000000e+00 : f32
    %max3A_180 = vector.broadcast %jit3A_179 : f32 to vector<64x512xf32>
    %max3A_181 = arith.maximumf %max3A_180, %sub3A_178 : vector<64x512xf32>
    %mul3A_182 = arith.mulf %mul3A_177, %max3A_181 : vector<64x512xf32>
    %mul3A_183 = arith.mulf %slice3A_108, %slice3A_109 : vector<1x512xf32>
    %mul3A_184 = arith.mulf %mul3A_183, %slice3A_110 : vector<1x512xf32>
    %mul3A_185 = arith.mulf %slice3A_114, %slice3A_115 : vector<64x1xf32>
    %mul3A_186 = arith.mulf %mul3A_185, %slice3A_116 : vector<64x1xf32>
    %add3A_187 = vector.broadcast %mul3A_184 : vector<1x512xf32> to vector<64x512xf32>
    %add3A_188 = vector.broadcast %mul3A_186 : vector<64x1xf32> to vector<64x512xf32>
    %add3A_189 = arith.addf %add3A_187, %add3A_188 : vector<64x512xf32>
    %sub3A_190 = arith.subf %add3A_189, %mul3A_182 : vector<64x512xf32>
    %max3A_191 = arith.constant 9.99999997E-7 : f32
    %max3A_192 = vector.broadcast %max3A_191 : f32 to vector<64x512xf32>
    %max3A_193 = arith.maximumf %sub3A_190, %max3A_192 : vector<64x512xf32>
    %div3A_194 = arith.divf %mul3A_182, %max3A_193 : vector<64x512xf32>
    %reduce_max3A = arith.constant dense<0xFF800000> : vector<512xf32>
    %reduce_max3A_195 = vector.multi_reduction <maximumf>, %div3A_104, %reduce_max3A [1] : vector<512x64xf32> to vector<512xf32>
    %broadcast_in_dim3A_196 = vector.shape_cast %reduce_max3A_195 : vector<512xf32> to vector<512x1xf32>
    %reduce_max3A_197 = arith.constant dense<0xFF800000> : vector<512xf32>
    %reduce_max3A_198 = vector.multi_reduction <maximumf>, %div3A_194, %reduce_max3A_197 [0] : vector<64x512xf32> to vector<512xf32>
    %broadcast_in_dim3A_199 = vector.shape_cast %reduce_max3A_198 : vector<512xf32> to vector<1x512xf32>
    %iota3A = tpu.iota {dimensions = array<i32: 1>} : vector<512x64xi32>
    %eq3A = vector.broadcast %broadcast_in_dim3A_196 : vector<512x1xf32> to vector<512x64xf32>
    %eq3A_200 = arith.cmpf oeq, %div3A_104, %eq3A : vector<512x64xf32>
    %jit3A_201 = arith.constant 64 : i32
    %broadcast_in_dim3A_202 = vector.broadcast %jit3A_201 : i32 to vector<512x64xi32>
    %select_n3A = arith.select %eq3A_200, %iota3A, %broadcast_in_dim3A_202 : vector<512x64xi1>, vector<512x64xi32>
    %reduce_min3A = arith.constant dense<2147483647> : vector<512xi32>
    %reduce_min3A_203 = vector.multi_reduction <minsi>, %select_n3A, %reduce_min3A [1] : vector<512x64xi32> to vector<512xi32>
    %broadcast_in_dim3A_204 = vector.shape_cast %reduce_min3A_203 : vector<512xi32> to vector<512x1xi32>
    %broadcast_in_dim3A_205 = vector.shape_cast %broadcast_in_dim3A_199 : vector<1x512xf32> to vector<1x512xf32>
    %broadcast_in_dim3A_206 = vector.broadcast %broadcast_in_dim3A_205 : vector<1x512xf32> to vector<512x512xf32>
    %iota3A_207 = tpu.iota {dimensions = array<i32: 0>} : vector<512x512xi32>
    %iota3A_208 = tpu.iota {dimensions = array<i32: 1>} : vector<512x512xi32>
    %gt3A = vector.broadcast %broadcast_in_dim3A_196 : vector<512x1xf32> to vector<512x512xf32>
    %gt3A_209 = arith.cmpf ogt, %broadcast_in_dim3A_206, %gt3A : vector<512x512xf32>
    %eq3A_210 = vector.broadcast %broadcast_in_dim3A_196 : vector<512x1xf32> to vector<512x512xf32>
    %eq3A_211 = arith.cmpf oeq, %broadcast_in_dim3A_206, %eq3A_210 : vector<512x512xf32>
    %lt3A = arith.cmpi slt, %iota3A_208, %iota3A_207 : vector<512x512xi32>
    %and3A = arith.andi %eq3A_211, %lt3A : vector<512x512xi1>
    %or3A = arith.ori %gt3A_209, %and3A : vector<512x512xi1>
    %convert_element_type3A = arith.extui %or3A : vector<512x512xi1> to vector<512x512xi32>
    %reduce_sum3A = arith.constant dense<0> : vector<512xi32>
    %reduce_sum3A_212 = vector.multi_reduction <add>, %convert_element_type3A, %reduce_sum3A [1] : vector<512x512xi32> to vector<512xi32>
    %broadcast_in_dim3A_213 = vector.shape_cast %reduce_sum3A_212 : vector<512xi32> to vector<512x1xi32>
    %lt3A_214 = arith.constant 32 : i32
    %lt3A_215 = vector.broadcast %lt3A_214 : i32 to vector<512x1xi32>
    %lt3A_216 = arith.cmpi slt, %broadcast_in_dim3A_213, %lt3A_215 : vector<512x1xi32>
    %ge3A = arith.constant 480 : i32
    %ge3A_217 = vector.broadcast %ge3A : i32 to vector<512x1xi32>
    %ge3A_218 = arith.cmpi sge, %broadcast_in_dim3A_213, %ge3A_217 : vector<512x1xi32>
    %sub3A_219 = arith.constant 448 : i32
    %sub3A_220 = vector.broadcast %sub3A_219 : i32 to vector<512x1xi32>
    %sub3A_221 = arith.subi %broadcast_in_dim3A_213, %sub3A_220 : vector<512x1xi32>
    %jit3A_222 = arith.constant -1 : i32
    %broadcast_in_dim3A_223 = vector.broadcast %jit3A_222 : i32 to vector<512x1xi32>
    %select_n3A_224 = arith.select %ge3A_218, %sub3A_221, %broadcast_in_dim3A_223 : vector<512x1xi1>, vector<512x1xi32>
    %select_n3A_225 = arith.select %lt3A_216, %broadcast_in_dim3A_213, %select_n3A_224 : vector<512x1xi1>, vector<512x1xi32>
    %iota3A_226 = tpu.iota {dimensions = array<i32: 1>} : vector<512x64xi32>
    %eq3A_227 = vector.broadcast %select_n3A_225 : vector<512x1xi32> to vector<512x64xi32>
    %eq3A_228 = arith.cmpi eq, %eq3A_227, %iota3A_226 : vector<512x64xi32>
    %convert_element_type3A_229 = arith.extui %eq3A_228 : vector<512x64xi1> to vector<512x64xi32>
    %convert_element_type3A_230 = arith.sitofp %convert_element_type3A_229 : vector<512x64xi32> to vector<512x64xf32>
    %dot_general3A = arith.constant dense<0.000000e+00> : vector<8x64xf32>
    %dot_general3A_231 = tpu.matmul %get3A_3, %convert_element_type3A_230, %dot_general3A {dimension_numbers = #tpu.dot_dimension_numbers<[0], [0], [1], [1], [0, 1, 1, 1], [], []>, precision = #tpu.contract_precision<fp32>, transpose_lhs_hint = false} : vector<512x8xf32>, vector<512x64xf32>, vector<8x64xf32> -> vector<8x64xf32>
    %swap3A = arith.constant 0 : index
    %swap3A_232 = arith.constant 0 : index
    %swap3A_233 = arith.constant 0 : index
    %swap3A_234 = vector.load %arg4[%swap3A, %swap3A_232, %swap3A_233] : memref<1x8x64xf32, #tpu.memory_space<vmem>>, vector<1x8x64xf32>
    %swap3A_235 = vector.shape_cast %swap3A_234 : vector<1x8x64xf32> to vector<8x64xf32>
    %swap3A_236 = vector.shape_cast %dot_general3A_231 : vector<8x64xf32> to vector<1x8x64xf32>
    tpu.vector_store %arg4[%swap3A, %swap3A_232, %swap3A_233], %swap3A_236 {strides = array<i32>} : memref<1x8x64xf32, #tpu.memory_space<vmem>>, vector<1x8x64xf32>,
    %iota3A_237 = tpu.iota {dimensions = array<i32: 1>} : vector<512x64xi32>
    %eq3A_238 = vector.broadcast %broadcast_in_dim3A_204 : vector<512x1xi32> to vector<512x64xi32>
    %eq3A_239 = arith.cmpi eq, %eq3A_238, %iota3A_237 : vector<512x64xi32>
    %convert_element_type3A_240 = arith.extui %eq3A_239 : vector<512x64xi1> to vector<512x64xi32>
    %convert_element_type3A_241 = arith.sitofp %convert_element_type3A_240 : vector<512x64xi32> to vector<512x64xf32>
    %dot_general3A_242 = arith.constant dense<0.000000e+00> : vector<512x8xf32>
    %dot_general3A_243 = tpu.matmul %convert_element_type3A_241, %get3A_13, %dot_general3A_242 {dimension_numbers = #tpu.dot_dimension_numbers<[1], [0], [0], [1], [0, 0, 1, 1], [], []>, precision = #tpu.contract_precision<fp32>, transpose_lhs_hint = false} : vector<512x64xf32>, vector<64x8xf32>, vector<512x8xf32> -> vector<512x8xf32>
    %dot_general3A_244 = arith.constant dense<0.000000e+00> : vector<8x64xf32>
    %dot_general3A_245 = tpu.matmul %dot_general3A_243, %convert_element_type3A_230, %dot_general3A_244 {dimension_numbers = #tpu.dot_dimension_numbers<[0], [0], [1], [1], [0, 1, 1, 1], [], []>, precision = #tpu.contract_precision<fp32>, transpose_lhs_hint = false} : vector<512x8xf32>, vector<512x64xf32>, vector<8x64xf32> -> vector<8x64xf32>
    %dot_general3A_246 = arith.constant dense<0.000000e+00> : vector<1x64xf32>
    %dot_general3A_247 = tpu.matmul %broadcast_in_dim3A_196, %convert_element_type3A_230, %dot_general3A_246 {dimension_numbers = #tpu.dot_dimension_numbers<[0], [0], [1], [1], [0, 1, 1, 1], [], []>, precision = #tpu.contract_precision<fp32>, transpose_lhs_hint = false} : vector<512x1xf32>, vector<512x64xf32>, vector<1x64xf32> -> vector<1x64xf32>
    %slice3A_248 = vector.extract_strided_slice %dot_general3A_231 {offsets = [0, 0], sizes = [1, 64], strides = [1, 1]} : vector<8x64xf32> to vector<1x64xf32>
    %slice3A_249 = vector.extract_strided_slice %dot_general3A_231 {offsets = [1, 0], sizes = [1, 64], strides = [1, 1]} : vector<8x64xf32> to vector<1x64xf32>
    %slice3A_250 = vector.extract_strided_slice %dot_general3A_231 {offsets = [2, 0], sizes = [1, 64], strides = [1, 1]} : vector<8x64xf32> to vector<1x64xf32>
    %slice3A_251 = vector.extract_strided_slice %dot_general3A_231 {offsets = [3, 0], sizes = [1, 64], strides = [1, 1]} : vector<8x64xf32> to vector<1x64xf32>
    %slice3A_252 = vector.extract_strided_slice %dot_general3A_231 {offsets = [4, 0], sizes = [1, 64], strides = [1, 1]} : vector<8x64xf32> to vector<1x64xf32>
    %slice3A_253 = vector.extract_strided_slice %dot_general3A_231 {offsets = [5, 0], sizes = [1, 64], strides = [1, 1]} : vector<8x64xf32> to vector<1x64xf32>
    %slice3A_254 = vector.extract_strided_slice %dot_general3A_231 {offsets = [6, 0], sizes = [1, 64], strides = [1, 1]} : vector<8x64xf32> to vector<1x64xf32>
    %slice3A_255 = vector.extract_strided_slice %dot_general3A_245 {offsets = [0, 0], sizes = [1, 64], strides = [1, 1]} : vector<8x64xf32> to vector<1x64xf32>
    %slice3A_256 = vector.extract_strided_slice %dot_general3A_245 {offsets = [1, 0], sizes = [1, 64], strides = [1, 1]} : vector<8x64xf32> to vector<1x64xf32>
    %slice3A_257 = vector.extract_strided_slice %dot_general3A_245 {offsets = [2, 0], sizes = [1, 64], strides = [1, 1]} : vector<8x64xf32> to vector<1x64xf32>
    %slice3A_258 = vector.extract_strided_slice %dot_general3A_245 {offsets = [3, 0], sizes = [1, 64], strides = [1, 1]} : vector<8x64xf32> to vector<1x64xf32>
    %slice3A_259 = vector.extract_strided_slice %dot_general3A_245 {offsets = [4, 0], sizes = [1, 64], strides = [1, 1]} : vector<8x64xf32> to vector<1x64xf32>
    %slice3A_260 = vector.extract_strided_slice %dot_general3A_245 {offsets = [5, 0], sizes = [1, 64], strides = [1, 1]} : vector<8x64xf32> to vector<1x64xf32>
    %slice3A_261 = vector.extract_strided_slice %dot_general3A_245 {offsets = [6, 0], sizes = [1, 64], strides = [1, 1]} : vector<8x64xf32> to vector<1x64xf32>
    %jit3A_262 = arith.constant 6.28318548 : f32
    %rem3A = vector.broadcast %jit3A_262 : f32 to vector<1x64xf32>
    %rem3A_263 = arith.remf %slice3A_254, %rem3A : vector<1x64xf32>
    %ne3A = arith.constant 0.000000e+00 : f32
    %ne3A_264 = vector.broadcast %ne3A : f32 to vector<1x64xf32>
    %ne3A_265 = arith.cmpf one, %rem3A_263, %ne3A_264 : vector<1x64xf32>
    %lt3A_266 = arith.constant 0.000000e+00 : f32
    %lt3A_267 = vector.broadcast %lt3A_266 : f32 to vector<1x64xf32>
    %lt3A_268 = arith.cmpf olt, %rem3A_263, %lt3A_267 : vector<1x64xf32>
    %lt3A_269 = arith.constant 0.000000e+00 : f32
    %lt3A_270 = arith.cmpf olt, %jit3A_262, %lt3A_269 : f32
    %ne3A_271 = vector.broadcast %lt3A_270 : i1 to vector<1x64xi1>
    %ne3A_272 = vector.broadcast %ne3A_271 : vector<1x64xi1> to vector<1x64xi1>
    %ne3A_273 = arith.xori %lt3A_268, %ne3A_272 : vector<1x64xi1>
    %and3A_274 = arith.andi %ne3A_273, %ne3A_265 : vector<1x64xi1>
    %add3A_275 = vector.broadcast %jit3A_262 : f32 to vector<1x64xf32>
    %add3A_276 = arith.addf %rem3A_263, %add3A_275 : vector<1x64xf32>
    %select_n3A_277 = arith.select %and3A_274, %add3A_276, %rem3A_263 : vector<1x64xi1>, vector<1x64xf32>
    %cos3A = math.cos %slice3A_254 : vector<1x64xf32>
    %sin3A = math.sin %slice3A_254 : vector<1x64xf32>
    %cos3A_278 = math.cos %select_n3A_277 : vector<1x64xf32>
    %sin3A_279 = math.sin %select_n3A_277 : vector<1x64xf32>
    %sub3A_280 = arith.subf %slice3A_255, %slice3A_248 : vector<1x64xf32>
    %sub3A_281 = arith.subf %slice3A_256, %slice3A_249 : vector<1x64xf32>
    %sub3A_282 = arith.subf %slice3A_257, %slice3A_250 : vector<1x64xf32>
    %mul3A_283 = arith.mulf %cos3A_278, %sub3A_280 : vector<1x64xf32>
    %mul3A_284 = arith.mulf %sin3A_279, %sub3A_282 : vector<1x64xf32>
    %sub3A_285 = arith.subf %mul3A_283, %mul3A_284 : vector<1x64xf32>
    %mul3A_286 = arith.mulf %sin3A_279, %sub3A_280 : vector<1x64xf32>
    %mul3A_287 = arith.mulf %cos3A_278, %sub3A_282 : vector<1x64xf32>
    %add3A_288 = arith.addf %mul3A_286, %mul3A_287 : vector<1x64xf32>
    %sub3A_289 = arith.subf %slice3A_261, %select_n3A_277 : vector<1x64xf32>
    %broadcast_in_dim3A_290 = arith.constant 0.000000e+00 : f32
    %broadcast_in_dim3A_291 = vector.broadcast %broadcast_in_dim3A_290 : f32 to vector<1x64xf32>
    %concatenate3A = tpu.concatenate %sub3A_285, %sub3A_281, %add3A_288, %slice3A_258, %slice3A_259, %slice3A_260, %sub3A_289, %broadcast_in_dim3A_291 in 0 : vector<1x64xf32>, vector<1x64xf32>, vector<1x64xf32>, vector<1x64xf32>, vector<1x64xf32>, vector<1x64xf32>, vector<1x64xf32>, vector<1x64xf32> -> vector<8x64xf32>
    %swap3A_292 = arith.constant 0 : index
    %swap3A_293 = arith.constant 0 : index
    %swap3A_294 = arith.constant 0 : index
    %swap3A_295 = vector.load %arg5[%swap3A_292, %swap3A_293, %swap3A_294] : memref<1x8x64xf32, #tpu.memory_space<vmem>>, vector<1x8x64xf32>
    %swap3A_296 = vector.shape_cast %swap3A_295 : vector<1x8x64xf32> to vector<8x64xf32>
    %swap3A_297 = vector.shape_cast %concatenate3A : vector<8x64xf32> to vector<1x8x64xf32>
    tpu.vector_store %arg5[%swap3A_292, %swap3A_293, %swap3A_294], %swap3A_297 {strides = array<i32>} : memref<1x8x64xf32, #tpu.memory_space<vmem>>, vector<1x8x64xf32>,
    %gt3A_298 = arith.constant 4.500000e-01 : f32
    %gt3A_299 = vector.broadcast %gt3A_298 : f32 to vector<1x64xf32>
    %gt3A_300 = arith.cmpf ogt, %dot_general3A_247, %gt3A_299 : vector<1x64xf32>
    %lt3A_301 = arith.constant 6.000000e-01 : f32
    %lt3A_302 = vector.broadcast %lt3A_301 : f32 to vector<1x64xf32>
    %lt3A_303 = arith.cmpf olt, %dot_general3A_247, %lt3A_302 : vector<1x64xf32>
    %and3A_304 = arith.andi %gt3A_300, %lt3A_303 : vector<1x64xi1>
    %gt3A_305 = arith.constant 6.000000e-01 : f32
    %gt3A_306 = vector.broadcast %gt3A_305 : f32 to vector<1x64xf32>
    %gt3A_307 = arith.cmpf ogt, %dot_general3A_247, %gt3A_306 : vector<1x64xf32>
    %convert_element_type3A_308 = arith.extui %gt3A_307 : vector<1x64xi1> to vector<1x64xi32>
    %convert_element_type3A_309 = arith.sitofp %convert_element_type3A_308 : vector<1x64xi32> to vector<1x64xf32>
    %jit3A_310 = arith.constant -1.000000e+00 : f32
    %broadcast_in_dim3A_311 = vector.broadcast %jit3A_310 : f32 to vector<1x64xf32>
    %select_n3A_312 = arith.select %and3A_304, %broadcast_in_dim3A_311, %convert_element_type3A_309 : vector<1x64xi1>, vector<1x64xf32>
    %gt3A_313 = arith.constant 5.500000e-01 : f32
    %gt3A_314 = vector.broadcast %gt3A_313 : f32 to vector<1x64xf32>
    %gt3A_315 = arith.cmpf ogt, %dot_general3A_247, %gt3A_314 : vector<1x64xf32>
    %convert_element_type3A_316 = arith.extui %gt3A_315 : vector<1x64xi1> to vector<1x64xi32>
    %convert_element_type3A_317 = arith.sitofp %convert_element_type3A_316 : vector<1x64xi32> to vector<1x64xf32>
    %div3A_318 = arith.constant 2.000000e+00 : f32
    %div3A_319 = vector.broadcast %div3A_318 : f32 to vector<1x64xf32>
    %div3A_320 = arith.divf %slice3A_253, %div3A_319 : vector<1x64xf32>
    %add3A_321 = arith.constant 1.000000e+00 : f32
    %add3A_322 = vector.broadcast %add3A_321 : f32 to vector<1x64xf32>
    %add3A_323 = arith.addf %div3A_320, %add3A_322 : vector<1x64xf32>
    %div3A_324 = arith.constant 2.000000e+00 : f32
    %div3A_325 = vector.broadcast %div3A_324 : f32 to vector<1x64xf32>
    %div3A_326 = arith.divf %slice3A_252, %div3A_325 : vector<1x64xf32>
    %add3A_327 = arith.constant 1.000000e+00 : f32
    %add3A_328 = vector.broadcast %add3A_327 : f32 to vector<1x64xf32>
    %add3A_329 = arith.addf %div3A_326, %add3A_328 : vector<1x64xf32>
    %neg3A = arith.constant 0.000000e+00 : f32
    %neg3A_330 = vector.broadcast %neg3A : f32 to vector<1x64xf32>
    %neg3A_331 = arith.subf %neg3A_330, %slice3A_251 : vector<1x64xf32>
    %sub3A_332 = arith.constant 1.000000e+00 : f32
    %sub3A_333 = vector.broadcast %sub3A_332 : f32 to vector<1x64xf32>
    %sub3A_334 = arith.subf %neg3A_331, %sub3A_333 : vector<1x64xf32>
    %broadcast_in_dim3A_335 = arith.constant 0.000000e+00 : f32
    %broadcast_in_dim3A_336 = vector.broadcast %broadcast_in_dim3A_335 : f32 to vector<5x64xf32>
    %concatenate3A_337 = tpu.concatenate %slice3A_248, %slice3A_249, %slice3A_250, %cos3A, %sin3A, %add3A_323, %add3A_329, %sub3A_334, %select_n3A_312, %convert_element_type3A_317, %dot_general3A_247, %broadcast_in_dim3A_336 in 0 : vector<1x64xf32>, vector<1x64xf32>, vector<1x64xf32>, vector<1x64xf32>, vector<1x64xf32>, vector<1x64xf32>, vector<1x64xf32>, vector<1x64xf32>, vector<1x64xf32>, vector<1x64xf32>, vector<1x64xf32>, vector<5x64xf32> -> vector<16x64xf32>
    %swap3A_338 = arith.constant 0 : index
    %swap3A_339 = arith.constant 0 : index
    %swap3A_340 = arith.constant 0 : index
    %swap3A_341 = vector.load %arg6[%swap3A_338, %swap3A_339, %swap3A_340] : memref<1x16x64xf32, #tpu.memory_space<vmem>>, vector<1x16x64xf32>
    %swap3A_342 = vector.shape_cast %swap3A_341 : vector<1x16x64xf32> to vector<16x64xf32>
    %swap3A_343 = vector.shape_cast %concatenate3A_337 : vector<16x64xf32> to vector<1x16x64xf32>
    tpu.vector_store %arg6[%swap3A_338, %swap3A_339, %swap3A_340], %swap3A_343 {strides = array<i32>} : memref<1x16x64xf32, #tpu.memory_space<vmem>>, vector<1x16x64xf32>,
    return
  }
  func.func @transform_0(%arg0: i32) -> (i32, i32, i32) {
    %c0_i32 = arith.constant 0 : i32
    %c0_i32_0 = arith.constant 0 : i32
    %c0_i32_1 = arith.constant 0 : i32
    return %arg0, %c0_i32, %c0_i32_0 : i32, i32, i32
  }
  func.func @transform_1(%arg0: i32) -> (i32, i32, i32) {
    %c0_i32 = arith.constant 0 : i32
    %c0_i32_0 = arith.constant 0 : i32
    %c0_i32_1 = arith.constant 0 : i32
    return %arg0, %c0_i32, %c0_i32_0 : i32, i32, i32
  }
  func.func @transform_2(%arg0: i32) -> (i32, i32, i32) {
    %c0_i32 = arith.constant 0 : i32
    %c0_i32_0 = arith.constant 0 : i32
    %c0_i32_1 = arith.constant 0 : i32
    return %arg0, %c0_i32, %c0_i32_0 : i32, i32, i32
  }
  func.func @transform_3(%arg0: i32) -> (i32, i32, i32) {
    %c0_i32 = arith.constant 0 : i32
    %c0_i32_0 = arith.constant 0 : i32
    %c0_i32_1 = arith.constant 0 : i32
    return %arg0, %c0_i32, %c0_i32_0 : i32, i32, i32
  }
  func.func @transform_4(%arg0: i32) -> (i32, i32, i32) {
    %c0_i32 = arith.constant 0 : i32
    %c0_i32_0 = arith.constant 0 : i32
    %c0_i32_1 = arith.constant 0 : i32
    return %arg0, %c0_i32, %c0_i32_0 : i32, i32, i32
  }
  func.func @transform_5(%arg0: i32) -> (i32, i32, i32) {
    %c0_i32 = arith.constant 0 : i32
    %c0_i32_0 = arith.constant 0 : i32
    %c0_i32_1 = arith.constant 0 : i32
    return %arg0, %c0_i32, %c0_i32_0 : i32, i32, i32
  }
}

</mosaic_0001>

<sc_bundles>
// kernel: kernel.4.cloned.1.call-start
scs
__scs_entry_jumppad:
0x0: {  	(pc) =	sbr.rel $0x88, $3  }
0x1: {  	(tag) =	ssettag $0x0;
	lr =	simm.s32 $0x1  }
0x2: {  	[smem:$0x3F9B] =	sst lr;
	_ =	strace $0xD0000000  }
0x3: {  	_ = 	snop  }
0x4: {  	_ = 	snop  }
0x5: {  	_ = 	snop  }
0x6: {  	_ = 	snop  }
0x7: {  	_ = 	snop  }
__scs_overlays_trampoline_lowered:
0x8: {  	[smem:$0x3FAA] =	sst s0  }
0x9: {  	[smem:$0x3FAB] =	sst s1  }
0xa: {  	[smem:$0x3FAC] =	sst s2  }
0xb: {  	[smem:$0x3FAD] =	sst s3  }
0xc: {  	[smem:$0x3FAE] =	sst s4  }
0xd: {  	[smem:$0x3FAF] =	sst s5  }
0xe: {  	[smem:$0x3FB0] =	sst s6  }
0xf: {  	[smem:$0x3FB1] =	sst s7  }
0x10: {  	[smem:$0x3FB2] =	sst s8  }
0x11: {  	[smem:$0x3FB3] =	sst s9;
	s0 =	simm.s32 @!p0 $0x0  }
0x12: {  	s1 =	sld [smem:$0x3F99];
	s0 =	simm.s32 @p0 $0x1  }
0x13: {  	[smem:$0x3FB4] =	sst s0;
	s0 =	simm.s32 @!p1 $0x0  }
0x14: {  	s2 =	sld [smem:$0x3F98];
	s0 =	simm.s32 @p1 $0x1  }
0x15: {  	[smem:$0x3FB5] =	sst s0;
	s0 =	simm.s32 @!p2 $0x0  }
0x16: {  	s3 =	sld [smem:$0x3FDB];
	s0 =	simm.s32 @p2 $0x1  }
0x17: {  	s4 =	simm.s32 $0x1BF5;
	[smem:$0x3FB7] =	sst s0  }
0x18: {  	s0 =	sld [smem:$0x3F9A];
	_ =	swait.ge [sflag:s4], $0x0  }
0x19: {  	s7 =	sld [smem:$0x3F9B]  }
0x1a: {  	s8 =	sadd.s32 $0xFFFFE003, lr  }
0x1b: {  	s9 =	sadd.s32 $0xFFFFFEF7, lr;
	s5 =	simm.s32 $0xFFFFFFFF;
	p2 =	slt.u32 s8, $0xFFFFF086  }
0x1c: {  	p1 =	slt.u32 s9, $0xF7A;
	s5 =	simm.s32 @!p2 $0x0  }
0x1d: {  	s5 =	simm.s32 @p1 $0x1;
	p0 =	seq.s32 s7, s2  }
0x1e: {  	s7 =	smul.u32 @!p0 $0xF7A, s2;
	p2 =	seq.s32 @!p0 s5, $0x0  }
0x1f: {  	s9 =	smul.u32 $0xF7A, s1;
	s8 =	simm.s32 @!p0 $0x1BF5;
	p2 =	por !p2, p0  }
0x20: {  	[sflag:s8] =	ssyncset.s32 @!p0 $0xFFFFF086;
	s6 =	sadd.s32 @!p0 s3, s7;
	s7 =	simm.s32 @!p0 $0x108  }
0x21: {  	s3 =	sadd.s32 s3, s9;
	s6 =	sadd.s32 @!p0 $0x88, s6;
	s7 =	simm.s32 @p2 $0x1082  }
0x22: {  	[simem:s7], [sflag:s8] =	dma.local @!p0 [hbm:s6], $0xF7A  }
0x23: {  	s9 =	sor.u32 $0xD0000000, s2;
	s6 =	simm.s32 $0x108;
	_ =	swait.ge @!p0 [sflag:s8], $0x0  }
0x24: {  	s3 =	sadd.s32 $0x88, s3;
	s6 =	simm.s32 @!p1 $0x1082;
	[sflag:s4] =	ssyncset.s32 $0xFFFFF086  }
0x25: {  	[simem:s6], [sflag:s4] =	dma.local [hbm:s3], $0xF7A  }
0x26: {  	[smem:$0x3F9B] =	sst s1;
	(tag) =	ssettag s2;
	_ =	strace s9  }
0x27: {  	s1 =	sld [smem:$0x3FAB]  }
0x28: {  	s2 =	sld [smem:$0x3FAC]  }
0x29: {  	s4 =	sld [smem:$0x3FAE]  }
0x2a: {  	p0 =	seq.s32 s5, $0x0;
	s5 =	sld [smem:$0x3FAF]  }
0x2b: {  	s6 =	sld [smem:$0x3FB0]  }
0x2c: {  	s7 =	sld [smem:$0x3FB1]  }
0x2d: {  	s3 =	simm.s32 $0x108;
	s8 =	sld [smem:$0x3FB2]  }
0x2e: {  	s3 =	simm.s32 @!p0 $0x1082;
	s9 =	sld [smem:$0x3FB3]  }
0x2f: {  	lr =	sadd.s32 s0, s3;
	s0 =	sld [smem:$0x3FAA]  }
0x30: {  	s3 =	sld [smem:$0x3FAD]  }
0x31: {  	[smem:$0x3FB6] =	sst s10  }
0x32: {  	s10 =	sld [smem:$0x3FB4];
	_ =	sdelay $0x3  }
0x33: {  	p0 =	seq.s32 s10, $0x1;
	s10 =	sld [smem:$0x3FB6];
	_ =	sdelay $0x3  }
0x34: {  	[smem:$0x3FB6] =	sst s10  }
0x35: {  	s10 =	sld [smem:$0x3FB5];
	_ =	sdelay $0x3  }
0x36: {  	p1 =	seq.s32 s10, $0x1;
	s10 =	sld [smem:$0x3FB6];
	_ =	sdelay $0x3  }
0x37: {  	[smem:$0x3FB6] =	sst s10  }
0x38: {  	s10 =	sld [smem:$0x3FB7]  }
0x39: {  	_ = 	snop;
	(pc) =	sbr.ind lr, $3  }
0x3a: {  	_ = 	snop  }
0x3b: {  	_ = 	snop  }
0x3c: {  	p2 =	seq.s32 s10, $0x1;
	s10 =	sld [smem:$0x3FB6]  }
0x3d: {  	_ =	shalt  }
0x3e: {  	_ =	shalt  }
0x3f: {  	_ =	shalt  }
0x40: {  	_ =	shalt  }
0x41: {  	_ =	shalt  }
0x42: {  	_ =	shalt  }
0x43: {  	_ =	shalt  }
0x44: {  	_ =	shalt  }
0x45: {  	_ =	shalt  }
0x46: {  	_ =	shalt  }
0x47: {  	_ =	shalt  }
0x48: {  	_ =	shalt  }
0x49: {  	_ =	shalt  }
0x4a: {  	_ =	shalt  }
0x4b: {  	_ =	shalt  }
0x4c: {  	_ =	shalt  }
0x4d: {  	_ =	shalt  }
0x4e: {  	_ =	shalt  }
0x4f: {  	_ =	shalt  }
0x50: {  	_ =	shalt  }
0x51: {  	_ =	shalt  }
0x52: {  	_ =	shalt  }
0x53: {  	_ =	shalt  }
0x54: {  	_ =	shalt  }
0x55: {  	_ =	shalt  }
0x56: {  	_ =	shalt  }
0x57: {  	_ =	shalt  }
0x58: {  	_ =	shalt  }
0x59: {  	_ =	shalt  }
0x5a: {  	_ =	shalt  }
0x5b: {  	_ =	shalt  }
0x5c: {  	_ =	shalt  }
0x5d: {  	_ =	shalt  }
0x5e: {  	_ =	shalt  }
0x5f: {  	_ =	shalt  }
0x60: {  	_ =	shalt  }
0x61: {  	_ =	shalt  }
0x62: {  	_ =	shalt  }
0x63: {  	_ =	shalt  }
0x64: {  	_ =	shalt  }
0x65: {  	_ =	shalt  }
0x66: {  	_ =	shalt  }
0x67: {  	_ =	shalt  }
0x68: {  	_ =	shalt  }
0x69: {  	_ =	shalt  }
0x6a: {  	_ =	shalt  }
0x6b: {  	_ =	shalt  }
0x6c: {  	_ =	shalt  }
0x6d: {  	_ =	shalt  }
0x6e: {  	_ =	shalt  }
0x6f: {  	_ =	shalt  }
0x70: {  	_ =	shalt  }
0x71: {  	_ =	shalt  }
0x72: {  	_ =	shalt  }
0x73: {  	_ =	shalt  }
0x74: {  	_ =	shalt  }
0x75: {  	_ =	shalt  }
0x76: {  	_ =	shalt  }
0x77: {  	_ =	shalt  }
0x78: {  	_ =	shalt  }
0x79: {  	_ =	shalt  }
0x7a: {  	_ =	shalt  }
0x7b: {  	_ =	shalt  }
0x7c: {  	_ =	shalt  }
0x7d: {  	_ =	shalt  }
0x7e: {  	_ =	shalt  }
0x7f: {  	_ =	shalt  }
0x80: {  	_ =	shalt  }
0x81: {  	_ =	shalt  }
0x82: {  	_ =	shalt  }
0x83: {  	_ =	shalt  }
0x84: {  	_ =	shalt  }
0x85: {  	_ =	shalt  }
0x86: {  	_ =	shalt  }
0x87: {  	_ =	shalt  }
.Lfunc_end0:
.L_simem_size_0:
called_computation.1_lowered:
.L_overlay_start_0:
0x88: {  	s2 =	sld [smem:$0x3FD9]  }
0x89: {  	s3 =	sld [smem:$0x3FFE];
	_ =	sdelay $0x1  }
0x8a: {  	s1 =	srdreg.scid  }
0x8b: {  	s0 =	sand.u32 $0x1, s1  }
0x8c: {  	s14 =	sshll.u32 s0, $0xA;
	s2 =	sadd.s32 s3, s2  }
0x8d: {  	s2 =	sadd.s32 s2, s14  }
0x8e: {  	[smem:$0x3FC2] =	sst s2  }
0x8f: {  	_ = 	snop  }
0x90: {  	s2 =	sld [smem:$0x3FD0];
	_ =	sdelay $0x2  }
0x91: {  	s4 =	simm.s32 $0xA;
	s5 =	simm.s32 $0x10;
	s15 =	sld [smem:$0x3FC6]  }
0x92: {  	[smem:s5], [sflag:s4] =	dma.local [hbm:s2], $0x1  }
0x93: {  	_ =	swait.eq [sflag:s4], $0x1  }
0x94: {  	[sflag:s4] =	ssyncset.done $0x0  }
0x95: {  	s16 =	sld [smem:$0x10];
	[sflag:s4] =	ssyncadd.s32 $0xFFFFFFFF  }
0x96: {  	s17 =	sld [smem:$0x11];
	(tm) =	ssettm $0x1  }
0x97: {  	s18 =	sld [smem:$0x3FFB];
	_ =	sdelay $0x3  }
0x98: {  	_ =	strace s18  }
0x99: {  	s5 =	sld [smem:$0x3FFC];
	_ =	sdelay $0x3  }
0x9a: {  	_ =	strace s5  }
0x9b: {  	s5 =	sld [smem:$0x3FFD];
	_ =	sdelay $0x3  }
0x9c: {  	_ =	strace s5  }
0x9d: {  	_ =	strace $0x8FFFFFFF  }
0x9e: {  	s19 =	sld [smem:$0x3FDB];
	_ =	sdelay $0x1  }
0x9f: {  	s6 =	simm.s32 $_scs_section_size  }
0xa0: {  	s7 =	simm.s32 $_size__tile_overlayer_lowered;
	s8 =	simm.s32 $_tile_overlayer_lowered  }
0xa1: {  	s22 =	simm.s32 $0x1BFF;
	s21 =	sshll.u32 s8, $0x1;
	s5 =	sadd.s32 s6, s19  }
0xa2: {  	s9 =	simm.s32 $0x0;
	s20 =	sshll.u32 s7, $0x1;
	s7 =	sadd.s32 s21, s5  }
0xa3: {  	[timem:s9], [sflag:s22] =	dma.local [hbm:s7], s20  }
0xa4: {  	_ =	swait.ge [sflag:s22], s20  }
0xa5: {  	s6 =	ssub.s32 $0x0, s20;
	[sflag:s22] =	ssyncset.done $0x0  }
0xa6: {  	[sflag:s22] =	ssyncadd.s32 s6;
	_ =	sdelay $0x1  }
0xa7: {  	s23 =	simm.s32 $0x1B8B  }
0xa8: {  	_ =	swait.ge [sflag:s23], $0x1  }
0xa9: {  	[sflag:s23] =	ssyncset.done $0x0  }
0xaa: {  	s25 =	simm.s32 $0x1B8E;
	s24 =	sld [smem:$0x3FFE];
	[sflag:s23] =	ssyncadd.s32 $0xFFFFFFFF  }
0xab: {  	s26 =	simm.s32 $execute0_lowered;
	[smem:$0x3FD2] =	sst s25  }
0xac: {  	s7 =	sshll.u32 s26, $0x1;
	_ =	strace $0x80000046;
	[dreg:$0x1] =	wrdreg $0xFFFFFFFF  }
0xad: {  	s28 =	simm.s32 $_size_execute0_lowered;
	s5 =	sadd.s32 s5, s7;
	[dreg:$0x0] =	wrdreg $0x0  }
0xae: {  	s7 =	sshll.u32 s28, $0x1;
	[dreg:$0x2] =	wrdreg s5  }
0xaf: {  	[dreg:$0x3] =	wrdreg s7  }
0xb0: {  	[dreg:$0x4] =	wrdreg $0xC0  }
0xb1: {  	_ =	task [dreg:s9], $0x5FFFF  }
0xb2: {  	[dreg:$0x1] =	wrdreg $0xFFFFFFFF  }
0xb3: {  	[dreg:$0x0] =	wrdreg $0x60  }
0xb4: {  	[dreg:$0x2] =	wrdreg s17  }
0xb5: {  	[dreg:$0x3] =	wrdreg s24  }
0xb6: {  	[dreg:$0x4] =	wrdreg s15  }
0xb7: {  	[dreg:$0x5] =	wrdreg s16  }
0xb8: {  	[dreg:$0x6] =	wrdreg $0x9  }
0xb9: {  	_ =	task.clear_ibuf [dreg:s9], $0x7FFFF;
	_ =	strace $0x90000046  }
0xba: {  	s29 =	simm.s32 $0x9;
	_ =	strace $0x80000048  }
0xbb: {  	_ =	swait.ge [sflag:s29], $0x1  }
0xbc: {  	[sflag:s29] =	ssyncadd.s32 $0xFFFFFFFF  }
0xbd: {  	_ =	strace $0x90000048  }
0xbe: {  	_ =	sfence  }
0xbf: {  	s30 =	sld [smem:$0x0];
	_ =	sdelay $0x2  }
0xc0: {  	s31 =	sshll.u32 s1, $0xD;
	s1 =	sshrl.u32 s1, $0x2  }
0xc1: {  	s3 =	sand.u32 $0x4000, s31;
	s1 =	sadd.s32 s1, s30  }
0xc2: {  	s0 =	sor.u32 s3, s0;
	s1 =	sshll.u32 s1, $0x11  }
0xc3: {  	s0 =	sor.u32 s1, s0  }
0xc4: {  	s0 =	sadd.s32 $0x8F2B, s0  }
0xc5: {  	[sflag:s0] =	ssyncadd.remote.s32 $0x1  }
0xc6: {  	_ =	sfence.sel $0xFFFF  }
0xc7: {  	[dreg:$0x0] =	wrdreg $0xFFFFFFFF;
	(pc) =	sbr.abs _section_cstart, $3  }
0xc8: {  	[dreg:$0x1] =	wrdreg $0xFFFFFFFF  }
0xc9: {  	_ =	task.clear_ibuf [dreg:s9], $0x2FFFF;
	_ =	strace $0x9FFFFFFF  }
0xca: {  	(tm) =	ssettm $0x7FFFFFFF  }
0xcb: {  	_ =	shalt  }
tec
execute0_lowered:
.L_overlay_start_1:
0x0: {  	(tag) =	ssettag $0x1  }
0x1: {  	s0 =	rddreg [dreg:$0x0]  }
0x2: {  	s1 =	rddreg [dreg:$0x1];
	s4 =	simm.s32 $0x0;
	s6 =	stileid.u32  }
0x3: {  	s17 =	srdreg.scid;
	s20 =	simm.s32 $0x4000;
	s28 =	simm.s32 $0x14700  }
0x4: {  	s29 =	simm.s32 $0x14D00;
	[smem:$0x7FF] =	sst s4;
	s2 =	sshrl.u32 s6, $0x2  }
0x5: {  	s5 =	sadd.s32 $0xE400, s1;
	s7 =	sadd.s32 $0x6400, s1;
	s6 =	sshll.u32 s6, $0x1  }
0x6: {  	s24 =	sadd.s32 $0xEC00, s1;
	_ =	strace $0x80000047;
	[dreg:$0x5] =	wrdreg s5  }
0x7: {  	s25 =	sadd.s32 $0xF400, s1;
	s26 =	sadd.s32 $0xFC00, s1;
	[dreg:$0x6] =	wrdreg s7  }
0x8: {  	s3 =	sshll.u32 s2, $0xB;
	s18 =	smul.u32 $0xC000, s2;
	[dreg:$0xe] =	wrdreg s24  }
0x9: {  	s5 =	sand.u32 $0x1, s17;
	s10 =	smul.u32 $0x1800, s2;
	[dreg:$0xf] =	wrdreg s25  }
0xa: {  	s19 =	sshll.u32 s2, $0xE;
	s2 =	sshll.u32 s2, $0x6;
	[dreg:$0x10] =	wrdreg s26  }
0xb: {  	s25 =	simm.s32 $0x14000;
	s26 =	simm.s32 $0x14280;
	s6 =	sor.u32 s5, s6  }
0xc: {  	v0 =	vimm.f32 $7.000000000e+01;
	s3 =	sadd.s32 s3, s1;
	s5 =	ssub.s32 $0x2, s5;
	s8 =	sshll.u32 s6, $0x4  }
0xd: {  	(erf) = vrcp.f32 v0;
	s9 =	sshrl.u32 s5, $0x1;
	s7 =	sshrl.u32 s18, $0x3;
	s10 =	sadd.s32 s0, s10  }
0xe: {  	s21 =	sshll.u32 s6, $0x3;
	s22 =	sadd.s32 $0x3800, s3;
	[dreg:$0x7] =	wrdreg s10  }
0xf: {  	s3 =	sadd.s32 $0x1800, s3;
	s0 =	sadd.s32 s0, s7;
	[dreg:$0xa] =	wrdreg s22  }
0x10: {  	s8 =	sadd.s32 s8, s1;
	[dreg:$0xb] =	wrdreg s3;
	s7 =	sadd.s32 $0x800, s0  }
0x11: {  	s5 =	ssub.s32 s5, s9;
	s0 =	sadd.s32 $0x1000, s0;
	[dreg:$0x8] =	wrdreg s7  }
0x12: {  	s1 =	simm.s32 $0x4;
	s23 =	sadd.s32 $0x6000, s8;
	[dreg:$0x9] =	wrdreg s0  }
0x13: {  	s22 =	simm.s32 $0xC000;
	s30 =	sadd.s32 $0x6200, s8;
	[dreg:$0xc] =	wrdreg s23  }
0x14: {  	vm0 =	vmmov $0x1;
	v0 =	vimm.s32 $0x0;
	s31 =	smax.u32 s5, $0x1;
	s0 =	sand.u32 $0x38, s21;
	[dreg:$0x11] =	wrdreg s30  }
0x15: {  	v0 =	vsel vm0, $0xFFFFFFFF, v0;
	[dreg:$0x12] =	wrdreg s31;
	s21 =	simm.s32 $0x8000;
	s0 =	sor.u32 s2, s0  }
0x16: {  	v62 =	vlaneseq.u32;
	v61 =	vmov s19;
	[tilespmem:$0x1FFF0] =	vst v0;
	v0 =	vimm.s32 $0x0;
	s23 =	simm.s32 $0x10000;
	s2 =	simm.s32 $0x0;
	[dreg:$0xd] =	wrdreg s0;
	v63 =	vpop (erf)  }
.LBB2_1:
0x17: {  	[dreg:$0x13] =	wrdreg s2  }
0x18: {  	s0 =	rddreg [dreg:$0x7]  }
0x19: {  	[tilespmem:s4], [sflag:$0x4] =	stream.linear.gather [hbm4b:s0+s4], $0x4000, $0x38;
	[tilespmem:$0x1D200] =	vst v63  }
0x1a: {  	_ =	swait.ge [sflag:s1], $0x4000  }
0x1b: {  	[sflag:s1] =	ssyncset.done $0x0  }
0x1c: {  	s17 =	rddreg [dreg:$0x8];
	[sflag:s1] =	ssyncadd.s32 $0xFFFFC000  }
0x1d: {  	[tilespmem:s20], [sflag:$0x4] =	stream.linear.gather [hbm4b:s17+s4], $0x4000, $0x38;
	[tilespmem:$0x1D200] =	vst v63  }
0x1e: {  	_ =	swait.ge [sflag:s1], $0x4000  }
0x1f: {  	[sflag:s1] =	ssyncset.done $0x0  }
0x20: {  	s18 =	rddreg [dreg:$0x9];
	[sflag:s1] =	ssyncadd.s32 $0xFFFFC000  }
0x21: {  	[tilespmem:s21], [sflag:$0x4] =	stream.linear.gather [hbm4b:s18+s4], $0x4000, $0x38;
	[tilespmem:$0x1D200] =	vst v63  }
0x22: {  	_ =	swait.ge [sflag:s1], $0x4000  }
0x23: {  	[sflag:s1] =	ssyncset.done $0x0  }
0x24: {  	s19 =	rddreg [dreg:$0xa];
	[sflag:s1] =	ssyncadd.s32 $0xFFFFC000  }
0x25: {  	[tilespmem:s22], [sflag:$0x4] =	stream.linear.gather [hbm4b:s19+s4], $0x4000, $0x38;
	[tilespmem:$0x1D200] =	vst v63  }
0x26: {  	_ =	swait.ge [sflag:s1], $0x4000  }
0x27: {  	[sflag:s1] =	ssyncset.done $0x0  }
0x28: {  	s24 =	rddreg [dreg:$0xb];
	[sflag:s1] =	ssyncadd.s32 $0xFFFFC000  }
0x29: {  	[tilespmem:s23], [sflag:$0x4] =	stream.linear.gather [hbm4b:s24+s4], $0x4000, $0x38;
	[tilespmem:$0x1D200] =	vst v63  }
0x2a: {  	_ =	swait.ge [sflag:s1], $0x4000  }
0x2b: {  	[sflag:s1] =	ssyncset.done $0x0  }
0x2c: {  	s31 =	simm.s32 $0x1D100;
	s30 =	rddreg [dreg:$0xc];
	[sflag:s1] =	ssyncadd.s32 $0xFFFFC000  }
0x2d: {  	[tilespmem:s31], [sflag:$0x4] =	stream.linear.gather [hbm4b:s30+s4], $0x80, $0x38;
	[tilespmem:$0x1D200] =	vst v63  }
0x2e: {  	_ =	swait.ge [sflag:s1], $0x80  }
0x2f: {  	[sflag:s1] =	ssyncset.done $0x0  }
0x30: {  	s11 =	simm.s32 $0x0;
	[sflag:s1] =	ssyncadd.s32 $0xFFFFFF80  }
.LBB2_2:
0x31: {  	s0 =	sshll.u32 s11, $0x4  }
0x32: {  	v2 =	vld [tilespmem:$0x1FFF0];
	s0 =	sand.u32 $0x3FFFFFF0, s0  }
0x33: {  	v1 =	vld [tilespmem:s0+$0x1D100];
	_ =	sdelay $0x3  }
0x34: {  	vm0 =	vnez.u8 v2  }
0x35: {  	v4 =	vnsel vm0, $0x0, v1  }
0x36: {  	vm9 =	vcmask $0x308;
	(xrf2) =	vadd.scan.msk.f32 $0xffff, v4  }
0x37: {  	vm10 =	vcmask $0x70C;
	v4 =	vsel vm9, $0x0, v1  }
0x38: {  	vm11 =	vcmask $0xB10;
	(xrf2) =	vadd.scan.msk.f32 $0xffff, v4;
	v4 =	vsel vm10, $0x0, v1  }
0x39: {  	vm12 =	vcmask $0xF14;
	(xrf2) =	vadd.scan.msk.f32 $0xffff, v4;
	v4 =	vsel vm11, $0x0, v1  }
0x3a: {  	vm13 =	vcmask $0x1318;
	(xrf2) =	vadd.scan.msk.f32 $0xffff, v4;
	v4 =	vsel vm12, $0x0, v1  }
0x3b: {  	vm14 =	vcmask $0x171C;
	(xrf2) =	vadd.scan.msk.f32 $0xffff, v4;
	v4 =	vsel vm13, $0x0, v1  }
0x3c: {  	vm15 =	vcmask $0x1B20;
	(xrf2) =	vadd.scan.msk.f32 $0xffff, v4;
	v4 =	vsel vm14, $0x0, v1  }
0x3d: {  	(xrf2) =	vadd.scan.msk.f32 $0xffff, v4;
	v4 =	vsel vm15, $0x0, v1  }
0x3e: {  	(xrf2) =	vadd.scan.msk.f32 $0xffff, v4;
	_ =	sdelay $0x1  }
0x3f: {  	v4, _, _ =	vpop (xrf2)  }
0x40: {  	[tilespmem:$0x1FFA0] =	vst v1;
	v1 =	vbroadcast v4, $0xF  }
0x41: {  	v5, _, _ =	vpop (xrf2)  }
0x42: {  	v6, _, _ =	vpop (xrf2);
	[tilespmem:$0x1FFB0] =	vst v1;
	v1 =	vbroadcast v5, $0xF  }
0x43: {  	v10, _, _ =	vpop (xrf2)  }
0x44: {  	v11, _, _ =	vpop (xrf2);
	[tilespmem:$0x1FFC0] =	vst v1;
	v1 =	vbroadcast v6, $0xF  }
0x45: {  	v12, _, _ =	vpop (xrf2)  }
0x46: {  	v13, _, _ =	vpop (xrf2);
	[tilespmem:$0x1FFD0] =	vst v1;
	v1 =	vbroadcast v10, $0xF  }
0x47: {  	[dreg:$0x14] =	wrdreg s11;
	s17 =	simm.s32 $0x0;
	s19 =	simm.s32 $0xF0;
	v6 =	vbroadcast v11, $0xF;
	v14, _, _ =	vpop (xrf2);
	v10 =	vbroadcast v12, $0xF  }
0x48: {  	s1 =	simm.s32 $0x4080;
	s2 =	simm.s32 $0x80;
	s0 =	simm.s32 $0x8080;
	v11 =	vbroadcast v13, $0xF;
	v12 =	vbroadcast v14, $0xF;
	[tilespmem:$0x1FFE0] =	vst v1  }
.LBB2_3:
0x49: {  	v13 =	vld [tilespmem:s2+$0xFFFFFF80]  }
0x4a: {  	v14 =	vld [tilespmem:s0+$0xFFFFFF80]  }
0x4b: {  	v2 =	vld [tilespmem:$0x1FFB0]  }
0x4c: {  	v3 =	vld [tilespmem:$0x1FFD0]  }
0x4d: {  	v15 =	vld [tilespmem:s2+$0xFFFFFF90]  }
0x4e: {  	v4 =	vld [tilespmem:$0x1FFE0]  }
0x4f: {  	v18 =	vld [tilespmem:s0+$0xFFFFFF90]  }
0x50: {  	v19 =	vld [tilespmem:s1+$0xFFFFFF80]  }
0x51: {  	v1 =	vld [tilespmem:$0x1FFC0]  }
0x52: {  	v52 =	vld [tilespmem:s0+$0xFFFFFFB0]  }
0x53: {  	v57 =	vld [tilespmem:s0+$0xFFFFFFC0]  }
0x54: {  	v22 =	vld [tilespmem:s1+$0xFFFFFFB0]  }
0x55: {  	v60 =	vld [tilespmem:s1+$0xFFFFFFC0]  }
0x56: {  	v28 =	vld [tilespmem:s0+$0xFFFFFFE0];
	v13 =	vsub.f32 v13, v2;
	v14 =	vsub.f32 v14, v3  }
0x57: {  	v30 =	vld [tilespmem:s1+$0xFFFFFFD0];
	v15 =	vsub.f32 v15, v2;
	v46 =	vsub.f32 v18, v3  }
0x58: {  	v48 =	vsub.f32 v19, v1;
	v55 =	vsub.f32 v52, v3  }
0x59: {  	v58 =	vsub.f32 v57, v3;
	v59 =	vsub.f32 v22, v1  }
0x5a: {  	v47 =	vld [tilespmem:s2+$0xFFFFFFA0];
	v25 =	vsub.f32 v60, v1;
	v16 =	vmul.f32 v13, v4;
	v17 =	vmul.f32 v14, v6  }
0x5b: {  	v44 =	vld [tilespmem:s1+$0xFFFFFFF0];
	v34 =	vsub.f32 v28, v3;
	v13 =	vmul.f32 v13, v6;
	v14 =	vmul.f32 v14, v4  }
0x5c: {  	v36 =	vsub.f32 v30, v1;
	v49 =	vmul.f32 v15, v4;
	v20 =	vmul.f32 v46, v6  }
0x5d: {  	v53 =	vld [tilespmem:s1+$0xFFFFFFA0];
	vm9 =	vgt.f32 v48, v12;
	v15 =	vmul.f32 v15, v6;
	v13 =	vadd.f32 v14, v13  }
0x5e: {  	vm10 =	vlt.f32 v48, $1.000000000e+00;
	v19 =	vmul.f32 v55, v6;
	v38 =	vmul.f32 v34, v6  }
0x5f: {  	v16 =	vsub.f32 v16, v17;
	v50 =	vsub.f32 v49, v20;
	v13 =	vand.u32 $0x7FFFFFFF, v13  }
0x60: {  	v48 =	vsub.f32 v44, v1;
	v17 =	vsub.f32 v47, v2;
	vm2 =	vlt.f32 v13, v11;
	v13 =	vld [tilespmem:s0+$0xFFFFFFA0]  }
0x61: {  	v14 =	vand.u32 $0x7FFFFFFF, v16;
	v16 =	vmul.f32 v46, v4;
	v18 =	vand.u32 $0x7FFFFFFF, v50  }
0x62: {  	vm1 =	vlt.f32 v14, v10;
	v14 =	vld [tilespmem:s1+$0xFFFFFF90];
	vm11 =	vlt.f32 v18, v10;
	v18 =	vsub.f32 v53, v1  }
0x63: {  	v50 =	vld [tilespmem:s0+$0x10];
	vm1 =	vmand vm1, vm2;
	v15 =	vadd.f32 v16, v15;
	v16 =	vmul.f32 v55, v4  }
0x64: {  	vm1 =	vmand vm9, vm1;
	vm15 =	vgt.f32 v18, v12;
	vm0 =	vlt.f32 v18, $1.000000000e+00  }
0x65: {  	v51 =	vld [tilespmem:s2+$0xFFFFFFB0];
	vm9 =	vgt.f32 v59, v12;
	v15 =	vand.u32 $0x7FFFFFFF, v15;
	v13 =	vsub.f32 v13, v3  }
0x66: {  	vm10 =	vmand vm10, vm1;
	vm12 =	vlt.f32 v15, v11;
	v15 =	vmul.f32 v17, v4  }
0x67: {  	v21 =	vsel vm10, $0x1, v0;
	v14 =	vsub.f32 v14, v1;
	v54 =	vmul.f32 v13, v6  }
0x68: {  	v35 =	vld [tilespmem:s2+$0xFFFFFFF0];
	v17 =	vmul.f32 v17, v6;
	v53 =	vsub.f32 v50, v3;
	v13 =	vmul.f32 v13, v4  }
0x69: {  	vm2 =	vmand vm11, vm12;
	vm3 =	vgt.f32 v14, v12;
	v15 =	vsub.f32 v15, v54  }
0x6a: {  	v56 =	vld [tilespmem:s2+$0xFFFFFFC0];
	vm13 =	vlt.f32 v14, $1.000000000e+00;
	v14 =	vsub.f32 v51, v2;
	v13 =	vadd.f32 v13, v17  }
0x6b: {  	v55 =	vmul.f32 v53, v6;
	vm2 =	vmand vm3, vm2;
	v15 =	vand.u32 $0x7FFFFFFF, v15  }
0x6c: {  	v13 =	vand.u32 $0x7FFFFFFF, v13;
	vm4 =	vlt.f32 v15, v10;
	v15 =	vmul.f32 v14, v4  }
0x6d: {  	v17 =	vsub.f32 v35, v2;
	v14 =	vmul.f32 v14, v6;
	vm14 =	vlt.f32 v13, v11  }
0x6e: {  	vm3 =	vmand vm4, vm14;
	vm14 =	vmand vm13, vm2;
	v13 =	vsub.f32 v15, v19  }
0x6f: {  	vm13 =	vlt.f32 v59, $1.000000000e+00;
	v14 =	vadd.f32 v16, v14;
	v15 =	vsub.f32 v56, v2  }
0x70: {  	vm3 =	vmand vm15, vm3;
	v16 =	vmul.f32 v58, v4;
	v13 =	vand.u32 $0x7FFFFFFF, v13  }
0x71: {  	v14 =	vand.u32 $0x7FFFFFFF, v14;
	vm5 =	vlt.f32 v13, v10;
	v13 =	vmul.f32 v15, v4  }
0x72: {  	(xrf0) =	vadd.scan.msk.s32 $0xffff, v21;
	v21 =	vld [tilespmem:s2+$0xFFFFFFD0];
	vm6 =	vlt.f32 v14, v11;
	v14 =	vmul.f32 v58, v6;
	v15 =	vmul.f32 v15, v6  }
0x73: {  	v57 =	vld [tilespmem:s1+$0x10];
	v22 =	vsel vm14, $0x1, v0;
	vm12 =	vmand vm0, vm3;
	vm5 =	vmand vm5, vm6  }
0x74: {  	vm11 =	vmand vm9, vm5;
	v13 =	vsub.f32 v13, v14;
	v14 =	vadd.f32 v16, v15;
	v15 =	vld [tilespmem:s0+$0xFFFFFFD0]  }
0x75: {  	(xrf0) =	vadd.scan.msk.s32 $0xffff, v22;
	v23 =	vsel vm12, $0x1, v0;
	vm6 =	vlt.f32 v25, $1.000000000e+00;
	vm11 =	vmand vm13, vm11  }
0x76: {  	v24 =	vsel vm11, $0x1, v0;
	v13 =	vand.u32 $0x7FFFFFFF, v13;
	v14 =	vand.u32 $0x7FFFFFFF, v14  }
0x77: {  	v56 =	vld [tilespmem:s0+$0x20];
	(xrf0) =	vadd.scan.msk.s32 $0xffff, v23;
	vm15 =	vlt.f32 v13, v10;
	vm4 =	vlt.f32 v14, v11;
	v14 =	vsub.f32 v21, v2  }
0x78: {  	vm5 =	vgt.f32 v25, v12;
	v25 =	vsub.f32 v57, v1;
	(xrf0) =	vadd.scan.msk.s32 $0xffff, v24;
	vm1 =	vmand vm15, vm4  }
0x79: {  	v13, _, _ =	vpop (xrf0);
	v15 =	vsub.f32 v15, v3;
	vm1 =	vmand vm5, vm1;
	v26 =	vmul.f32 v14, v4  }
0x7a: {  	v14 =	vmul.f32 v14, v6;
	(v2sf) =	vpush v13, $0xF;
	v13 =	vld [tilespmem:s2+$0xFFFFFFE0];
	vm13 =	vmand vm6, vm1  }
0x7b: {  	v29, _, _ =	vpop (xrf0);
	v27 =	vmul.f32 v15, v6;
	v15 =	vmul.f32 v15, v4;
	v32 =	vsel vm13, $0x1, v0  }
0x7c: {  	v28 =	vld [tilespmem:s1+$0x20];
	v45 =	vmul.f32 v17, v4;
	v24 =	vsub.f32 v56, v3;
	(v2sf) =	vpush v29, $0xF;
	(xrf0) =	vadd.scan.msk.s32 $0xffff, v32  }
0x7d: {  	vm9 =	vgt.f32 v36, v12;
	v31, _, _ =	vpop (xrf0);
	v16 =	vsub.f32 v26, v27;
	v14 =	vadd.f32 v15, v14;
	v27 =	vld [tilespmem:s0+$0x30]  }
0x7e: {  	vm15 =	vlt.f32 v36, $1.000000000e+00;
	(v2sf) =	vpush v31, $0xF;
	v33, _, _ =	vpop (xrf0);
	v26 =	vmul.f32 v24, v6  }
0x7f: {  	v43 =	vld [tilespmem:s0+$0x0];
	(v2sf) =	vpush v33, $0xF;
	v14 =	vand.u32 $0x7FFFFFFF, v14;
	v13 =	vsub.f32 v13, v2  }
0x80: {  	v15 =	vand.u32 $0x7FFFFFFF, v16;
	v16 =	vmul.f32 v34, v4;
	vm8 =	vlt.f32 v14, v11;
	v14 =	vld [tilespmem:s0+$0xFFFFFFF0]  }
0x81: {  	v34 =	vsub.f32 v28, v1;
	vm7 =	vlt.f32 v15, v10;
	v15 =	vld [tilespmem:s1+$0xFFFFFFE0];
	v37 =	vmul.f32 v13, v4  }
0x82: {  	v33 =	vld [tilespmem:s2+$0x40];
	vm1 =	vmand vm7, vm8;
	v13 =	vmul.f32 v13, v6;
	v21, _, _ =	vpop (xrf0);
	v32 =	vsub.f32 v27, v3  }
0x83: {  	vm1 =	vmand vm9, vm1;
	v39 =	vsub.f32 v37, v38;
	(v2sf) =	vpush v21, $0xF  }
0x84: {  	vm15 =	vmand vm15, vm1;
	v13 =	vadd.f32 v16, v13;
	v16 =	vsub.f32 v43, v3  }
0x85: {  	v41 =	vld [tilespmem:s2+$0x0];
	v42 =	vsel vm15, $0x1, v0;
	v36 =	vmul.f32 v32, v6;
	v40 =	vand.u32 $0x7FFFFFFF, v39  }
0x86: {  	v14 =	vsub.f32 v14, v3;
	v15 =	vsub.f32 v15, v1;
	v13 =	vand.u32 $0x7FFFFFFF, v13  }
0x87: {  	v49 =	vmul.f32 v16, v6;
	v16 =	vmul.f32 v16, v4;
	v39 =	vsub.f32 v33, v2  }
0x88: {  	vm4 =	vlt.f32 v40, v10;
	vm5 =	vlt.f32 v13, v11;
	v46 =	vmul.f32 v14, v6  }
0x89: {  	v13 =	vmul.f32 v17, v6;
	v14 =	vmul.f32 v14, v4;
	vm6 =	vgt.f32 v15, v12  }
0x8a: {  	vm7 =	vlt.f32 v15, $1.000000000e+00;
	v15 =	vsub.f32 v41, v2;
	v47 =	vsub.f32 v45, v46  }
0x8b: {  	v17 =	vmul.f32 v24, v4;
	vm1 =	vmand vm4, vm5;
	v13 =	vadd.f32 v14, v13  }
0x8c: {  	v44 =	vmul.f32 v39, v4;
	v18 =	vmul.f32 v15, v4;
	v14 =	vand.u32 $0x7FFFFFFF, v47  }
0x8d: {  	v15 =	vmul.f32 v15, v6;
	v13 =	vand.u32 $0x7FFFFFFF, v13;
	vm8 =	vlt.f32 v14, v10;
	v14 =	vld [tilespmem:s2+$0x10]  }
0x8e: {  	vm1 =	vmand vm6, vm1;
	vm6 =	vgt.f32 v48, v12;
	vm9 =	vlt.f32 v13, v11;
	v13 =	vld [tilespmem:s1+$0x0]  }
0x8f: {  	(xrf0) =	vadd.scan.msk.s32 $0xffff, v42;
	vm1 =	vmand vm7, vm1;
	v18 =	vsub.f32 v18, v49;
	v15 =	vadd.f32 v16, v15  }
0x90: {  	v40 =	vld [tilespmem:s2+$0x50];
	vm7 =	vlt.f32 v48, $1.000000000e+00;
	v51 =	vsel vm1, $0x1, v0;
	vm2 =	vmand vm8, vm9  }
0x91: {  	v52 =	vand.u32 $0x7FFFFFFF, v18;
	v15 =	vand.u32 $0x7FFFFFFF, v15;
	v18 =	vmul.f32 v53, v4  }
0x92: {  	vm2 =	vmand vm6, vm2;
	vm9 =	vlt.f32 v15, v11;
	v15 =	vld [tilespmem:s2+$0x20];
	v14 =	vsub.f32 v14, v2  }
0x93: {  	(xrf0) =	vadd.scan.msk.s32 $0xffff, v51;
	vm8 =	vlt.f32 v52, v10;
	vm2 =	vmand vm7, vm2;
	v13 =	vsub.f32 v13, v1  }
0x94: {  	v59 =	vsel vm2, $0x1, v0;
	v54 =	vmul.f32 v14, v4;
	v14 =	vmul.f32 v14, v6  }
0x95: {  	v58, _, _ =	vpop (xrf0);
	v48 =	vsub.f32 v40, v2;
	vm3 =	vmand vm8, vm9;
	(xrf0) =	vadd.scan.msk.s32 $0xffff, v59;
	vm0 =	vgt.f32 v13, v12  }
0x96: {  	vm8 =	vlt.f32 v13, $1.000000000e+00;
	v13 =	vsub.f32 v54, v55;
	v14 =	vadd.f32 v18, v14  }
0x97: {  	(v2sf) =	vpush v58, $0xF;
	v15 =	vsub.f32 v15, v2;
	vm3 =	vmand vm0, vm3  }
0x98: {  	v52 =	vld [tilespmem:s0+$0x60];
	vm3 =	vmand vm8, vm3;
	v13 =	vand.u32 $0x7FFFFFFF, v13;
	v14 =	vand.u32 $0x7FFFFFFF, v14  }
0x99: {  	v29, _, _ =	vpop (xrf0);
	vm9 =	vlt.f32 v13, v10;
	vm0 =	vlt.f32 v14, v11;
	v13 =	vld [tilespmem:s2+$0x30];
	v14 =	vmul.f32 v15, v4  }
0x9a: {  	(v2sf) =	vpush v29, $0xF;
	v60 =	vsel vm3, $0x1, v0;
	v15 =	vmul.f32 v15, v6  }
0x9b: {  	vm8 =	vgt.f32 v25, v12;
	v30, _, _ =	vpop (xrf0);
	(xrf0) =	vadd.scan.msk.s32 $0xffff, v60;
	vm4 =	vmand vm9, vm0;
	v14 =	vsub.f32 v14, v26  }
0x9c: {  	vm9 =	vlt.f32 v25, $1.000000000e+00;
	vm4 =	vmand vm8, vm4;
	v15 =	vadd.f32 v17, v15  }
0x9d: {  	v54 =	vsub.f32 v52, v3;
	vm4 =	vmand vm9, vm4;
	v14 =	vand.u32 $0x7FFFFFFF, v14  }
0x9e: {  	v15 =	vand.u32 $0x7FFFFFFF, v15;
	v13 =	vsub.f32 v13, v2;
	vm0 =	vlt.f32 v14, v10;
	v14 =	vld [tilespmem:s0+$0x40]  }
0x9f: {  	(v2sf) =	vpush v30, $0xF;
	v31 =	vsel vm4, $0x1, v0;
	vm9 =	vlt.f32 v15, v11;
	v15 =	vld [tilespmem:s1+$0x30]  }
0xa0: {  	v17 =	vmul.f32 v32, v4;
	(xrf0) =	vadd.scan.msk.s32 $0xffff, v31;
	vm5 =	vmand vm0, vm9;
	v35 =	vmul.f32 v13, v4  }
0xa1: {  	v37, _, _ =	vpop (xrf0);
	vm0 =	vgt.f32 v34, v12;
	vm9 =	vlt.f32 v34, $1.000000000e+00;
	v13 =	vmul.f32 v13, v6  }
0xa2: {  	(v2sf) =	vpush v37, $0xF;
	vm5 =	vmand vm0, vm5;
	v38 =	vsub.f32 v35, v36  }
0xa3: {  	v42 =	vld [tilespmem:s0+$0x50];
	vm5 =	vmand vm9, vm5;
	v13 =	vadd.f32 v17, v13;
	v14 =	vsub.f32 v14, v3  }
0xa4: {  	v43 =	vld [tilespmem:s1+$0x40];
	v41 =	vsel vm5, $0x1, v0;
	v17 =	vmul.f32 v48, v6;
	v15 =	vsub.f32 v15, v1  }
0xa5: {  	v16 =	vand.u32 $0x7FFFFFFF, v38;
	v13 =	vand.u32 $0x7FFFFFFF, v13;
	v45 =	vmul.f32 v14, v6  }
0xa6: {  	v47, _, _ =	vpop (xrf0);
	vm7 =	vlt.f32 v13, v11;
	v13 =	vmul.f32 v39, v6;
	v14 =	vmul.f32 v14, v4  }
0xa7: {  	[dreg:$0x17] =	wrdreg s2;
	(xrf0) =	vadd.scan.msk.s32 $0xffff, v41;
	vm0 =	vlt.f32 v16, v10;
	vm9 =	vgt.f32 v15, v12;
	(v2sf) =	vpush v47, $0xF  }
0xa8: {  	[dreg:$0x16] =	wrdreg s1;
	v16 =	vsub.f32 v42, v3;
	vm6 =	vmand vm0, vm7;
	v13 =	vadd.f32 v14, v13  }
0xa9: {  	[dreg:$0x15] =	wrdreg s0;
	p0 =	slt.s32 s17, $0x200;
	s10 =	smov.u32 s17;
	vm0 =	vlt.f32 v15, $1.000000000e+00;
	v15 =	vsub.f32 v43, v1;
	v46 =	vsub.f32 v44, v45  }
0xaa: {  	s5 =	ssub.s32 s19, s17;
	s30 =	sadd.s32 $0xFFFFFF30, s19;
	s16 =	rddreg [dreg:$0x16];
	vm6 =	vmand vm9, vm6;
	v49 =	vmul.f32 v16, v6;
	v13 =	vand.u32 $0x7FFFFFFF, v13  }
0xab: {  	s10 =	simm.s32 @!p0 $0x200;
	[smem:$0x7FC] =	sst s30;
	s6 =	spop (v2sf);
	v16 =	vmul.f32 v16, v4;
	v14 =	vand.u32 $0x7FFFFFFF, v46;
	vm9 =	vlt.f32 v13, v11;
	v13 =	vld [tilespmem:s1+$0x50]  }
0xac: {  	s7 =	spop (v2sf);
	s8 =	sadd.s32 s17, s6;
	v51 =	vld [tilespmem:s2+$0x60];
	s2 =	sadd.s32 $0xFFFFFF10, s5;
	vm6 =	vmand vm0, vm6;
	vm8 =	vlt.f32 v14, v10;
	v14 =	vmul.f32 v48, v4  }
0xad: {  	s5 =	ssub.s32 s5, s6;
	s6 =	sadd.s32 s7, s6;
	vm0 =	vgt.f32 v15, v12;
	v50, _, _ =	vpop (xrf0);
	v16 =	vadd.f32 v16, v17;
	v53 =	vsel vm6, $0x1, v0;
	s1 =	spop (v2sf)  }
0xae: {  	p0 =	slt.s32 s2, $0x200;
	s6 =	ssub.s32 $0x0, s6;
	(v2sf) =	vpush v50, $0xF;
	(xrf0) =	vadd.scan.msk.s32 $0xffff, v53;
	vm7 =	vmand vm8, vm9;
	s3 =	spop (v2sf);
	v14 =	vsub.f32 v14, v49  }
0xaf: {  	s12 =	sadd.s32 $0xFFFFFF20, s5;
	s13 =	ssub.s32 s6, s1;
	vm7 =	vmand vm0, vm7;
	vm0 =	vlt.f32 v15, $1.000000000e+00;
	v15 =	vand.u32 $0x7FFFFFFF, v16;
	s18 =	spop (v2sf)  }
0xb0: {  	s9 =	ssub.s32 s6, s17;
	s6 =	ssub.s32 s13, s17;
	vm7 =	vmand vm0, vm7;
	s31 =	spop (v2sf);
	v14 =	vand.u32 $0x7FFFFFFF, v14;
	v13 =	vsub.f32 v13, v1  }
0xb1: {  	s0 =	ssub.s32 s13, s3;
	s13 =	rddreg [dreg:$0x16];
	vm0 =	vlt.f32 v15, v11;
	s14 =	spop (v2sf);
	vm8 =	vlt.f32 v14, v10;
	v14 =	vsel vm7, $0x1, v0  }
0xb2: {  	s2 =	simm.s32 @!p0 $0x200;
	v15 =	vsub.f32 v51, v2;
	[dreg:$0x1f] =	wrdreg s14;
	s15 =	spop (v2sf);
	vm8 =	vmand vm8, vm0;
	(xrf0) =	vadd.scan.msk.s32 $0xffff, v14;
	vm0 =	vgt.f32 v13, v12  }
0xb3: {  	p0 =	slt.s32 s8, $0x200;
	p1 =	slt.s32 s12, $0x200;
	v17 =	vmul.f32 v54, v6;
	[dreg:$0x1a] =	wrdreg s15;
	vm8 =	vmand vm0, vm8;
	vm0 =	vlt.f32 v13, $1.000000000e+00  }
0xb4: {  	s12 =	simm.s32 @!p1 $0x200;
	v16 =	vmul.f32 v54, v4;
	v14 =	vmul.f32 v15, v4;
	s24 =	spop (v2sf);
	v18, _, _ =	vpop (xrf0);
	s15 =	rddreg [dreg:$0x17];
	v13 =	vld [tilespmem:s16+$0x60];
	vm8 =	vmand vm0, vm8  }
0xb5: {  	v15 =	vmul.f32 v15, v6;
	[dreg:$0x19] =	wrdreg s24;
	(v2sf) =	vpush v18, $0xF;
	s24 =	smov.u32 s8;
	s8 =	sadd.s32 s8, s7;
	v55 =	vsel vm8, $0x1, v0  }
0xb6: {  	v14 =	vsub.f32 v14, v17;
	s24 =	simm.s32 @!p0 $0x200;
	p0 =	slt.s32 s8, $0x200;
	s5 =	smov.u32 s8;
	(xrf0) =	vadd.scan.msk.s32 $0xffff, v55  }
0xb7: {  	v15 =	vadd.f32 v16, v15;
	s1 =	sadd.s32 s8, s1;
	s8 =	sadd.s32 $0xFFFFFF60, s19;
	s5 =	simm.s32 @!p0 $0x200  }
0xb8: {  	s14 =	smov.u32 s1;
	v14 =	vand.u32 $0x7FFFFFFF, v14;
	s11 =	spop (v2sf);
	[smem:$0x7FD] =	sst s5;
	v56, _, _ =	vpop (xrf0)  }
0xb9: {  	v15 =	vand.u32 $0x7FFFFFFF, v15;
	[dreg:$0x1b] =	wrdreg s11;
	s11 =	sadd.s32 s9, s30;
	s9 =	sadd.s32 $0xFFFFFF40, s19;
	v13 =	vsub.f32 v13, v1;
	(v2sf) =	vpush v56, $0xF  }
0xba: {  	s5 =	sadd.s32 $0xFFFFFF20, s19;
	vm9 =	vlt.f32 v14, v10;
	vm0 =	vlt.f32 v15, v11;
	p0 =	slt.s32 s11, $0x200;
	s30 =	sadd.s32 s6, s9  }
0xbb: {  	vm0 =	vmand vm9, vm0;
	s6 =	rddreg [dreg:$0x15];
	s11 =	simm.s32 @!p0 $0x200;
	p0 =	slt.s32 s1, $0x200;
	vm9 =	vgt.f32 v13, v12  }
0xbc: {  	p1 =	slt.s32 s30, $0x200;
	s1 =	sadd.s32 s1, s3;
	s3 =	ssub.s32 s0, s17;
	vm0 =	vmand vm9, vm0;
	vm9 =	vlt.f32 v13, $1.000000000e+00;
	v13 =	vld [tilespmem:s15+$0x70];
	v14, _, _ =	vpop (xrf0)  }
0xbd: {  	s14 =	simm.s32 @!p0 $0x200;
	s30 =	simm.s32 @!p1 $0x200;
	s16 =	spop (v2sf);
	(v2sf) =	vpush v14, $0xF;
	v14 =	vld [tilespmem:s6+$0x70]  }
0xbe: {  	p0 =	slt.s32 s1, $0x200;
	[dreg:$0x1c] =	wrdreg s16;
	s16 =	smov.u32 s1  }
0xbf: {  	s15 =	ssub.s32 s0, s18;
	s1 =	sadd.s32 s1, s18;
	vm9 =	vmand vm9, vm0;
	s6 =	sadd.s32 $0xFFFFFF50, s19  }
0xc0: {  	s16 =	simm.s32 @!p0 $0x200;
	s7 =	ssub.s32 s15, s17;
	v15 =	vsel vm9, $0x1, v0;
	s0 =	sadd.s32 s3, s6  }
0xc1: {  	s18 =	sadd.s32 s7, s8;
	s7 =	rddreg [dreg:$0x1f];
	(xrf0) =	vadd.scan.msk.s32 $0xffff, v15;
	p0 =	slt.s32 s0, $0x200;
	v13 =	vsub.f32 v13, v2  }
0xc2: {  	v15 =	vld [tilespmem:s13+$0x70];
	s13 =	smov.u32 s1;
	s3 =	ssub.s32 s15, s31;
	s0 =	simm.s32 @!p0 $0x200;
	v14 =	vsub.f32 v14, v3  }
0xc3: {  	p0 =	slt.s32 s1, $0x200;
	s1 =	sadd.s32 s1, s31;
	s31 =	sadd.s32 $0xFFFFFF10, s19;
	v57 =	vmul.f32 v13, v4;
	v13 =	vmul.f32 v13, v6  }
0xc4: {  	p1 =	slt.s32 s18, $0x200;
	s15 =	spop (v2sf);
	[dreg:$0x18] =	wrdreg s31;
	v58 =	vmul.f32 v14, v6;
	v14 =	vmul.f32 v14, v4  }
0xc5: {  	s13 =	simm.s32 @!p0 $0x200;
	p0 =	slt.s32 s1, $0x200;
	[dreg:$0x1d] =	wrdreg s15  }
0xc6: {  	v60 =	vor.u32 s31, v62;
	s31 =	sadd.s32 s1, s7;
	s15 =	sld [smem:$0x7FC];
	v13 =	vadd.f32 v14, v13;
	v14 =	vor.u32 s5, v62;
	s5 =	smov.u32 s1  }
0xc7: {  	[tilespmem:s10+$0x14000] =	vst.msk vm10, v60;
	vm10 =	vmneg vm10;
	v59, _, _ =	vpop (xrf0);
	s1 =	ssub.s32 s3, s7;
	s7 =	ssub.s32 s3, s17;
	s3 =	sadd.s32 $0xFFFFFF70, s19  }
0xc8: {  	[tilespmem:s2+$0x14280] =	vst.msk vm10, v60;
	(v2sf) =	vpush v59, $0xF;
	s5 =	simm.s32 @!p0 $0x200;
	s2 =	sadd.s32 s7, s3;
	s10 =	spop (v2sf)  }
0xc9: {  	v16 =	vsub.f32 v57, v58;
	[tilespmem:s24+$0x14000] =	vst.msk vm14, v14;
	s7 =	sadd.s32 $0xFFFFFF80, s19;
	s24 =	ssub.s32 s1, s17;
	[dreg:$0x1e] =	wrdreg s10  }
0xca: {  	vm0 =	vmneg vm14;
	p0 =	slt.s32 s2, $0x200;
	s10 =	sadd.s32 s24, s7;
	s24 =	sld [smem:$0x7FD]  }
0xcb: {  	v15 =	vsub.f32 v15, v1;
	v16 =	vand.u32 $0x7FFFFFFF, v16;
	v13 =	vand.u32 $0x7FFFFFFF, v13;
	[tilespmem:s12+$0x14280] =	vst.msk vm0, v14;
	s12 =	smov.u32 s31;
	s2 =	simm.s32 @!p0 $0x200;
	p0 =	slt.s32 s31, $0x200  }
0xcc: {  	s18 =	simm.s32 @!p1 $0x200;
	vm10 =	vlt.f32 v16, v10;
	vm14 =	vlt.f32 v13, v11;
	v13 =	vor.u32 s15, v62;
	s12 =	simm.s32 @!p0 $0x200;
	p0 =	slt.s32 s10, $0x200  }
0xcd: {  	vm0 =	vmand vm10, vm14;
	vm10 =	vmneg vm12;
	[tilespmem:s24+$0x14000] =	vst.msk vm12, v13;
	s10 =	simm.s32 @!p0 $0x200;
	s24 =	rddreg [dreg:$0x1a];
	s15 =	spop (v2sf)  }
0xce: {  	vm14 =	vgt.f32 v15, v12;
	[tilespmem:s11+$0x14280] =	vst.msk vm10, v13;
	v13 =	vor.u32 s9, v62;
	s9 =	sadd.s32 s31, s24;
	s1 =	ssub.s32 s1, s24;
	s11 =	sadd.s32 $0xFFFFFF90, s19  }
0xcf: {  	vm0 =	vmand vm14, vm0;
	vm14 =	vmneg vm11;
	[tilespmem:s14+$0x14000] =	vst.msk vm11, v13;
	p0 =	slt.s32 s9, $0x200;
	s14 =	smov.u32 s9;
	s31 =	ssub.s32 s1, s17  }
0xd0: {  	[tilespmem:s30+$0x14280] =	vst.msk vm14, v13;
	v13 =	vor.u32 s6, v62;
	s14 =	simm.s32 @!p0 $0x200;
	s6 =	sadd.s32 s31, s11;
	s30 =	rddreg [dreg:$0x19]  }
0xd1: {  	vm11 =	vmneg vm13;
	s1 =	ssub.s32 s1, s30;
	[tilespmem:s16+$0x14000] =	vst.msk vm13, v13;
	s9 =	sadd.s32 s9, s30;
	s16 =	sadd.s32 $0xFFFFFFA0, s19  }
0xd2: {  	vm12 =	vlt.f32 v15, $1.000000000e+00;
	p0 =	slt.s32 s6, $0x200;
	s30 =	rddreg [dreg:$0x1c];
	s31 =	ssub.s32 s1, s17;
	[tilespmem:s0+$0x14280] =	vst.msk vm11, v13;
	v13 =	vor.u32 s8, v62  }
0xd3: {  	vm10 =	vmand vm12, vm0;
	vm12 =	vmneg vm15;
	p1 =	slt.s32 s9, $0x200;
	s8 =	smov.u32 s9;
	s24 =	sadd.s32 s31, s16;
	[tilespmem:s13+$0x14000] =	vst.msk vm15, v13  }
0xd4: {  	s6 =	simm.s32 @!p0 $0x200;
	p0 =	slt.s32 s24, $0x200;
	[tilespmem:s18+$0x14280] =	vst.msk vm12, v13;
	v13 =	vor.u32 s3, v62;
	s3 =	rddreg [dreg:$0x1b]  }
0xd5: {  	v14 =	vsel vm10, $0x1, v0;
	s8 =	simm.s32 @!p1 $0x200;
	s24 =	simm.s32 @!p0 $0x200;
	s13 =	sadd.s32 s9, s3  }
0xd6: {  	(xrf0) =	vadd.scan.msk.s32 $0xffff, v14;
	s0 =	ssub.s32 s1, s3;
	s1 =	sadd.s32 $0xFFFFFFB0, s19;
	p0 =	slt.s32 s13, $0x200  }
0xd7: {  	vm13 =	vmneg vm1;
	[tilespmem:s5+$0x14000] =	vst.msk vm1, v13;
	s18 =	ssub.s32 s0, s17;
	s31 =	ssub.s32 s0, s30;
	s0 =	spop (v2sf)  }
0xd8: {  	[tilespmem:s2+$0x14280] =	vst.msk vm13, v13;
	v13 =	vor.u32 s7, v62;
	s9 =	smov.u32 s13;
	s3 =	sadd.s32 s13, s30;
	s30 =	rddreg [dreg:$0x1e]  }
0xd9: {  	vm14 =	vmneg vm2;
	s2 =	sadd.s32 s18, s1;
	[tilespmem:s12+$0x14000] =	vst.msk vm2, v13;
	s12 =	sadd.s32 $0xFFFFFFC0, s19;
	s7 =	ssub.s32 s31, s17  }
0xda: {  	s9 =	simm.s32 @!p0 $0x200;
	[tilespmem:s10+$0x14280] =	vst.msk vm14, v13;
	v13 =	vor.u32 s11, v62;
	p0 =	slt.s32 s2, $0x200;
	s10 =	sadd.s32 s7, s12  }
0xdb: {  	vm15 =	vmneg vm3;
	s11 =	smov.u32 s3;
	[tilespmem:s14+$0x14000] =	vst.msk vm3, v13;
	s2 =	simm.s32 @!p0 $0x200;
	p0 =	slt.s32 s3, $0x200  }
0xdc: {  	v14, _, _ =	vpop (xrf0);
	p1 =	slt.s32 s10, $0x200;
	s14 =	rddreg [dreg:$0x1d];
	[tilespmem:s6+$0x14280] =	vst.msk vm15, v13;
	v13 =	vor.u32 s16, v62;
	s11 =	simm.s32 @!p0 $0x200  }
0xdd: {  	(v2sf) =	vpush v14, $0xF;
	s10 =	simm.s32 @!p1 $0x200;
	s5 =	ssub.s32 s31, s14;
	s3 =	sadd.s32 s3, s14;
	[tilespmem:s8+$0x14000] =	vst.msk vm4, v13;
	vm4 =	vmneg vm4  }
0xde: {  	s16 =	sadd.s32 $0xFFFFFFD0, s19;
	s14 =	sadd.s32 $0xFFFFFFE0, s19;
	s18 =	ssub.s32 s5, s17;
	[tilespmem:s24+$0x14280] =	vst.msk vm4, v13;
	v13 =	vor.u32 s1, v62  }
0xdf: {  	p0 =	slt.s32 s3, $0x200;
	s5 =	ssub.s32 s5, s30;
	s1 =	smov.u32 s3;
	[tilespmem:s9+$0x14000] =	vst.msk vm5, v13;
	vm5 =	vmneg vm5  }
0xe0: {  	s8 =	sadd.s32 s18, s16;
	s31 =	ssub.s32 s5, s15;
	s1 =	simm.s32 @!p0 $0x200;
	[tilespmem:s2+$0x14280] =	vst.msk vm5, v13;
	v13 =	vor.u32 s12, v62  }
0xe1: {  	vm11 =	vmneg vm6;
	p0 =	slt.s32 s8, $0x200;
	s13 =	ssub.s32 s31, s0;
	s9 =	ssub.s32 s31, s17;
	[tilespmem:s11+$0x14000] =	vst.msk vm6, v13  }
0xe2: {  	s2 =	sadd.s32 s3, s30;
	s12 =	ssub.s32 s5, s17;
	s8 =	simm.s32 @!p0 $0x200;
	[tilespmem:s10+$0x14280] =	vst.msk vm11, v13;
	v13 =	vor.u32 s16, v62  }
0xe3: {  	vm12 =	vmneg vm7;
	p1 =	slt.s32 s2, $0x200;
	s6 =	sadd.s32 s2, s15;
	s3 =	sadd.s32 s12, s14;
	[tilespmem:s1+$0x14000] =	vst.msk vm7, v13  }
0xe4: {  	s2 =	simm.s32 @!p1 $0x200;
	p0 =	slt.s32 s3, $0x200;
	s16 =	sadd.s32 $0xFFFFFFF0, s19;
	[tilespmem:s8+$0x14280] =	vst.msk vm12, v13;
	v13 =	vor.u32 s14, v62  }
0xe5: {  	vm13 =	vmneg vm8;
	s5 =	ssub.s32 s13, s17;
	s3 =	simm.s32 @!p0 $0x200;
	[tilespmem:s2+$0x14000] =	vst.msk vm8, v13;
	s2 =	sadd.s32 s9, s16  }
0xe6: {  	s18 =	rddreg [dreg:$0x16];
	[tilespmem:s3+$0x14280] =	vst.msk vm13, v13;
	p0 =	slt.s32 s2, $0x200;
	s3 =	sadd.s32 s5, s19  }
0xe7: {  	s31 =	rddreg [dreg:$0x18];
	s2 =	simm.s32 @!p0 $0x200;
	p0 =	slt.s32 s3, $0x200  }
0xe8: {  	p1 =	slt.s32 s6, $0x200;
	s3 =	simm.s32 @!p0 $0x200;
	p0 =	slt.u32 s31, $0x3F00  }
.Ltmp0:
0xe9: {  	s0 =	sadd.s32 s6, s0;
	s6 =	simm.s32 @!p1 $0x200;
	v13 =	vor.u32 s16, v62;
	(pc) =	sbr.rel @p0 .LBB2_3-.Ltmp0, $4  }
0xea: {  	vm14 =	vmneg vm9;
	s24 =	rddreg [dreg:$0x17];
	p1 =	slt.s32 s0, $0x200;
	s1 =	smov.u32 s0;
	[tilespmem:s6+$0x14000] =	vst.msk vm9, v13  }
0xeb: {  	s30 =	rddreg [dreg:$0x15];
	s1 =	simm.s32 @!p1 $0x200;
	[tilespmem:s2+$0x14280] =	vst.msk vm14, v13;
	v13 =	vor.u32 s19, v62  }
0xec: {  	vm15 =	vmneg vm10;
	s17 =	spop (v2sf);
	s19 =	sadd.s32 $0x100, s19;
	s2 =	sadd.s32 $0x100, s24;
	[tilespmem:s1+$0x14000] =	vst.msk vm10, v13  }
0xed: {  	s17 =	sadd.s32 s0, s17;
	s0 =	sadd.s32 $0x100, s30;
	s1 =	sadd.s32 $0x100, s18;
	[tilespmem:s3+$0x14280] =	vst.msk vm15, v13  }
0xee: {  	s0 =	simm.s32 $0x0  }
0xef: {  	s7 =	simm.s32 $0x10;
	v9 =	vor.u32 s0, v62  }
0xf0: {  	p0 =	slt.s32 s17, $0x200;
	s1 =	smov.u32 s17;
	s8 =	simm.s32 $0x20;
	v14 =	vor.u32 s7, v62  }
0xf1: {  	s2 =	simm.s32 $0x30;
	s9 =	simm.s32 $0x70;
	s1 =	simm.s32 @!p0 $0x200;
	v13 =	vor.u32 s8, v62  }
0xf2: {  	s10 =	simm.s32 $0x40;
	v23 =	vor.u32 s2, v62;
	v19 =	vor.u32 s9, v62;
	v11 =	vmov s1  }
0xf3: {  	v26 =	vor.u32 s10, v62;
	v12 =	vsub.s32 v19, v11  }
0xf4: {  	vm0 =	vgt.s32 v12, $0x0;
	v15 =	vld.idx.msk [tilespmem:v9+s25+$0x0], $0xffff  }
0xf5: {  	s11 =	simm.s32 $0x50;
	v18 =	vnsel vm0, $0x0, v12;
	v16 =	vld.idx.msk [tilespmem:v14+s25+$0x0], $0xffff  }
0xf6: {  	s12 =	simm.s32 $0x60;
	v28 =	vor.u32 s11, v62;
	v17 =	vsub.s32 v14, v11;
	v20 =	vld.idx.msk [tilespmem:v13+s25+$0x0], $0xffff  }
0xf7: {  	v21 =	vsub.s32 v13, v11;
	vm0 =	vgt.s32 v17, $0x0;
	v12 =	vor.u32 s12, v62;
	v22 =	vld.idx.msk [tilespmem:v23+s25+$0x0], $0xffff  }
0xf8: {  	v24 =	vsub.s32 v23, v11;
	v17 =	vnsel vm0, $0x0, v17;
	v25 =	vld.idx.msk [tilespmem:v26+s25+$0x0], $0xffff;
	vm0 =	vgt.s32 v21, $0x0  }
0xf9: {  	v27 =	vsub.s32 v26, v11;
	v29 =	vld.idx.msk [tilespmem:v19+s25+$0x0], $0xffff;
	v21 =	vnsel vm0, $0x0, v21;
	vm0 =	vgt.s32 v24, $0x0  }
0xfa: {  	v30 =	vsub.s32 v28, v11;
	v24 =	vnsel vm0, $0x0, v24;
	vm0 =	vgt.s32 v27, $0x0;
	v18 =	vld.idx.msk [tilespmem:v18+s26+$0x0], $0xffff  }
0xfb: {  	v31 =	vsub.s32 v12, v11;
	v32 =	vld.idx.msk [tilespmem:v28+s25+$0x0], $0xffff;
	v27 =	vnsel vm0, $0x0, v27;
	vm0 =	vgt.s32 v30, $0x0  }
0xfc: {  	v33 =	vsub.s32 v9, v11;
	v30 =	vnsel vm0, $0x0, v30;
	vm0 =	vgt.s32 v31, $0x0;
	v34 =	vld.idx.msk [tilespmem:v12+s25+$0x0], $0xffff  }
0xfd: {  	vm1 =	vgt.s32 v33, $0x0;
	v17 =	vld.idx.msk [tilespmem:v17+s26+$0x0], $0xffff;
	v31 =	vnsel vm0, $0x0, v31  }
0xfe: {  	v33 =	vnsel vm1, $0x0, v33;
	vm0 =	vlt.s32 v19, v11;
	v21 =	vld.idx.msk [tilespmem:v21+s26+$0x0], $0xffff  }
0xff: {  	v24 =	vld.idx.msk [tilespmem:v24+s26+$0x0], $0xffff;
	v35 =	vsel vm0, v29, v18  }
0x100: {  	v18 =	vld.idx.msk [tilespmem:v27+s26+$0x0], $0xffff  }
0x101: {  	vm0 =	vlt.s32 v14, v11;
	v27 =	vld.idx.msk [tilespmem:v30+s26+$0x0], $0xffff  }
0x102: {  	s19 =	simm.s32 $0x14540;
	v30 =	vsel vm0, v16, v17;
	v16 =	vld.idx.msk [tilespmem:v31+s26+$0x0], $0xffff;
	v29 =	vadd.s32 v61, v35  }
0x103: {  	vm0 =	vlt.s32 v13, v11;
	v31 =	vld.idx.msk [tilespmem:v33+s26+$0x0], $0xffff;
	[tilespmem:s19+$0x30] =	vst v29  }
0x104: {  	v17 =	vsel vm0, v20, v21;
	v21 =	vld.idx.msk [tilespmem:v35+s4+$0x0], $0xffff  }
0x105: {  	v56 =	vld.idx.msk [tilespmem:v35+s21+$0x0], $0xffff  }
0x106: {  	v20 =	vadd.s32 v61, v30;
	v40 =	vld.idx.msk [tilespmem:v35+s20+$0x0], $0xffff  }
0x107: {  	vm1 =	vlt.s32 v23, v11;
	[tilespmem:s19+$0xFFFFFFD0] =	vst v20;
	v42 =	vld.idx.msk [tilespmem:v35+s22+$0x0], $0xffff  }
0x108: {  	vm2 =	vlt.s32 v26, v11;
	v20 =	vadd.s32 v61, v17;
	v29 =	vsel vm1, v22, v24;
	v36 =	vld.idx.msk [tilespmem:v30+s4+$0x0], $0xffff  }
0x109: {  	[tilespmem:s19+$0xFFFFFFE0] =	vst v20;
	v24 =	vsel vm2, v25, v18;
	v18 =	vadd.s32 v61, v29;
	v22 =	vld.idx.msk [tilespmem:v30+s21+$0x0], $0xffff  }
0x10a: {  	[tilespmem:s19+$0xFFFFFFF0] =	vst v18;
	v37 =	vld.idx.msk [tilespmem:v17+s4+$0x0], $0xffff  }
0x10b: {  	vm3 =	vlt.s32 v28, v11;
	v1 =	vld [tilespmem:$0x1FFB0]  }
0x10c: {  	vm1 =	vlt.s32 v12, v11;
	v27 =	vsel vm3, v32, v27;
	v25 =	vadd.s32 v61, v24;
	v2 =	vld [tilespmem:$0x1FFD0]  }
0x10d: {  	vm0 =	vlt.s32 v9, v11;
	v20 =	vsel vm1, v34, v16;
	v58 =	vadd.s32 v61, v27;
	v3 =	vld [tilespmem:$0x1FFE0];
	[tilespmem:s19+$0x0] =	vst v25  }
0x10e: {  	v16 =	vsel vm0, v15, v31;
	v57 =	vld.idx.msk [tilespmem:v17+s21+$0x0], $0xffff;
	v38 =	vadd.s32 v61, v20;
	[tilespmem:s19+$0x10] =	vst v58  }
0x10f: {  	v43 =	vmul.u32 $0x3, v19;
	v39 =	vadd.s32 v61, v16;
	v44 =	vld.idx.msk [tilespmem:v29+s4+$0x0], $0xffff;
	[tilespmem:s19+$0x20] =	vst v38  }
0x110: {  	v41 =	vmul.u32 $0x3, v26;
	v19 =	vshll.u32 v19, $0x1;
	v45 =	vld.idx.msk [tilespmem:v29+s21+$0x0], $0xffff;
	[tilespmem:s19+$0xFFFFFFC0] =	vst v39  }
0x111: {  	v47 =	vadd.s32 $0x1, v43;
	v59 =	vadd.s32 $0x2, v43;
	v50 =	vor.u32 $0x1, v19;
	v0 =	vld [tilespmem:$0x1FFC0]  }
0x112: {  	v31 =	vmul.u32 $0x3, v14;
	v48 =	vld.idx.msk [tilespmem:v24+s4+$0x0], $0xffff;
	v21 =	vsub.f32 v21, v1;
	v33 =	vsub.f32 v56, v2  }
0x113: {  	v18 =	vmul.u32 $0x3, v13;
	v60 =	vld.idx.msk [tilespmem:v24+s21+$0x0], $0xffff;
	v36 =	vsub.f32 v36, v1;
	v22 =	vsub.f32 v22, v2  }
0x114: {  	v15 =	vmul.u32 $0x3, v23;
	v51 =	vld.idx.msk [tilespmem:v27+s4+$0x0], $0xffff;
	v37 =	vsub.f32 v37, v1;
	v32 =	vsub.f32 v57, v2  }
0x115: {  	v52 =	vld.idx.msk [tilespmem:v27+s21+$0x0], $0xffff;
	v53 =	vsub.f32 v44, v1;
	v46 =	vmul.f32 v21, v3;
	v25 =	vmul.f32 v33, v6  }
0x116: {  	v56 =	vld.idx.msk [tilespmem:v20+s21+$0x0], $0xffff;
	v54 =	vsub.f32 v45, v2;
	v21 =	vmul.f32 v21, v6;
	v33 =	vmul.f32 v33, v3  }
0x117: {  	v55 =	vld.idx.msk [tilespmem:v20+s4+$0x0], $0xffff;
	v49 =	vsub.f32 v40, v0;
	v34 =	vmul.f32 v22, v6;
	v40 =	vmul.f32 v32, v6  }
0x118: {  	v35 =	vld.idx.msk [tilespmem:v35+s23+$0x0], $0xffff;
	v32 =	vmul.f32 v32, v3;
	v57 =	vsub.f32 v48, v1;
	v38 =	vsub.f32 v60, v2  }
0x119: {  	v58 =	vld.idx.msk [tilespmem:v16+s4+$0x0], $0xffff;
	v60 =	vmul.f32 v53, v3;
	v25 =	vsub.f32 v46, v25;
	v21 =	vadd.f32 v33, v21  }
0x11a: {  	v48 =	vld.idx.msk [tilespmem:v30+s22+$0x0], $0xffff;
	v39 =	vmul.f32 v54, v3;
	v46 =	vsub.f32 v51, v1;
	v33 =	vsub.f32 v52, v2  }
0x11b: {  	v51 =	vld.idx.msk [tilespmem:v30+s20+$0x0], $0xffff;
	v44 =	vsub.f32 v56, v2;
	[tilespmem:v43+s28+$0x0] =	vst.idx.msk $0xffff, v25;
	v25 =	vmul.f32 v42, v63  }
0x11c: {  	v52 =	vld.idx.msk [tilespmem:v17+s22+$0x0], $0xffff;
	v42 =	vmul.f32 v53, v6;
	v43 =	vsub.f32 v55, v1;
	[tilespmem:v47+s28+$0x0] =	vst.idx.msk $0xffff, v49  }
0x11d: {  	v53 =	vmul.f32 v38, v6;
	v55 =	vld.idx.msk [tilespmem:v24+s22+$0x0], $0xffff;
	v38 =	vmul.f32 v38, v3;
	[tilespmem:v59+s28+$0x0] =	vst.idx.msk $0xffff, v21  }
0x11e: {  	v49 =	vmul.f32 v54, v6;
	v21 =	vadd.f32 $-5.000000000e-01, v25;
	v25 =	vmul.f32 v36, v3;
	[tilespmem:v19+s29+$0x0] =	vst.idx.msk $0xffff, v35  }
0x11f: {  	v54 =	vld.idx.msk [tilespmem:v29+s22+$0x0], $0xffff;
	v19 =	vmul.f32 v36, v6;
	v36 =	vsub.f32 v58, v1;
	v35 =	vmul.f32 v57, v6  }
0x120: {  	v1 =	vadd.s32 $0x1, v31;
	[tilespmem:v50+s29+$0x0] =	vst.idx.msk $0xffff, v21;
	v21 =	vmul.f32 v22, v3;
	v22 =	vmul.f32 v37, v3  }
0x121: {  	v47 =	vld.idx.msk [tilespmem:v30+s23+$0x0], $0xffff;
	v30 =	vsub.f32 v51, v0;
	v37 =	vmul.f32 v37, v6;
	v50 =	vmul.f32 v57, v3  }
0x122: {  	v59 =	vld.idx.msk [tilespmem:v16+s21+$0x0], $0xffff;
	v25 =	vsub.f32 v25, v34;
	v34 =	vadd.f32 v38, v35;
	v35 =	vmul.f32 v52, v63  }
0x123: {  	v57 =	vld.idx.msk [tilespmem:v27+s22+$0x0], $0xffff;
	v56 =	vadd.f32 v21, v19;
	v19 =	vsub.f32 v22, v40;
	v21 =	vmul.f32 v46, v3  }
0x124: {  	v38 =	vld.idx.msk [tilespmem:v24+s23+$0x0], $0xffff;
	v58 =	vadd.f32 v32, v37;
	v22 =	vmul.f32 v33, v6;
	v32 =	vsub.f32 v60, v49  }
0x125: {  	v37 =	vld.idx.msk [tilespmem:v20+s22+$0x0], $0xffff;
	v60 =	vmul.f32 v46, v6;
	v33 =	vmul.f32 v33, v3;
	[tilespmem:v31+s28+$0x0] =	vst.idx.msk $0xffff, v25  }
0x126: {  	v46 =	vld.idx.msk [tilespmem:v16+s22+$0x0], $0xffff;
	v49 =	vadd.f32 v39, v42;
	v25 =	vmul.f32 v43, v3;
	v43 =	vmul.f32 v43, v6  }
0x127: {  	v39 =	vld.idx.msk [tilespmem:v17+s20+$0x0], $0xffff;
	v50 =	vsub.f32 v50, v53;
	v40 =	vmul.f32 v48, v63;
	v45 =	vsub.f32 v59, v2  }
0x128: {  	v53 =	vld.idx.msk [tilespmem:v29+s20+$0x0], $0xffff;
	v59 =	vmul.f32 v44, v6;
	v2 =	vmul.f32 v44, v3;
	[tilespmem:v1+s28+$0x0] =	vst.idx.msk $0xffff, v30  }
0x129: {  	v48 =	vld.idx.msk [tilespmem:v20+s20+$0x0], $0xffff;
	v1 =	vmul.f32 v36, v3;
	v44 =	vsub.f32 v21, v22;
	v30 =	vadd.f32 v33, v60  }
0x12a: {  	v33 =	vld.idx.msk [tilespmem:v24+s20+$0x0], $0xffff;
	v36 =	vmul.f32 v36, v6;
	v22 =	vmul.u32 $0x3, v28;
	v24 =	vadd.s32 $0x2, v31;
	[tilespmem:v41+s28+$0x0] =	vst.idx.msk $0xffff, v50  }
0x12b: {  	v31 =	vld.idx.msk [tilespmem:v20+s23+$0x0], $0xffff;
	v21 =	vmul.f32 v45, v6;
	v60 =	vmul.f32 v45, v3;
	v42 =	vsub.f32 v25, v59  }
0x12c: {  	v45 =	vld.idx.msk [tilespmem:v17+s23+$0x0], $0xffff;
	v25 =	vadd.f32 v2, v43;
	v17 =	vmul.u32 $0x3, v9;
	v2 =	vmul.f32 v55, v63  }
0x12d: {  	v20 =	vld.idx.msk [tilespmem:v16+s23+$0x0], $0xffff;
	[tilespmem:v18+s28+$0x0] =	vst.idx.msk $0xffff, v19;
	v3 =	vmul.f32 v57, v63;
	v46 =	vmul.f32 v46, v63  }
0x12e: {  	v59 =	vld.idx.msk [tilespmem:v27+s20+$0x0], $0xffff;
	v51 =	vsub.f32 v1, v21;
	v21 =	vmul.u32 $0x3, v12;
	v19 =	vadd.f32 v60, v36  }
0x12f: {  	v1 =	vmul.f32 v54, v63;
	v60 =	vld.idx.msk [tilespmem:v29+s23+$0x0], $0xffff;
	[tilespmem:v15+s28+$0x0] =	vst.idx.msk $0xffff, v32;
	v57 =	vadd.f32 $-5.000000000e-01, v46  }
0x130: {  	v50 =	vadd.f32 $-5.000000000e-01, v40;
	v37 =	vmul.f32 v37, v63;
	v36 =	vld.idx.msk [tilespmem:v27+s23+$0x0], $0xffff;
	v27 =	vshll.u32 v14, $0x1;
	[tilespmem:v22+s28+$0x0] =	vst.idx.msk $0xffff, v44  }
0x131: {  	v29 =	vld.idx.msk [tilespmem:v16+s20+$0x0], $0xffff;
	v54 =	vadd.f32 $-5.000000000e-01, v35;
	v55 =	vadd.f32 $-5.000000000e-01, v1;
	v1 =	vadd.s32 $0x1, v18;
	[tilespmem:$0x1FF90] =	vst v57  }
0x132: {  	v40 =	vadd.f32 $-5.000000000e-01, v2;
	v35 =	vadd.f32 $-5.000000000e-01, v3;
	v44 =	vor.u32 $0x1, v27;
	[tilespmem:v17+s28+$0x0] =	vst.idx.msk $0xffff, v51  }
0x133: {  	s14 =	simm.s32 $0x90;
	v39 =	vsub.f32 v39, v0;
	v2 =	vadd.s32 $0x2, v18;
	v52 =	vsub.f32 v53, v0;
	[tilespmem:v24+s28+$0x0] =	vst.idx.msk $0xffff, v56  }
0x134: {  	v3 =	vshll.u32 v13, $0x1;
	v16 =	vor.u32 s14, v62;
	v32 =	vadd.f32 $-5.000000000e-01, v37;
	[tilespmem:v21+s28+$0x0] =	vst.idx.msk $0xffff, v42  }
0x135: {  	v43 =	vsub.f32 v33, v0;
	v37 =	vsub.f32 v48, v0;
	[tilespmem:v27+s29+$0x0] =	vst.idx.msk $0xffff, v47;
	v47 =	vor.u32 $0x1, v3  }
0x136: {  	s13 =	simm.s32 $0x80;
	s16 =	simm.s32 $0xB0;
	v33 =	vsub.f32 v29, v0;
	v42 =	vsub.f32 v59, v0;
	v0 =	vadd.s32 $0x1, v15;
	[tilespmem:v1+s28+$0x0] =	vst.idx.msk $0xffff, v39  }
0x137: {  	v13 =	vor.u32 s16, v62;
	v18 =	vor.u32 s13, v62;
	v1 =	vadd.s32 $0x2, v15;
	[tilespmem:v44+s29+$0x0] =	vst.idx.msk $0xffff, v50  }
0x138: {  	s15 =	simm.s32 $0xA0;
	s24 =	simm.s32 $0xD0;
	v53 =	vsub.s32 v13, v11;
	v48 =	vshll.u32 v26, $0x1;
	[tilespmem:v2+s28+$0x0] =	vst.idx.msk $0xffff, v58;
	v2 =	vshll.u32 v23, $0x1  }
0x139: {  	s18 =	simm.s32 $0xC0;
	s31 =	simm.s32 $0xF0;
	v24 =	vor.u32 s24, v62;
	v15 =	vor.u32 s15, v62;
	[tilespmem:v3+s29+$0x0] =	vst.idx.msk $0xffff, v45;
	v3 =	vor.u32 $0x1, v2  }
0x13a: {  	s30 =	simm.s32 $0xE0;
	v29 =	vor.u32 s31, v62;
	v51 =	vadd.s32 $0x1, v41;
	v46 =	vld.idx.msk [tilespmem:v16+s25+$0x0], $0xffff;
	v27 =	vor.u32 s18, v62;
	[tilespmem:v47+s29+$0x0] =	vst.idx.msk $0xffff, v54  }
0x13b: {  	v44 =	vsub.s32 v18, v11;
	v23 =	vor.u32 s30, v62;
	v62 =	vsub.s32 v29, v11;
	[tilespmem:v0+s28+$0x0] =	vst.idx.msk $0xffff, v52  }
0x13c: {  	v39 =	vld.idx.msk [tilespmem:v18+s25+$0x0], $0xffff;
	v26 =	vsub.s32 v15, v11;
	v50 =	vor.u32 $0x1, v48;
	vm0 =	vgt.s32 v62, $0x0;
	[tilespmem:v1+s28+$0x0] =	vst.idx.msk $0xffff, v49  }
0x13d: {  	v52 =	vadd.s32 $0x2, v41;
	v54 =	vsub.s32 v16, v11;
	v47 =	vshll.u32 v28, $0x1;
	v41 =	vld.idx.msk [tilespmem:v13+s25+$0x0], $0xffff;
	[tilespmem:v2+s29+$0x0] =	vst.idx.msk $0xffff, v60  }
0x13e: {  	s3 =	simm.s32 $0x100;
	v28 =	vnsel vm0, $0x0, v62;
	v45 =	vld.idx.msk [tilespmem:v15+s25+$0x0], $0xffff;
	vm1 =	vgt.s32 v54, $0x0;
	v49 =	vadd.s32 $0x1, v22;
	[tilespmem:v3+s29+$0x0] =	vst.idx.msk $0xffff, v55  }
.LBB2_5:
0x13f: {  	_ =	sdelay $0x2  }
0x140: {  	v55 =	vld.idx.msk [tilespmem:v27+s25+$0x0], $0xffff;
	v56 =	vsub.s32 v27, v11  }
0x141: {  	v54 =	vnsel vm1, $0x0, v54;
	[tilespmem:v51+s28+$0x0] =	vst.idx.msk $0xffff, v43;
	v22 =	vadd.s32 $0x2, v22;
	v1 =	vsub.s32 v24, v11;
	v58 =	vld.idx.msk [tilespmem:v28+s26+$0x0], $0xffff  }
0x142: {  	vm0 =	vgt.s32 v26, $0x0;
	v2 =	vsub.s32 v23, v11;
	v59 =	vadd.s32 $0x1, v21;
	v62 =	vld.idx.msk [tilespmem:v24+s25+$0x0], $0xffff;
	[tilespmem:v49+s28+$0x0] =	vst.idx.msk $0xffff, v42  }
0x143: {  	v5 =	vmov v23;
	v23 =	vld.idx.msk [tilespmem:v23+s25+$0x0], $0xffff;
	[tilespmem:v52+s28+$0x0] =	vst.idx.msk $0xffff, v34;
	v34 =	vnsel vm0, $0x0, v26;
	vm0 =	vgt.s32 v53, $0x0  }
0x144: {  	v21 =	vadd.s32 $0x2, v21;
	v4 =	vld [tilespmem:$0x1FFE0];
	v26 =	vmovc v27;
	[tilespmem:v48+s29+$0x0] =	vst.idx.msk $0xffff, v38;
	v27 =	vnsel vm0, $0x0, v53;
	vm0 =	vgt.s32 v56, $0x0  }
0x145: {  	v57 =	vor.u32 $0x1, v47;
	v52 =	vld.idx.msk [tilespmem:v29+s25+$0x0], $0xffff;
	[tilespmem:v50+s29+$0x0] =	vst.idx.msk $0xffff, v40;
	v60 =	vnsel vm0, $0x0, v56;
	vm0 =	vgt.s32 v1, $0x0  }
0x146: {  	v28 =	vmov v24;
	v0 =	vnsel vm0, $0x0, v1;
	v24 =	vld.idx.msk [tilespmem:v54+s26+$0x0], $0xffff;
	[tilespmem:v22+s28+$0x0] =	vst.idx.msk $0xffff, v30;
	v22 =	vshll.u32 v12, $0x1  }
0x147: {  	vm0 =	vgt.s32 v2, $0x0;
	[tilespmem:v59+s28+$0x0] =	vst.idx.msk $0xffff, v37;
	v12 =	vld [tilespmem:$0x1FFC0]  }
0x148: {  	vm1 =	vgt.s32 v44, $0x0;
	v30 =	vnsel vm0, $0x0, v2;
	[tilespmem:v47+s29+$0x0] =	vst.idx.msk $0xffff, v36;
	v34 =	vld.idx.msk [tilespmem:v34+s26+$0x0], $0xffff  }
0x149: {  	v2 =	vnsel vm1, $0x0, v44;
	v1 =	vor.u32 $0x1, v22;
	[tilespmem:v21+s28+$0x0] =	vst.idx.msk $0xffff, v25;
	v27 =	vld.idx.msk [tilespmem:v27+s26+$0x0], $0xffff  }
0x14a: {  	vm0 =	vlt.s32 v29, v11;
	[tilespmem:v57+s29+$0x0] =	vst.idx.msk $0xffff, v35;
	v49 =	vld.idx.msk [tilespmem:v60+s26+$0x0], $0xffff  }
0x14b: {  	v38 =	vsel vm0, v52, v58;
	v21 =	vld.idx.msk [tilespmem:v0+s26+$0x0], $0xffff;
	v0 =	vmov v18;
	[tilespmem:v22+s29+$0x0] =	vst.idx.msk $0xffff, v31  }
0x14c: {  	[tilespmem:$0x1FF80] =	vst v0;
	v0 =	vld [tilespmem:$0x1FFB0]  }
0x14d: {  	v22 =	vld.idx.msk [tilespmem:v30+s26+$0x0], $0xffff  }
0x14e: {  	v3 =	vadd.s32 $0x1, v17;
	s19 =	sadd.s32 $0x80, s19;
	v31 =	vadd.s32 v61, v38;
	[tilespmem:v1+s29+$0x0] =	vst.idx.msk $0xffff, v32;
	v30 =	vld.idx.msk [tilespmem:v2+s26+$0x0], $0xffff  }
0x14f: {  	vm2 =	vlt.s32 v16, v11;
	[tilespmem:s19+$0x30] =	vst v31;
	v1 =	vld [tilespmem:$0x1FFD0]  }
0x150: {  	vm3 =	vlt.s32 v13, v11;
	v24 =	vsel vm2, v46, v24;
	v51 =	vld.idx.msk [tilespmem:v38+s4+$0x0], $0xffff  }
0x151: {  	vm4 =	vlt.s32 v28, v11;
	v56 =	vadd.s32 $0x2, v17;
	v17 =	vmul.u32 $0x3, v18;
	v52 =	vld.idx.msk [tilespmem:v38+s21+$0x0], $0xffff  }
0x152: {  	vm1 =	vlt.s32 v18, v11;
	v37 =	vmul.u32 $0x3, v16;
	vm0 =	vlt.s32 v15, v11;
	v57 =	vld.idx.msk [tilespmem:v38+s20+$0x0], $0xffff  }
0x153: {  	[tilespmem:v3+s28+$0x0] =	vst.idx.msk $0xffff, v33;
	v50 =	vadd.s32 v61, v24;
	v25 =	vsel vm0, v45, v34;
	v44 =	vld.idx.msk [tilespmem:v38+s22+$0x0], $0xffff  }
0x154: {  	v36 =	vshll.u32 v9, $0x1;
	v58 =	vmul.u32 $0x3, v29;
	[tilespmem:s19+$0xFFFFFFD0] =	vst v50;
	v31 =	vadd.s32 v61, v25;
	v38 =	vld.idx.msk [tilespmem:v38+s23+$0x0], $0xffff  }
0x155: {  	v29 =	vshll.u32 v29, $0x1;
	vm2 =	vlt.s32 v26, v11;
	v35 =	vsel vm3, v41, v27;
	[tilespmem:s19+$0xFFFFFFE0] =	vst v31;
	v54 =	vld.idx.msk [tilespmem:v24+s4+$0x0], $0xffff  }
0x156: {  	v27 =	vadd.s32 v61, v35;
	v33 =	vsel vm2, v55, v49;
	v31 =	vsel vm4, v62, v21;
	v21 =	vld.idx.msk [tilespmem:v24+s21+$0x0], $0xffff  }
0x157: {  	v18 =	vmul.u32 $0x3, v15;
	vm0 =	vlt.s32 v5, v11;
	[tilespmem:s19+$0xFFFFFFF0] =	vst v27;
	v27 =	vadd.s32 v61, v33;
	v7 =	vld.idx.msk [tilespmem:v24+s20+$0x0], $0xffff  }
0x158: {  	v2 =	vadd.s32 $0x1, v58;
	[tilespmem:s19+$0x0] =	vst v27;
	v55 =	vadd.s32 v61, v31;
	v32 =	vsel vm1, v39, v30;
	v30 =	vld.idx.msk [tilespmem:v25+s4+$0x0], $0xffff  }
0x159: {  	v3 =	vadd.s32 $0x2, v58;
	v41 =	vmul.u32 $0x3, v26;
	v27 =	vsel vm0, v23, v22;
	[tilespmem:s19+$0x10] =	vst v55;
	v39 =	vld.idx.msk [tilespmem:v25+s21+$0x0], $0xffff  }
0x15a: {  	v53 =	vld.idx.msk [tilespmem:v25+s22+$0x0], $0xffff;
	v23 =	vadd.s32 v61, v32;
	v34 =	vsub.f32 v51, v0;
	v40 =	vsub.f32 v52, v1  }
0x15b: {  	v22 =	vadd.s32 v61, v27;
	v59 =	vld.idx.msk [tilespmem:v35+s4+$0x0], $0xffff;
	v43 =	vsub.f32 v57, v12;
	[tilespmem:s19+$0xFFFFFFC0] =	vst v23;
	v23 =	vmul.u32 $0x3, v13  }
0x15c: {  	v55 =	vld.idx.msk [tilespmem:v35+s22+$0x0], $0xffff;
	[tilespmem:s19+$0x20] =	vst v22;
	v22 =	vmul.u32 $0x3, v28;
	v60 =	vmul.f32 v34, v4;
	v62 =	vmul.f32 v40, v6  }
0x15d: {  	v42 =	vld.idx.msk [tilespmem:v33+s21+$0x0], $0xffff;
	[tilespmem:v56+s28+$0x0] =	vst.idx.msk $0xffff, v19;
	v34 =	vmul.f32 v34, v6;
	v40 =	vmul.f32 v40, v4  }
0x15e: {  	v9 =	vmovc v61;
	v19 =	vld.idx.msk [tilespmem:v35+s21+$0x0], $0xffff;
	v56 =	vor.u32 $0x1, v29;
	v46 =	vsub.f32 v54, v0;
	v50 =	vsub.f32 v21, v1  }
0x15f: {  	v57 =	vld.idx.msk [tilespmem:v31+s4+$0x0], $0xffff;
	[tilespmem:v36+s29+$0x0] =	vst.idx.msk $0xffff, v20;
	v21 =	vsub.f32 v60, v62;
	v30 =	vsub.f32 v30, v0  }
0x160: {  	v20 =	vld.idx.msk [tilespmem:v33+s4+$0x0], $0xffff;
	v34 =	vadd.f32 v40, v34;
	v53 =	vmul.f32 v53, v63;
	v40 =	vmul.f32 v46, v4  }
0x161: {  	v39 =	vsub.f32 v39, v1;
	v62 =	vld.idx.msk [tilespmem:v27+s21+$0x0], $0xffff;
	v47 =	vmul.f32 v50, v6;
	v55 =	vmul.f32 v55, v63  }
0x162: {  	v14 =	vld.idx.msk [tilespmem:v32+s22+$0x0], $0xffff;
	[tilespmem:v58+s28+$0x0] =	vst.idx.msk $0xffff, v21;
	v58 =	vmul.f32 v44, v63;
	v44 =	vsub.f32 v59, v0  }
0x163: {  	v8 =	vld.idx.msk [tilespmem:v32+s20+$0x0], $0xffff;
	v48 =	vmul.f32 v30, v4;
	v42 =	vsub.f32 v42, v1;
	v51 =	vmul.f32 v39, v6  }
0x164: {  	v59 =	vld.idx.msk [tilespmem:v31+s21+$0x0], $0xffff;
	v30 =	vmul.f32 v30, v6;
	v39 =	vmul.f32 v39, v4;
	v19 =	vsub.f32 v19, v1  }
0x165: {  	v21 =	vmul.u32 $0x3, v5;
	[tilespmem:v2+s28+$0x0] =	vst.idx.msk $0xffff, v43;
	v52 =	vsub.f32 v57, v0;
	v40 =	vsub.f32 v40, v47  }
0x166: {  	v43 =	vld.idx.msk [tilespmem:v27+s4+$0x0], $0xffff;
	[tilespmem:v3+s28+$0x0] =	vst.idx.msk $0xffff, v34;
	v20 =	vsub.f32 v20, v0;
	v3 =	vmul.f32 v50, v4  }
0x167: {  	v2 =	vld.idx.msk [tilespmem:v32+s21+$0x0], $0xffff;
	v54 =	vmul.f32 v44, v4;
	v44 =	vmul.f32 v44, v6;
	v48 =	vsub.f32 v48, v51  }
0x168: {  	v60 =	vadd.f32 $-5.000000000e-01, v58;
	v39 =	vadd.f32 v39, v30;
	[tilespmem:v29+s29+$0x0] =	vst.idx.msk $0xffff, v38;
	v38 =	vmul.f32 v46, v6  }
0x169: {  	v57 =	vld.idx.msk [tilespmem:v33+s22+$0x0], $0xffff;
	v49 =	vsub.f32 v62, v1;
	v61 =	vmul.f32 v52, v4;
	v52 =	vmul.f32 v52, v6  }
0x16a: {  	v50 =	vld.idx.msk [tilespmem:v24+s22+$0x0], $0xffff;
	[tilespmem:v56+s29+$0x0] =	vst.idx.msk $0xffff, v60;
	v56 =	vmul.f32 v19, v6;
	v19 =	vmul.f32 v19, v4  }
0x16b: {  	v24 =	vld.idx.msk [tilespmem:v24+s23+$0x0], $0xffff;
	[tilespmem:v37+s28+$0x0] =	vst.idx.msk $0xffff, v40;
	v58 =	vmul.f32 v20, v4;
	v20 =	vmul.f32 v20, v6  }
0x16c: {  	v29 =	vld.idx.msk [tilespmem:v32+s4+$0x0], $0xffff;
	v45 =	vsub.f32 v59, v1;
	v59 =	vmul.f32 v42, v6;
	v42 =	vmul.f32 v42, v4  }
0x16d: {  	v62 =	vld.idx.msk [tilespmem:v27+s22+$0x0], $0xffff;
	v46 =	vadd.f32 v3, v38;
	v51 =	vmul.f32 v49, v6;
	v49 =	vmul.f32 v49, v4  }
0x16e: {  	v60 =	vld.idx.msk [tilespmem:v31+s22+$0x0], $0xffff;
	v43 =	vsub.f32 v43, v0;
	v34 =	vsub.f32 v2, v1;
	v47 =	vmul.f32 v45, v6  }
0x16f: {  	v3 =	vld.idx.msk [tilespmem:v25+s20+$0x0], $0xffff;
	v54 =	vsub.f32 v54, v56;
	v38 =	vmul.f32 v45, v4;
	v50 =	vmul.f32 v50, v63  }
0x170: {  	v56 =	vld.idx.msk [tilespmem:v33+s20+$0x0], $0xffff;
	v58 =	vsub.f32 v58, v59;
	v45 =	vmul.f32 v43, v4;
	v43 =	vmul.f32 v43, v6  }
0x171: {  	v59 =	vld.idx.msk [tilespmem:v27+s20+$0x0], $0xffff;
	v29 =	vsub.f32 v29, v0;
	v2 =	vmul.f32 v34, v6;
	v10 =	vmul.f32 v34, v4  }
0x172: {  	v0 =	vld.idx.msk [tilespmem:v35+s20+$0x0], $0xffff;
	v34 =	vadd.f32 v42, v20;
	v20 =	vmul.f32 v57, v63;
	v57 =	vmul.f32 v14, v63  }
0x173: {  	v42 =	vmul.f32 v60, v63;
	v47 =	vsub.f32 v61, v47;
	v60 =	vmul.f32 v62, v63;
	v61 =	vld.idx.msk [tilespmem:v25+s23+$0x0], $0xffff  }
0x174: {  	v30 =	vadd.f32 v38, v52;
	[tilespmem:v18+s28+$0x0] =	vst.idx.msk $0xffff, v48;
	v38 =	vld.idx.msk [tilespmem:v33+s23+$0x0], $0xffff;
	v33 =	vadd.s32 $0x1, v37  }
0x175: {  	v52 =	vadd.f32 $-5.000000000e-01, v53;
	[tilespmem:v41+s28+$0x0] =	vst.idx.msk $0xffff, v58;
	v1 =	vmul.f32 v29, v4;
	v4 =	vadd.f32 v19, v44  }
0x176: {  	v29 =	vmul.f32 v29, v6;
	v44 =	vld.idx.msk [tilespmem:v31+s20+$0x0], $0xffff;
	v45 =	vsub.f32 v45, v51;
	v25 =	vadd.f32 v49, v43  }
0x177: {  	v53 =	vadd.s32 $0x2, v37;
	v49 =	vadd.f32 $-5.000000000e-01, v55;
	v1 =	vsub.f32 v1, v2;
	v2 =	vld.idx.msk [tilespmem:v35+s23+$0x0], $0xffff;
	[tilespmem:v23+s28+$0x0] =	vst.idx.msk $0xffff, v54  }
0x178: {  	v55 =	vadd.s32 $0x1, v18;
	v19 =	vadd.f32 v10, v29;
	v29 =	vor.u32 $0x1, v36;
	v36 =	vld.idx.msk [tilespmem:v31+s23+$0x0], $0xffff;
	[tilespmem:v22+s28+$0x0] =	vst.idx.msk $0xffff, v47  }
0x179: {  	v16 =	vshll.u32 v16, $0x1;
	v40 =	vadd.f32 $-5.000000000e-01, v20;
	v31 =	vld.idx.msk [tilespmem:v27+s23+$0x0], $0xffff;
	[tilespmem:v21+s28+$0x0] =	vst.idx.msk $0xffff, v45;
	v54 =	vsub.f32 v7, v12  }
0x17a: {  	v20 =	vld.idx.msk [tilespmem:v32+s23+$0x0], $0xffff;
	v3 =	vsub.f32 v3, v12;
	v43 =	vsub.f32 v56, v12;
	[tilespmem:v17+s28+$0x0] =	vst.idx.msk $0xffff, v1  }
0x17b: {  	v27 =	vadd.f32 $-5.000000000e-01, v57;
	v7 =	vor.u32 $0x1, v16;
	v37 =	vsub.f32 v59, v12;
	[tilespmem:v33+s28+$0x0] =	vst.idx.msk $0xffff, v54  }
0x17c: {  	v56 =	vadd.s32 $0x2, v18;
	v0 =	vsub.f32 v0, v12;
	v33 =	vsub.f32 v8, v12;
	[tilespmem:v53+s28+$0x0] =	vst.idx.msk $0xffff, v46  }
0x17d: {  	v14 =	vld [tilespmem:$0x1FF90];
	v35 =	vadd.f32 $-5.000000000e-01, v42;
	v42 =	vsub.f32 v44, v12;
	v12 =	vmovc v5;
	v5 =	vmov v27;
	[tilespmem:v55+s28+$0x0] =	vst.idx.msk $0xffff, v3  }
0x17e: {  	v62 =	vlaneseq.u32;
	v10 =	vadd.f32 $-5.000000000e-01, v50;
	v8 =	vshll.u32 v15, $0x1;
	[tilespmem:$0x1FF90] =	vst v5  }
0x17f: {  	v18 =	vor.u32 s3, v62;
	v57 =	vor.u32 $0x1, v8;
	[tilespmem:v16+s29+$0x0] =	vst.idx.msk $0xffff, v24  }
0x180: {  	s0 =	sadd.s32 $0x10, s3;
	v58 =	vadd.s32 $0x2, v23;
	v48 =	vshll.u32 v26, $0x1;
	[tilespmem:v7+s29+$0x0] =	vst.idx.msk $0xffff, v10;
	v7 =	vadd.s32 $0x1, v23  }
0x181: {  	s18 =	sadd.s32 $0x20, s3;
	s1 =	sadd.s32 $0x30, s3;
	v51 =	vadd.s32 $0x1, v41;
	v32 =	vadd.f32 $-5.000000000e-01, v60;
	v16 =	vor.u32 s0, v62;
	[tilespmem:v56+s28+$0x0] =	vst.idx.msk $0xffff, v39  }
0x182: {  	v59 =	vshll.u32 v13, $0x1;
	v13 =	vor.u32 s1, v62;
	v15 =	vor.u32 s18, v62;
	[tilespmem:v29+s29+$0x0] =	vst.idx.msk $0xffff, v14  }
0x183: {  	p0 =	slt.u32 s3, $0x180;
	s24 =	sadd.s32 $0x40, s3;
	v47 =	vshll.u32 v28, $0x1;
	v44 =	vsub.s32 v18, v11;
	[tilespmem:v8+s29+$0x0] =	vst.idx.msk $0xffff, v61;
	v8 =	vor.u32 $0x1, v59  }
.Ltmp1:
0x184: {  	s2 =	sadd.s32 $0x50, s3;
	s31 =	sadd.s32 $0x70, s3;
	v50 =	vor.u32 $0x1, v48;
	v27 =	vor.u32 s24, v62;
	v26 =	vsub.s32 v15, v11;
	v39 =	vld.idx.msk [tilespmem:v18+s25+$0x0], $0xffff;
	[tilespmem:v57+s29+$0x0] =	vst.idx.msk $0xffff, v52;
	(pc) =	sbr.rel @p0 .LBB2_5-.Ltmp1, $4  }
0x185: {  	v53 =	vsub.s32 v13, v11;
	v24 =	vor.u32 s2, v62;
	v29 =	vor.u32 s31, v62;
	v61 =	vmovc v9;
	v9 =	vld [tilespmem:$0x1FF80];
	[tilespmem:v7+s28+$0x0] =	vst.idx.msk $0xffff, v0  }
0x186: {  	s30 =	sadd.s32 $0x60, s3;
	v54 =	vsub.s32 v16, v11;
	v10 =	vsub.s32 v29, v11;
	v46 =	vld.idx.msk [tilespmem:v16+s25+$0x0], $0xffff;
	[tilespmem:v58+s28+$0x0] =	vst.idx.msk $0xffff, v4  }
0x187: {  	v23 =	vor.u32 s30, v62;
	vm1 =	vgt.s32 v54, $0x0;
	vm0 =	vgt.s32 v10, $0x0;
	v45 =	vld.idx.msk [tilespmem:v15+s25+$0x0], $0xffff;
	[tilespmem:v59+s29+$0x0] =	vst.idx.msk $0xffff, v2  }
0x188: {  	s3 =	sadd.s32 $0x80, s3;
	v52 =	vadd.s32 $0x2, v41;
	v28 =	vnsel vm0, $0x0, v10;
	v41 =	vld.idx.msk [tilespmem:v13+s25+$0x0], $0xffff;
	[tilespmem:v8+s29+$0x0] =	vst.idx.msk $0xffff, v49;
	v49 =	vadd.s32 $0x1, v22  }
0x189: {  	_ =	sdelay $0x3  }
0x18a: {  	v0 =	vnsel vm1, $0x0, v54;
	v1 =	vld.idx.msk [tilespmem:v27+s25+$0x0], $0xffff;
	vm0 =	vgt.s32 v26, $0x0  }
0x18b: {  	vm13 =	vgt.s32 v53, $0x0;
	v4 =	vld.idx.msk [tilespmem:v29+s25+$0x0], $0xffff;
	v3 =	vnsel vm0, $0x0, v26  }
0x18c: {  	v2 =	vsub.s32 v27, v11;
	v10 =	vld.idx.msk [tilespmem:v28+s26+$0x0], $0xffff;
	vm5 =	vgt.s32 v44, $0x0;
	v8 =	vnsel vm13, $0x0, v53  }
0x18d: {  	v7 =	vsub.s32 v24, v11;
	v54 =	vld.idx.msk [tilespmem:v23+s25+$0x0], $0xffff;
	vm14 =	vgt.s32 v2, $0x0;
	v44 =	vnsel vm5, $0x0, v44  }
0x18e: {  	v60 =	vsub.s32 v23, v11;
	v53 =	vld.idx.msk [tilespmem:v24+s25+$0x0], $0xffff;
	vm15 =	vgt.s32 v7, $0x0;
	v2 =	vnsel vm14, $0x0, v2  }
0x18f: {  	vm4 =	vgt.s32 v60, $0x0;
	v7 =	vnsel vm15, $0x0, v7;
	v0 =	vld.idx.msk [tilespmem:v0+s26+$0x0], $0xffff  }
0x190: {  	vm6 =	vlt.s32 v29, v11;
	v14 =	vnsel vm4, $0x0, v60;
	v3 =	vld.idx.msk [tilespmem:v3+s26+$0x0], $0xffff  }
0x191: {  	[tilespmem:v51+s28+$0x0] =	vst.idx.msk $0xffff, v43;
	v4 =	vsel vm6, v4, v10;
	v8 =	vld.idx.msk [tilespmem:v8+s26+$0x0], $0xffff  }
0x192: {  	[tilespmem:v49+s28+$0x0] =	vst.idx.msk $0xffff, v42;
	v55 =	vld.idx.msk [tilespmem:v44+s26+$0x0], $0xffff  }
0x193: {  	vm7 =	vlt.s32 v16, v11;
	[tilespmem:v52+s28+$0x0] =	vst.idx.msk $0xffff, v34;
	v2 =	vld.idx.msk [tilespmem:v2+s26+$0x0], $0xffff  }
0x194: {  	vm8 =	vlt.s32 v15, v11;
	s0 =	sadd.s32 $0x80, s19;
	[tilespmem:v48+s29+$0x0] =	vst.idx.msk $0xffff, v38;
	v10 =	vadd.s32 v61, v4;
	v7 =	vld.idx.msk [tilespmem:v7+s26+$0x0], $0xffff  }
0x195: {  	vm9 =	vlt.s32 v13, v11;
	[tilespmem:s0+$0x30] =	vst v10;
	v26 =	vsel vm7, v46, v0;
	v0 =	vld.idx.msk [tilespmem:v14+s26+$0x0], $0xffff  }
0x196: {  	vm10 =	vlt.s32 v27, v11;
	vm13 =	vlt.s32 v18, v11;
	[tilespmem:v50+s29+$0x0] =	vst.idx.msk $0xffff, v40;
	v57 =	vld.idx.msk [tilespmem:v4+s4+$0x0], $0xffff  }
0x197: {  	v10 =	vld.idx.msk [tilespmem:v4+s21+$0x0], $0xffff;
	v28 =	vsel vm8, v45, v3;
	v3 =	vadd.s32 $0x2, v22;
	v56 =	vadd.s32 v61, v26  }
0x198: {  	v22 =	vsel vm9, v41, v8;
	v34 =	vsel vm13, v39, v55;
	[tilespmem:s0+$0xFFFFFFD0] =	vst v56;
	v58 =	vadd.s32 v61, v28  }
0x199: {  	v49 =	vadd.s32 v61, v22;
	v1 =	vsel vm10, v1, v2;
	v2 =	vld.idx.msk [tilespmem:v4+s20+$0x0], $0xffff;
	[tilespmem:s0+$0xFFFFFFE0] =	vst v58  }
0x19a: {  	v46 =	vadd.s32 $0x1, v21;
	v56 =	vadd.s32 v61, v34;
	[tilespmem:s0+$0xFFFFFFF0] =	vst v49;
	v59 =	vld.idx.msk [tilespmem:v26+s4+$0x0], $0xffff  }
0x19b: {  	vm11 =	vlt.s32 v24, v11;
	v48 =	vadd.s32 $0x2, v21;
	v50 =	vadd.s32 v61, v1;
	[tilespmem:s0+$0xFFFFFFC0] =	vst v56;
	v8 =	vld.idx.msk [tilespmem:v26+s21+$0x0], $0xffff  }
0x19c: {  	v7 =	vsel vm11, v53, v7;
	[tilespmem:s0+$0x0] =	vst v50;
	v41 =	vld.idx.msk [tilespmem:v28+s4+$0x0], $0xffff  }
0x19d: {  	v12 =	vshll.u32 v12, $0x1;
	v52 =	vadd.s32 v61, v7;
	[tilespmem:v3+s28+$0x0] =	vst.idx.msk $0xffff, v30;
	v3 =	vld.idx.msk [tilespmem:v28+s21+$0x0], $0xffff  }
0x19e: {  	[tilespmem:s0+$0x10] =	vst v52;
	v30 =	vld.idx.msk [tilespmem:v4+s22+$0x0], $0xffff  }
0x19f: {  	v60 =	vor.u32 $0x1, v47;
	[tilespmem:v46+s28+$0x0] =	vst.idx.msk $0xffff, v37;
	v37 =	vld.idx.msk [tilespmem:v22+s21+$0x0], $0xffff  }
0x1a0: {  	vm12 =	vlt.s32 v23, v11;
	v51 =	vor.u32 $0x1, v12;
	v4 =	vld.idx.msk [tilespmem:v4+s23+$0x0], $0xffff;
	[tilespmem:v48+s28+$0x0] =	vst.idx.msk $0xffff, v25  }
0x1a1: {  	v0 =	vsel vm12, v54, v0;
	v45 =	vld.idx.msk [tilespmem:v34+s4+$0x0], $0xffff;
	[tilespmem:v47+s29+$0x0] =	vst.idx.msk $0xffff, v36  }
0x1a2: {  	v54 =	vadd.s32 v61, v0;
	v21 =	vld.idx.msk [tilespmem:v1+s4+$0x0], $0xffff;
	[tilespmem:v12+s29+$0x0] =	vst.idx.msk $0xffff, v31  }
0x1a3: {  	v36 =	vld.idx.msk [tilespmem:v1+s21+$0x0], $0xffff;
	[tilespmem:s0+$0x20] =	vst v54  }
0x1a4: {  	v53 =	vadd.s32 $0x1, v17;
	v31 =	vld.idx.msk [tilespmem:v7+s4+$0x0], $0xffff;
	[tilespmem:v60+s29+$0x0] =	vst.idx.msk $0xffff, v35  }
0x1a5: {  	v39 =	vld.idx.msk [tilespmem:v7+s21+$0x0], $0xffff;
	[tilespmem:v51+s29+$0x0] =	vst.idx.msk $0xffff, v32  }
0x1a6: {  	v32 =	vshll.u32 v9, $0x1;
	v9 =	vld [tilespmem:$0x1FFB0]  }
0x1a7: {  	v14 =	vld [tilespmem:$0x1FFD0]  }
0x1a8: {  	v47 =	vld.idx.msk [tilespmem:v28+s22+$0x0], $0xffff  }
0x1a9: {  	v38 =	vmul.u32 $0x3, v29;
	v55 =	vadd.s32 $0x2, v17;
	v35 =	vld.idx.msk [tilespmem:v22+s4+$0x0], $0xffff;
	[tilespmem:v53+s28+$0x0] =	vst.idx.msk $0xffff, v33  }
0x1aa: {  	v11 =	vmul.u32 $0x3, v18;
	v40 =	vmul.u32 $0x3, v16;
	v50 =	vmul.u32 $0x3, v27;
	v5 =	vld [tilespmem:$0x1FFE0]  }
0x1ab: {  	v25 =	vmul.u32 $0x3, v15;
	v48 =	vadd.s32 $0x1, v38;
	v56 =	vld.idx.msk [tilespmem:v1+s20+$0x0], $0xffff;
	v57 =	vsub.f32 v57, v9  }
0x1ac: {  	v54 =	vadd.s32 $0x2, v38;
	v60 =	vld.idx.msk [tilespmem:v34+s21+$0x0], $0xffff;
	v10 =	vsub.f32 v10, v14;
	v43 =	vsub.f32 v59, v9  }
0x1ad: {  	v33 =	vmul.u32 $0x3, v13;
	v42 =	vld.idx.msk [tilespmem:v0+s4+$0x0], $0xffff;
	v8 =	vsub.f32 v8, v14;
	v3 =	vsub.f32 v3, v14  }
0x1ae: {  	v44 =	vld.idx.msk [tilespmem:v0+s21+$0x0], $0xffff;
	[tilespmem:v55+s28+$0x0] =	vst.idx.msk $0xffff, v19;
	v35 =	vsub.f32 v35, v9;
	v37 =	vsub.f32 v37, v14  }
0x1af: {  	v51 =	vld.idx.msk [tilespmem:v22+s22+$0x0], $0xffff;
	v19 =	vsub.f32 v21, v9;
	v58 =	vmul.f32 v57, v5;
	v59 =	vmul.f32 v10, v6  }
0x1b0: {  	v53 =	vld.idx.msk [tilespmem:v22+s20+$0x0], $0xffff;
	[tilespmem:v32+s29+$0x0] =	vst.idx.msk $0xffff, v20;
	v21 =	vsub.f32 v36, v14;
	v31 =	vsub.f32 v31, v9  }
0x1b1: {  	v55 =	vshll.u32 v29, $0x1;
	v39 =	vsub.f32 v39, v14;
	v46 =	vsub.f32 v58, v59;
	v59 =	vld [tilespmem:$0x1FFC0]  }
0x1b2: {  	v22 =	vld.idx.msk [tilespmem:v22+s23+$0x0], $0xffff;
	v45 =	vsub.f32 v45, v9;
	v17 =	vmul.f32 v57, v6;
	v10 =	vmul.f32 v10, v5  }
0x1b3: {  	v29 =	vld.idx.msk [tilespmem:v26+s22+$0x0], $0xffff;
	v42 =	vsub.f32 v42, v9;
	v44 =	vsub.f32 v44, v14;
	v36 =	vmul.f32 v3, v6  }
0x1b4: {  	v12 =	vld.idx.msk [tilespmem:v0+s22+$0x0], $0xffff;
	v52 =	vmul.f32 v35, v5;
	v10 =	vadd.f32 v10, v17;
	v58 =	vmul.f32 v30, v63  }
0x1b5: {  	v57 =	vor.u32 $0x1, v55;
	v30 =	vld.idx.msk [tilespmem:v1+s22+$0x0], $0xffff;
	[tilespmem:v38+s28+$0x0] =	vst.idx.msk $0xffff, v46;
	v38 =	vsub.f32 v41, v9;
	v41 =	vmul.u32 $0x3, v24  }
0x1b6: {  	v1 =	vld.idx.msk [tilespmem:v1+s23+$0x0], $0xffff;
	v9 =	vsub.f32 v60, v14;
	v60 =	vmul.f32 v31, v5;
	v2 =	vsub.f32 v2, v59  }
0x1b7: {  	v17 =	vadd.f32 $-5.000000000e-01, v58;
	v58 =	vld.idx.msk [tilespmem:v7+s20+$0x0], $0xffff;
	v14 =	vmul.f32 v39, v6;
	v20 =	vmul.f32 v38, v5  }
0x1b8: {  	v49 =	vmul.f32 v42, v5;
	v46 =	vmul.f32 v43, v5;
	[tilespmem:v48+s28+$0x0] =	vst.idx.msk $0xffff, v2;
	v2 =	vld.idx.msk [tilespmem:v7+s22+$0x0], $0xffff  }
0x1b9: {  	v20 =	vsub.f32 v20, v36;
	v36 =	vsub.f32 v60, v14;
	v48 =	vld.idx.msk [tilespmem:v28+s20+$0x0], $0xffff;
	[tilespmem:v54+s28+$0x0] =	vst.idx.msk $0xffff, v10  }
0x1ba: {  	v7 =	vld.idx.msk [tilespmem:v7+s23+$0x0], $0xffff;
	v54 =	vmul.f32 v37, v6;
	[tilespmem:v55+s29+$0x0] =	vst.idx.msk $0xffff, v4;
	v4 =	vmul.f32 v8, v6  }
0x1bb: {  	v10 =	vld.idx.msk [tilespmem:v34+s22+$0x0], $0xffff;
	v55 =	vmul.f32 v19, v5;
	[tilespmem:v57+s29+$0x0] =	vst.idx.msk $0xffff, v17;
	v57 =	vmul.f32 v21, v6  }
0x1bc: {  	v60 =	vmul.f32 v45, v5;
	[tilespmem:v41+s28+$0x0] =	vst.idx.msk $0xffff, v36;
	v17 =	vld.idx.msk [tilespmem:v26+s20+$0x0], $0xffff;
	v4 =	vsub.f32 v46, v4  }
0x1bd: {  	v52 =	vsub.f32 v52, v54;
	v26 =	vld.idx.msk [tilespmem:v26+s23+$0x0], $0xffff;
	v55 =	vsub.f32 v55, v57;
	v57 =	vmul.u32 $0x3, v23  }
0x1be: {  	v14 =	vmul.f32 v9, v6;
	[tilespmem:v40+s28+$0x0] =	vst.idx.msk $0xffff, v4;
	v4 =	vld.idx.msk [tilespmem:v28+s23+$0x0], $0xffff;
	v28 =	vmul.f32 v44, v6  }
0x1bf: {  	v54 =	vld.idx.msk [tilespmem:v34+s20+$0x0], $0xffff;
	[tilespmem:v33+s28+$0x0] =	vst.idx.msk $0xffff, v52  }
0x1c0: {  	[tilespmem:v25+s28+$0x0] =	vst.idx.msk $0xffff, v20;
	v20 =	vsub.f32 v60, v14;
	v28 =	vsub.f32 v49, v28;
	v49 =	vadd.s32 $0x1, v40  }
0x1c1: {  	v16 =	vshll.u32 v16, $0x1;
	v34 =	vld.idx.msk [tilespmem:v34+s23+$0x0], $0xffff;
	[tilespmem:v50+s28+$0x0] =	vst.idx.msk $0xffff, v55;
	v40 =	vadd.s32 $0x2, v40  }
0x1c2: {  	v43 =	vmul.f32 v43, v6;
	v8 =	vmul.f32 v8, v5;
	v46 =	vld.idx.msk [tilespmem:v0+s20+$0x0], $0xffff;
	[tilespmem:v11+s28+$0x0] =	vst.idx.msk $0xffff, v20  }
0x1c3: {  	v0 =	vld.idx.msk [tilespmem:v0+s23+$0x0], $0xffff;
	v17 =	vsub.f32 v17, v59;
	v20 =	vor.u32 $0x1, v16;
	[tilespmem:v57+s28+$0x0] =	vst.idx.msk $0xffff, v28  }
0x1c4: {  	v32 =	vor.u32 $0x1, v32;
	v8 =	vadd.f32 v8, v43;
	v60 =	vmul.f32 v29, v63;
	v36 =	vld [tilespmem:$0x1FF90]  }
0x1c5: {  	v29 =	vadd.s32 $0x1, v25;
	[tilespmem:v49+s28+$0x0] =	vst.idx.msk $0xffff, v17  }
0x1c6: {  	v52 =	vadd.s32 $0x2, v25;
	v28 =	vadd.f32 $-5.000000000e-01, v60;
	[tilespmem:v40+s28+$0x0] =	vst.idx.msk $0xffff, v8  }
0x1c7: {  	v3 =	vmul.f32 v3, v5;
	v43 =	vmul.f32 v38, v6;
	v38 =	vadd.s32 $0x1, v33;
	[tilespmem:v16+s29+$0x0] =	vst.idx.msk $0xffff, v26  }
0x1c8: {  	v25 =	vmul.f32 v35, v6;
	v55 =	vshll.u32 v15, $0x1;
	v60 =	vsub.f32 v48, v59;
	[tilespmem:v20+s29+$0x0] =	vst.idx.msk $0xffff, v28  }
0x1c9: {  	v3 =	vadd.f32 v3, v43;
	v43 =	vmul.f32 v37, v5;
	v15 =	vor.u32 $0x1, v55;
	[tilespmem:v32+s29+$0x0] =	vst.idx.msk $0xffff, v36  }
0x1ca: {  	v49 =	vsub.f32 v53, v59;
	v36 =	vmul.f32 v47, v63;
	v47 =	vadd.s32 $0x2, v33;
	v32 =	vld [tilespmem:$0x1FFA0];
	[tilespmem:v29+s28+$0x0] =	vst.idx.msk $0xffff, v60  }
0x1cb: {  	vm14 =	vcmask $0x1F24;
	vm15 =	vcmask $0x2328;
	[tilespmem:v52+s28+$0x0] =	vst.idx.msk $0xffff, v3;
	v3 =	vshll.u32 v13, $0x1  }
0x1cc: {  	v53 =	vadd.f32 v43, v25;
	[tilespmem:v38+s28+$0x0] =	vst.idx.msk $0xffff, v49;
	v16 =	vadd.f32 $-5.000000000e-01, v36;
	v36 =	vadd.s32 $0x1, v41  }
0x1cd: {  	v25 =	vmul.f32 v19, v6;
	v26 =	vadd.s32 $0x2, v50;
	[tilespmem:v55+s29+$0x0] =	vst.idx.msk $0xffff, v4;
	v52 =	vor.u32 $0x1, v3  }
0x1ce: {  	v28 =	vmul.f32 v21, v5;
	v60 =	vadd.s32 $0x1, v50;
	v55 =	vmul.f32 v51, v63;
	[tilespmem:v15+s29+$0x0] =	vst.idx.msk $0xffff, v16  }
0x1cf: {  	v29 =	vshll.u32 v27, $0x1;
	[tilespmem:v47+s28+$0x0] =	vst.idx.msk $0xffff, v53;
	v47 =	vsub.f32 v58, v59;
	v40 =	vsel vm14, $0x0, v32  }
0x1d0: {  	v13 =	vadd.f32 $-5.000000000e-01, v55;
	v48 =	vsel vm15, $0x0, v32;
	(xrf2) =	vadd.scan.msk.f32 $0xffff, v40;
	[tilespmem:v3+s29+$0x0] =	vst.idx.msk $0xffff, v22  }
0x1d1: {  	v32 =	vsub.f32 v56, v59;
	v3 =	vor.u32 $0x1, v29;
	[tilespmem:v36+s28+$0x0] =	vst.idx.msk $0xffff, v47;
	(xrf2) =	vadd.scan.msk.f32 $0xffff, v48  }
0x1d2: {  	v35 =	vmul.f32 v30, v63;
	v33 =	vadd.f32 v28, v25;
	v38 =	vadd.s32 $0x2, v41;
	[tilespmem:v52+s29+$0x0] =	vst.idx.msk $0xffff, v13  }
0x1d3: {  	v37 =	vmul.f32 v31, v6;
	v56 =	vadd.s32 $0x1, v11;
	v40 =	vmul.f32 v39, v5;
	[tilespmem:v60+s28+$0x0] =	vst.idx.msk $0xffff, v32  }
0x1d4: {  	v41 =	vshll.u32 v24, $0x1;
	v16 =	vadd.f32 $-5.000000000e-01, v35;
	[tilespmem:v26+s28+$0x0] =	vst.idx.msk $0xffff, v33  }
0x1d5: {  	v2 =	vmul.f32 v2, v63;
	v13 =	vadd.f32 v40, v37;
	[tilespmem:v29+s29+$0x0] =	vst.idx.msk $0xffff, v1;
	v1 =	vor.u32 $0x1, v41  }
0x1d6: {  	v53 =	vsub.f32 v46, v59;
	v59 =	vsub.f32 v54, v59;
	[tilespmem:v3+s29+$0x0] =	vst.idx.msk $0xffff, v16;
	v3 =	vadd.s32 $0x1, v57  }
0x1d7: {  	v2 =	vadd.f32 $-5.000000000e-01, v2;
	v50 =	vadd.s32 $0x2, v57;
	[tilespmem:v38+s28+$0x0] =	vst.idx.msk $0xffff, v13  }
0x1d8: {  	v49 =	vmul.f32 v44, v5;
	v48 =	vmul.f32 v42, v6;
	v52 =	vshll.u32 v23, $0x1;
	[tilespmem:v56+s28+$0x0] =	vst.idx.msk $0xffff, v59  }
0x1d9: {  	v55 =	vor.u32 $0x1, v52;
	[tilespmem:v41+s29+$0x0] =	vst.idx.msk $0xffff, v7  }
0x1da: {  	v12 =	vmul.f32 v12, v63;
	v14 =	vadd.f32 v49, v48;
	[tilespmem:v1+s29+$0x0] =	vst.idx.msk $0xffff, v2;
	v43, _, _ =	vpop (xrf2)  }
0x1db: {  	[tilespmem:v3+s28+$0x0] =	vst.idx.msk $0xffff, v53;
	(v2sf) =	vpush v43, $0xF;
	v51, _, _ =	vpop (xrf2)  }
0x1dc: {  	v57 =	vadd.f32 $-5.000000000e-01, v12;
	v2 =	vadd.s32 $0x2, v11;
	[tilespmem:v50+s28+$0x0] =	vst.idx.msk $0xffff, v14;
	(v2sf) =	vpush v51, $0xF  }
0x1dd: {  	v58 =	vshll.u32 v18, $0x1;
	v1 =	vmul.f32 v45, v6;
	v3 =	vmul.f32 v9, v5;
	[tilespmem:v52+s29+$0x0] =	vst.idx.msk $0xffff, v0  }
0x1de: {  	v0 =	vor.u32 $0x1, v58;
	[tilespmem:v55+s29+$0x0] =	vst.idx.msk $0xffff, v57  }
0x1df: {  	v60 =	vmul.f32 v10, v63;
	v1 =	vadd.f32 v3, v1;
	s0 =	rddreg [dreg:$0xd]  }
0x1e0: {  	s11 =	rddreg [dreg:$0x14]  }
0x1e1: {  	v3 =	vadd.f32 $-5.000000000e-01, v60;
	[tilespmem:v2+s28+$0x0] =	vst.idx.msk $0xffff, v1;
	s0 =	sadd.s32 s0, s11  }
0x1e2: {  	[tilespmem:v58+s29+$0x0] =	vst.idx.msk $0xffff, v34;
	s1 =	smul.u32 $0xC0, s0  }
0x1e3: {  	s2 =	rddreg [dreg:$0x3];
	[tilespmem:v0+s29+$0x0] =	vst.idx.msk $0xffff, v3  }
0x1e4: {  	s30 =	sshll.u32 s0, $0x7;
	s1 =	sadd.s32 s2, s1;
	s3 =	rddreg [dreg:$0x6]  }
0x1e5: {  	[hbm4b:s1+s4] =	stream.linear.scatter [tilespmem:s28], [sflag:$0x3], $0x600, $0x38;
	[tilespmem:$0x1D200] =	vst v63  }
0x1e6: {  	s5 =	rddreg [dreg:$0x2];
	s1 =	sadd.s32 s3, s30  }
0x1e7: {  	[hbm4b:s1+s4] =	stream.linear.scatter [tilespmem:s29], [sflag:$0x3], $0x400, $0x38;
	[tilespmem:$0x1D200] =	vst v63  }
0x1e8: {  	s6 =	simm.s32 $0x80;
	s10 =	simm.s32 $0x14500;
	s7 =	simm.s32 $0x15100  }
0x1e9: {  	[tilespmem:s7], [sflag:$0x1] =	stream.indirect.gather [hbm4b:s5+s6], $0x80, s10, s6, $0xb8;
	[tilespmem:$0x1D200] =	vst v63  }
0x1ea: {  	s2 =	spop (v2sf)  }
0x1eb: {  	s8 =	simm.s32 $0x1;
	s31 =	spop (v2sf)  }
0x1ec: {  	_ =	swait.ge [sflag:s8], $0x4000  }
0x1ed: {  	s0 =	sshll.u32 s0, $0xD;
	[sflag:s8] =	ssyncset.done $0x0;
	s12 =	rddreg [dreg:$0x5]  }
0x1ee: {  	[sflag:s8] =	ssyncadd.s32 $0xFFFFC000;
	s3 =	sadd.s32 s12, s0  }
0x1ef: {  	[hbm4b:s3+s4] =	stream.linear.scatter [tilespmem:s7], [sflag:$0x2], $0x4000, $0x38;
	[tilespmem:$0x1D200] =	vst v63  }
0x1f0: {  	s13 =	simm.s32 $0x14580;
	s9 =	simm.s32 $0x19100  }
0x1f1: {  	[tilespmem:s9], [sflag:$0x1] =	stream.indirect.gather [hbm4b:s5+s6], $0x80, s13, s6, $0xb8;
	[tilespmem:$0x1D200] =	vst v63  }
0x1f2: {  	_ =	swait.ge [sflag:s8], $0x4000  }
0x1f3: {  	[sflag:s8] =	ssyncset.done $0x0;
	s14 =	rddreg [dreg:$0xe]  }
0x1f4: {  	s10 =	simm.s32 $0x2;
	[sflag:s8] =	ssyncadd.s32 $0xFFFFC000;
	s3 =	sadd.s32 s0, s14  }
0x1f5: {  	[hbm4b:s3+s4] =	stream.linear.scatter [tilespmem:s9], [sflag:$0x2], $0x4000, $0x38;
	[tilespmem:$0x1D200] =	vst v63  }
0x1f6: {  	_ =	swait.ge [sflag:s10], $0x4000  }
0x1f7: {  	[sflag:s10] =	ssyncset.done $0x0  }
0x1f8: {  	s15 =	simm.s32 $0x14600;
	[sflag:s10] =	ssyncadd.s32 $0xFFFFC000  }
0x1f9: {  	[tilespmem:s7], [sflag:$0x1] =	stream.indirect.gather [hbm4b:s5+s6], $0x80, s15, s6, $0xb8;
	[tilespmem:$0x1D200] =	vst v63  }
0x1fa: {  	_ =	swait.ge [sflag:s8], $0x4000  }
0x1fb: {  	[sflag:s8] =	ssyncset.done $0x0;
	s16 =	rddreg [dreg:$0xf]  }
0x1fc: {  	[sflag:s8] =	ssyncadd.s32 $0xFFFFC000;
	s3 =	sadd.s32 s0, s16  }
0x1fd: {  	[hbm4b:s3+s4] =	stream.linear.scatter [tilespmem:s7], [sflag:$0x2], $0x4000, $0x38;
	[tilespmem:$0x1D200] =	vst v63  }
0x1fe: {  	_ =	swait.ge [sflag:s10], $0x4000  }
0x1ff: {  	[sflag:s10] =	ssyncset.done $0x0  }
0x200: {  	s18 =	simm.s32 $0x14680;
	[sflag:s10] =	ssyncadd.s32 $0xFFFFC000  }
0x201: {  	[tilespmem:s9], [sflag:$0x1] =	stream.indirect.gather [hbm4b:s5+s6], $0x80, s18, s6, $0xb8;
	[tilespmem:$0x1D200] =	vst v63  }
0x202: {  	_ =	swait.ge [sflag:s8], $0x4000  }
0x203: {  	[sflag:s8] =	ssyncset.done $0x0;
	s19 =	rddreg [dreg:$0x10]  }
0x204: {  	[sflag:s8] =	ssyncadd.s32 $0xFFFFC000;
	s0 =	sadd.s32 s0, s19  }
0x205: {  	[hbm4b:s0+s4] =	stream.linear.scatter [tilespmem:s9], [sflag:$0x2], $0x4000, $0x38;
	[tilespmem:$0x1D200] =	vst v63  }
0x206: {  	_ =	swait.ge [sflag:s10], $0x4000  }
0x207: {  	[sflag:s10] =	ssyncset.done $0x0  }
0x208: {  	[sflag:s10] =	ssyncadd.s32 $0xFFFFC000  }
0x209: {  	_ =	swait.ge [sflag:s10], $0x4000  }
0x20a: {  	s24 =	simm.s32 $0x3;
	[sflag:s10] =	ssyncset.done $0x0  }
0x20b: {  	p0 =	sgt.s32 s17, $0x0;
	s1 =	scvt.f32.s32 s31;
	[sflag:s10] =	ssyncadd.s32 $0xFFFFC000  }
0x20c: {  	s30 =	sor.u32 $0x8, s11;
	s0 =	scvt.f32.s32 s2;
	_ =	swait.ge [sflag:s24], $0x600  }
0x20d: {  	v0 =	vmov s11;
	s11 =	sadd.s32 $0x1, s11;
	s1 =	simm.s32 @!p0 $0x0;
	[sflag:s24] =	ssyncset.done $0x0  }
0x20e: {  	v1 =	vmov s30;
	s0 =	simm.s32 @!p0 $0xFFFFFFFF;
	p0 =	sne.s32 s11, $0x8;
	[sflag:s24] =	ssyncadd.s32 $0xFFFFFA00  }
.Ltmp2:
0x20f: {  	_ =	swait.ge [sflag:s24], $0x400;
	(pc) =	sbr.rel @p0 .LBB2_2-.Ltmp2, $4  }
0x210: {  	[sflag:s24] =	ssyncset.done $0x0  }
0x211: {  	s31 =	simm.s32 $0x1D180;
	v2 =	vmov s0;
	[sflag:s24] =	ssyncadd.s32 $0xFFFFFC00  }
0x212: {  	v3 =	vmov s1;
	[tilespmem:v0+s31+$0x0] =	vst.idx.msk $0x1, v2  }
0x213: {  	s1 =	simm.s32 $0x1D180;
	v0 =	vimm.s32 $0x0;
	[tilespmem:v1+s31+$0x0] =	vst.idx.msk $0x1, v3  }
0x214: {  	s0 =	rddreg [dreg:$0x11]  }
0x215: {  	[hbm4b:s0+s4] =	stream.linear.scatter [tilespmem:s1], [sflag:$0x4], $0x80, $0x38;
	[tilespmem:$0x1D200] =	vst v63  }
0x216: {  	s1 =	simm.s32 $0x4  }
0x217: {  	_ =	swait.ge [sflag:s1], $0x80  }
0x218: {  	s2 =	rddreg [dreg:$0x13]  }
0x219: {  	s31 =	rddreg [dreg:$0x12];
	s2 =	sadd.s32 $0x1, s2  }
0x21a: {  	p0 =	sne.s32 s2, s31  }
.Ltmp3:
0x21b: {  	_ = 	snop;
	(pc) =	sbr.rel @p0 .LBB2_1-.Ltmp3, $3  }
0x21c: {  	_ =	sdelay $0x1  }
0x21d: {  	[sflag:s1] =	ssyncset.done $0x0  }
0x21e: {  	[sflag:s1] =	ssyncadd.s32 $0xFFFFFF80  }
0x21f: {  	_ =	sfence.sel $0x180000  }
0x220: {  	[bflag:$0x0] =	sbarrier.arrive $0xFFFF  }
0x221: {  	_ =	strace $0x90000047  }
0x222: {  	s0 =	stileid.u32;
	[bflag:$0x2] =	sbarrier.arrive $0xFFFF  }
0x223: {  	p0 =	sne.s32 s0, $0x0;
	s0 =	rddreg [dreg:$0x4]  }
0x224: {  	s0 =	sadd.s32 @!p0 $0x100000, s0  }
0x225: {  	[sflag:s0] =	ssyncadd.tile.s32 @!p0 $0x1;
	_ =	shalt  }
.Lfunc_end2:
_tile_overlayer_lowered:
.L_overlay_start_2:
0x226: {  	(tag) =	ssettag $0x2  }
0x227: {  	s0 =	rddreg [dreg:$0x0];
	s2 =	stileid.u32  }
0x228: {  	s1 =	rddreg [dreg:$0x1];
	p0 =	sne.s32 s2, $0x0  }
0x229: {  	s3 =	rddreg [dreg:$0x2];
	[bflag:$0x3] =	sbarrier.arrive $0xFFFF;
	s2 =	simm.s32 @!p0 $0x1C04  }
0x22a: {  	[timem:s3], [sflag:s2] =	dma.local @!p0 [hbm:s0], s1  }
0x22b: {  	s0 =	simm.s32 @!p0 $0x4  }
0x22c: {  	_ =	swait.ge @!p0 [sflag:s0], s1  }
0x22d: {  	s1 =	ssub.s32 @!p0 $0x0, s1;
	[sflag:s0] =	ssyncset.done @!p0 $0x0  }
0x22e: {  	[sflag:s0] =	ssyncadd.s32 @!p0 s1  }
0x22f: {  	[bflag:$0x3] =	sbarrier.arrive $0xFFFF  }
0x230: {  	_ =	shalt  }

// kernel: sparse-core-data-format-call.cloned.1.call-start
scs
called_computation_lowered:
.L_overlay_start_0:
0x0: {  	s1 =	sld [smem:$0x3FD9]  }
0x1: {  	s2 =	sld [smem:$0x3FFE];
	_ =	sdelay $0x1  }
0x2: {  	s3 =	srdreg.scid  }
0x3: {  	s0 =	sand.u32 $0x1, s3  }
0x4: {  	s17 =	sshll.u32 s0, $0xA;
	s1 =	sadd.s32 s2, s1  }
0x5: {  	s1 =	sadd.s32 s1, s17  }
0x6: {  	[smem:$0x3FC2] =	sst s1  }
0x7: {  	_ = 	snop  }
0x8: {  	(tm) =	ssettm $0x1  }
0x9: {  	s18 =	sld [smem:$0x3FFB];
	_ =	sdelay $0x3  }
0xa: {  	_ =	strace s18  }
0xb: {  	s1 =	sld [smem:$0x3FFC];
	_ =	sdelay $0x3  }
0xc: {  	_ =	strace s1  }
0xd: {  	s1 =	sld [smem:$0x3FFD];
	_ =	sdelay $0x3  }
0xe: {  	_ =	strace s1  }
0xf: {  	_ =	strace $0x8FFFFFFF  }
0x10: {  	s19 =	sld [smem:$0x3FDB];
	_ =	sdelay $0x1  }
0x11: {  	s20 =	simm.s32 $_scs_section_size  }
0x12: {  	s4 =	simm.s32 $_size__tile_overlayer_lowered;
	s5 =	simm.s32 $_tile_overlayer_lowered  }
0x13: {  	s23 =	simm.s32 $0x1BFF;
	s22 =	sshll.u32 s5, $0x1;
	s1 =	sadd.s32 s20, s19  }
0x14: {  	s6 =	simm.s32 $0x0;
	s21 =	sshll.u32 s4, $0x1;
	s4 =	sadd.s32 s22, s1  }
0x15: {  	[timem:s6], [sflag:s23] =	dma.local [hbm:s4], s21  }
0x16: {  	_ =	swait.ge [sflag:s23], s21  }
0x17: {  	s2 =	ssub.s32 $0x0, s21;
	[sflag:s23] =	ssyncset.done $0x0  }
0x18: {  	[sflag:s23] =	ssyncadd.s32 s2;
	_ =	sdelay $0x1  }
0x19: {  	s24 =	simm.s32 $0x1B8B  }
0x1a: {  	_ =	swait.ge [sflag:s24], $0x1  }
0x1b: {  	[sflag:s24] =	ssyncset.done $0x0  }
0x1c: {  	s26 =	simm.s32 $0x1B8E;
	s25 =	sld [smem:$0x3FFE];
	[sflag:s24] =	ssyncadd.s32 $0xFFFFFFFF  }
0x1d: {  	s27 =	simm.s32 $execute0_lowered;
	[smem:$0x3FD2] =	sst s26  }
0x1e: {  	s4 =	sshll.u32 s27, $0x1;
	_ =	strace $0x80000049;
	[dreg:$0x1] =	wrdreg $0xFFFFFFFF  }
0x1f: {  	s28 =	simm.s32 $_size_execute0_lowered;
	s1 =	sadd.s32 s1, s4;
	[dreg:$0x0] =	wrdreg $0x0  }
0x20: {  	s4 =	sshll.u32 s28, $0x1;
	[dreg:$0x2] =	wrdreg s1  }
0x21: {  	[dreg:$0x3] =	wrdreg s4  }
0x22: {  	[dreg:$0x4] =	wrdreg $0xC0  }
0x23: {  	_ =	task [dreg:s6], $0x5FFFF  }
0x24: {  	[dreg:$0x1] =	wrdreg $0xFFFFFFFF  }
0x25: {  	[dreg:$0x0] =	wrdreg $0x60  }
0x26: {  	[dreg:$0x2] =	wrdreg s25  }
0x27: {  	[dreg:$0x3] =	wrdreg $0x9  }
0x28: {  	_ =	task.clear_ibuf [dreg:s6], $0x4FFFF;
	_ =	strace $0x90000049  }
0x29: {  	s29 =	simm.s32 $0x9;
	_ =	strace $0x8000004B  }
0x2a: {  	_ =	swait.ge [sflag:s29], $0x1  }
0x2b: {  	[sflag:s29] =	ssyncadd.s32 $0xFFFFFFFF  }
0x2c: {  	_ =	strace $0x9000004B  }
0x2d: {  	_ =	sfence  }
0x2e: {  	s30 =	sld [smem:$0x0];
	_ =	sdelay $0x2  }
0x2f: {  	s31 =	sshll.u32 s3, $0xD;
	s3 =	sshrl.u32 s3, $0x2  }
0x30: {  	s2 =	sand.u32 $0x4000, s31;
	s1 =	sadd.s32 s3, s30  }
0x31: {  	s0 =	sor.u32 s2, s0;
	s1 =	sshll.u32 s1, $0x11  }
0x32: {  	s0 =	sor.u32 s1, s0  }
0x33: {  	s0 =	sadd.s32 $0x8F2B, s0  }
0x34: {  	[sflag:s0] =	ssyncadd.remote.s32 $0x1  }
0x35: {  	_ =	sfence.sel $0xFFFF  }
0x36: {  	[dreg:$0x0] =	wrdreg $0xFFFFFFFF;
	(pc) =	sbr.abs _section_cstart, $3  }
0x37: {  	[dreg:$0x1] =	wrdreg $0xFFFFFFFF  }
0x38: {  	_ =	task.clear_ibuf [dreg:s6], $0x2FFFF;
	_ =	strace $0x9FFFFFFF  }
0x39: {  	(tm) =	ssettm $0x7FFFFFFF  }
tec
execute0_lowered:
.L_overlay_start_1:
0x0: {  	(tag) =	ssettag $0x1  }
0x1: {  	s4 =	rddreg [dreg:$0x0]  }
0x2: {  	s0 =	rddreg [dreg:$0x1];
	_ =	strace $0x8000004A;
	s3 =	srdreg.scid  }
0x3: {  	s1 =	stileid.u32;
	s6 =	simm.s32 $0x2;
	s10 =	simm.s32 $0x0  }
.Ltmp0:
0x4: {  	p0 =	por $0x0, $0x0;
	s11 =	simm.s32 $0x0;
	(pc) =	sbr.rel .LBB1_1-.Ltmp0, $4  }
0x5: {  	s8 =	simm.s32 $0x0;
	s7 =	simm.s32 $0x0;
	s5 =	sshll.u32 s3, $0x4  }
0x6: {  	s2 =	sadd.s32 $0xE400, s4;
	s3 =	simm.s32 $0x1;
	s5 =	sand.u32 $0x10, s5  }
0x7: {  	s4 =	sadd.s32 $0x20E400, s4;
	[sflag:s3] =	ssyncpa.u1 $0x0;
	s5 =	sor.u32 s1, s5  }
0x8: {  	[sflag:s6] =	ssyncpa.u1 $0x0;
	s6 =	simm.s32 $0x20000;
	s9 =	smov.u32 s5  }
.LBB1_5:
0x9: {  	s12 =	sadd.s32 $0x80, s8  }
0xa: {  	s10 =	sadd.s32 $0x20, s9;
	s14 =	smov.u32 s9;
	p2 =	sgt.s32 s12, $0x1FF  }
0xb: {  	p1 =	slt.u32 s7, $0x2;
	s14 =	smov.u32 @p2 s10  }
0xc: {  	s7 =	sadd.s32 $0x1, s7;
	s12 =	simm.s32 @p2 $0x0;
	p2 =	sgt.s32 s14, $0xFF  }
0xd: {  	s14 =	smov.u32 @p2 s5;
	p2 =	sne.s32 s7, $0x22  }
.Ltmp1:
0xe: {  	_ = 	snop;
	(pc) =	sbr.rel @!p2 .LBB1_6-.Ltmp1, $4  }
0xf: {  	s13 =	simm.s32 @!p1 $0x2  }
0x10: {  	s11 =	smov.u32 s9;
	_ =	swait.ge @!p1 [sflag:s13], $0x4000  }
0x11: {  	p0 =	por !p0, !p0;
	s10 =	smov.u32 s8;
	[sflag:s13] =	ssyncset.done @!p1 $0x0  }
0x12: {  	s8 =	smov.u32 s12;
	[sflag:s13] =	ssyncadd.s32 @!p1 $0xFFFFC000;
	s9 =	smov.u32 s14  }
.LBB1_1:
0x13: {  	p1 =	sgt.u32 s7, $0x1F  }
0x14: {  	s12 =	sxor.u32 @!p1 $0xFFFFFFFF, s7;
	s13 =	sshll.u32 @!p1 s9, $0xD;
	s14 =	sshll.u32 @!p1 s8, $0x4  }
0x15: {  	s12 =	sshll.u32 @!p1 s12, $0xE;
	s14 =	sand.u32 @!p1 $0x1FF0, s14;
	s13 =	sadd.s32 @!p1 s2, s13  }
0x16: {  	s12 =	sand.u32 @!p1 $0x4000, s12;
	s13 =	sadd.s32 @!p1 s14, s13;
	s14 =	simm.s32 @!p1 $0x0  }
0x17: {  	[tilespmem:s12], [sflag:$0x1] =	stream.linear.gather @!p1 [hbm4b:s13+s14], $0x4000, $0x38;
	[tilespmem:$0x10100] =	vst v63  }
0x18: {  	p1 =	seq.s32 s7, $0x0  }
0x19: {  	p2 =	seq.s32 @!p1 s7, $0x21  }
0x1a: {  	p1 =	por p1, p2  }
.Ltmp2:
0x1b: {  	_ = 	snop;
	(pc) =	sbr.rel @p1 .LBB1_5-.Ltmp2, $1  }
0x1c: {  	_ =	sdelay $0x3  }
0x1d: {  	s12 =	simm.s32 $0x1  }
0x1e: {  	_ =	swait.ge [sflag:s3], $0x4000;
	s12 =	simm.s32 @!p0 $0x0  }
0x1f: {  	[sflag:s3] =	ssyncset.done $0x0;
	s13 =	sshll.u32 s12, $0xE  }
0x20: {  	[sflag:s3] =	ssyncadd.s32 $0xFFFFC000;
	s15 =	sor.u32 $0x40, s13  }
0x21: {  	s12 =	smul.u32 $0x10200, s12;
	v0 =	vld [tilespmem:s15+$0x30]  }
0x22: {  	v3 =	vld [tilespmem:s15+$0xFFFFFFD0]  }
0x23: {  	s12 =	sshrl.u32 s12, $0x2;
	v4 =	vld [tilespmem:s15+$0xFFFFFFE0]  }
0x24: {  	v5 =	vld [tilespmem:s15+$0xFFFFFFF0];
	s13 =	sor.u32 $0x8000, s12  }
0x25: {  	s31 =	sand.u32 $0x1, s7;
	v1 =	vld [tilespmem:s15+$0x0];
	s14 =	sadd.s32 $0x0, s13  }
0x26: {  	v2 =	vld [tilespmem:s15+$0x10];
	s12 =	smul.u32 $0x10200, s31;
	[tilespmem:s14+$0x3870 ss:$0x81] =	vst.msk $0xffff, v0  }
0x27: {  	[tilespmem:s14+$0x810 ss:$0x81] =	vst.msk $0xffff, v3;
	v3 =	vld [tilespmem:s15+$0x20]  }
0x28: {  	s12 =	sshrl.u32 s12, $0x2;
	v0 =	vld [tilespmem:s15+$0xFFFFFFC0];
	[tilespmem:s14+$0x1020 ss:$0x81] =	vst.msk $0xffff, v4;
	s15 =	sadd.s32 $0x80, s15  }
0x29: {  	s16 =	simm.s32 $0x4;
	s17 =	simm.s32 $0x8;
	s12 =	sor.u32 $0x8000, s12;
	[tilespmem:s14+$0x1830 ss:$0x81] =	vst.msk $0xffff, v5;
	v4 =	vld [tilespmem:s15+$0x30]  }
.LBB1_3:
0x2a: {  	p1 =	sne.s32 s17, $0x1FC;
	v5 =	vld [tilespmem:s15+$0xFFFFFFD0];
	[tilespmem:s14+$0x2040 ss:$0x81] =	vst.msk $0xffff, v1  }
0x2b: {  	v6 =	vld [tilespmem:s15+$0xFFFFFFE0];
	[tilespmem:s14+$0x2850 ss:$0x81] =	vst.msk $0xffff, v2  }
0x2c: {  	s18 =	sshra.s32 s16, $0x2;
	s16 =	smov.u32 s17;
	v7 =	vld [tilespmem:s15+$0xFFFFFFF0];
	[tilespmem:s14+$0x3060 ss:$0x81] =	vst.msk $0xffff, v3  }
.Ltmp3:
0x2d: {  	v1 =	vld [tilespmem:s15+$0x0];
	[tilespmem:s14+$0x0 ss:$0x81] =	vst.msk $0xffff, v0;
	s14 =	sadd.s32 s18, s13;
	(pc) =	sbr.rel @p1 .LBB1_3-.Ltmp3, $4  }
0x2e: {  	v2 =	vld [tilespmem:s15+$0x10];
	[tilespmem:s14+$0x3870 ss:$0x81] =	vst.msk $0xffff, v4  }
0x2f: {  	[tilespmem:s14+$0x810 ss:$0x81] =	vst.msk $0xffff, v5;
	v3 =	vld [tilespmem:s15+$0x20]  }
0x30: {  	v0 =	vld [tilespmem:s15+$0xFFFFFFC0];
	[tilespmem:s14+$0x1020 ss:$0x81] =	vst.msk $0xffff, v6;
	s15 =	sadd.s32 $0x80, s15  }
0x31: {  	s17 =	sadd.s32 $0x4, s17;
	v4 =	vld [tilespmem:s15+$0x30];
	[tilespmem:s14+$0x1830 ss:$0x81] =	vst.msk $0xffff, v7  }
0x32: {  	v5 =	vld [tilespmem:s15+$0xFFFFFFD0];
	[tilespmem:s14+$0x2040 ss:$0x81] =	vst.msk $0xffff, v1  }
0x33: {  	v58 =	vld [tilespmem:s15+$0xFFFFFFE0];
	[tilespmem:s14+$0x2850 ss:$0x81] =	vst.msk $0xffff, v2  }
0x34: {  	s16 =	sshra.s32 s16, $0x2;
	v59 =	vld [tilespmem:s15+$0xFFFFFFF0];
	[tilespmem:s14+$0x3060 ss:$0x81] =	vst.msk $0xffff, v3  }
0x35: {  	v60 =	vld [tilespmem:s15+$0x0];
	s13 =	sadd.s32 s16, s13;
	[tilespmem:s14+$0x0 ss:$0x81] =	vst.msk $0xffff, v0  }
0x36: {  	v61 =	vld [tilespmem:s15+$0x10];
	[tilespmem:s13+$0x3870 ss:$0x81] =	vst.msk $0xffff, v4  }
0x37: {  	v62 =	vld [tilespmem:s15+$0x20];
	s27 =	sshll.u32 s11, $0x9;
	[tilespmem:s13+$0x810 ss:$0x81] =	vst.msk $0xffff, v5  }
0x38: {  	v63 =	vld [tilespmem:s15+$0xFFFFFFC0];
	s28 =	sshll.u32 s10, $0x3;
	s29 =	sshll.u32 s11, $0x7;
	s14 =	sand.u32 $0x1F000, s27;
	[tilespmem:s13+$0x1020 ss:$0x81] =	vst.msk $0xffff, v58  }
0x39: {  	s30 =	sand.u32 $0x78, s10;
	s11 =	sand.u32 $0x380, s29;
	s14 =	sadd.s32 s14, s28;
	[tilespmem:s13+$0x1830 ss:$0x81] =	vst.msk $0xffff, v59  }
.Ltmp4:
0x3a: {  	s11 =	sor.u32 s11, s30;
	[tilespmem:s13+$0x2040 ss:$0x81] =	vst.msk $0xffff, v60;
	s14 =	sand.u32 $0x1FC00, s14;
	(pc) =	sbr.rel .LBB1_5-.Ltmp4, $4  }
0x3b: {  	s31 =	sand.u32 $0x7, s10;
	[tilespmem:s13+$0x2850 ss:$0x81] =	vst.msk $0xffff, v61;
	s11 =	sor.u32 s14, s11  }
0x3c: {  	s10 =	sshll.u32 s31, $0x12;
	[tilespmem:s13+$0x3060 ss:$0x81] =	vst.msk $0xffff, v62;
	s11 =	sshrl.u32 s11, $0x3  }
0x3d: {  	s10 =	sor.u32 $0x80, s10;
	[tilespmem:s13+$0x0 ss:$0x81] =	vst.msk $0xffff, v63;
	s11 =	sadd.s32 s4, s11  }
0x3e: {  	[hbm4b:s11+s10] =	stream.strided.scatter [tilespmem:s12], [sflag:$0x2], $0x4000, s6, s10, $0x20;
	[tilespmem:$0x10100] =	vst v63  }
.LBB1_6:
0x3f: {  	_ =	sfence.sel $0x180000  }
0x40: {  	s2 =	simm.s32 $0x1;
	[bflag:$0x0] =	sbarrier.arrive $0xFFFF  }
0x41: {  	s31 =	simm.s32 $0x2;
	[sflag:s2] =	ssyncpa.u1 $0x1  }
0x42: {  	[sflag:s31] =	ssyncpa.u1 $0x1  }
0x43: {  	p0 =	sne.s32 s1, $0x0;
	_ =	strace $0x9000004A  }
0x44: {  	s0 =	sadd.s32 @!p0 $0x100000, s0;
	[bflag:$0x2] =	sbarrier.arrive $0xFFFF  }
0x45: {  	[sflag:s0] =	ssyncadd.tile.s32 @!p0 $0x1;
	_ =	shalt  }
.Lfunc_end1:
_tile_overlayer_lowered:
.L_overlay_start_2:
0x46: {  	(tag) =	ssettag $0x2  }
0x47: {  	s0 =	rddreg [dreg:$0x0];
	s2 =	stileid.u32  }
0x48: {  	s1 =	rddreg [dreg:$0x1];
	p0 =	sne.s32 s2, $0x0  }
0x49: {  	s3 =	rddreg [dreg:$0x2];
	[bflag:$0x3] =	sbarrier.arrive $0xFFFF;
	s2 =	simm.s32 @!p0 $0x1C01  }
0x4a: {  	[timem:s3], [sflag:s2] =	dma.local @!p0 [hbm:s0], s1  }
0x4b: {  	s0 =	simm.s32 @!p0 $0x1  }
0x4c: {  	_ =	swait.ge @!p0 [sflag:s0], s1  }
0x4d: {  	s1 =	ssub.s32 @!p0 $0x0, s1;
	[sflag:s0] =	ssyncset.done @!p0 $0x0  }
0x4e: {  	[sflag:s0] =	ssyncadd.s32 @!p0 s1  }
0x4f: {  	[bflag:$0x3] =	sbarrier.arrive $0xFFFF  }
0x50: {  	_ =	shalt  }

</sc_bundles>
